<compile_context>
chip_gen: v7x
topology: tpu7x:2x2x1
jax: 0.10.2.dev20260603
libtpu: 0.0.44.dev20260713+nightly
codegen_flags: <defaults>
</compile_context>

<pallas_src>
import functools

import jax
import jax.numpy as jnp
from jax import lax
from jax.experimental import pallas as pl
from jax.experimental.pallas import tpu as pltpu
from jax.experimental.pallas import tpu_sc as plsc

_NUM_CORES = 2
_NUM_SUBCORES = 16
_LANES = 16
_NW = _NUM_CORES * _NUM_SUBCORES

_B = 8
_C = 3
_H = 512
_W = 512
_N = _H * _W
_D = 33
_LUT_CH = _D * _D * _D
_LUT_ROW = _C * _LUT_CH
_LUT_WIN = _LUT_ROW + 13
_LUT_TOTAL = _B * _LUT_ROW
_LUT_SLICE = _LUT_CH + 8
_MAX_OFF = 2 * _LUT_CH + (_D * _D + _D + 1)
_LUT_BUF = (_MAX_OFF - _MAX_OFF % 8) + _LUT_SLICE + 7

_WPB = _NW // _B
_PPW = _N // _WPB
_RPW = _PPW // _W
_ROWS = 2
_CHUNK = _ROWS * _W
_NVEC = _CHUNK // _LANES
_NCHUNK = _RPW // _ROWS
_NOUTER = _NCHUNK // 2


def _lut_body(img_hbm, lut_hbm, out_hbm,
              lut_v, ina, inb, outa, outb, sia, sib, so):
    cid = lax.axis_index("c")
    sid = lax.axis_index("s")
    wid = sid * _NUM_CORES + cid
    b = wid // _WPB
    w = wid % _WPB

    row_off = b * _LUT_ROW
    start = pl.multiple_of(
        jnp.minimum(row_off - lax.rem(row_off, 8), _LUT_TOTAL - _LUT_WIN), 8)
    d = row_off - start

    row0 = w * _RPW

    def issue_in(row, bufs, sem):
        for ch in range(_C):
            pltpu.async_copy(img_hbm.at[b, ch, pl.ds(row, _ROWS), :],
                             bufs[ch], sem)

    def drain(bufs, sem):
        for ch in range(_C):
            pltpu.make_async_copy(img_hbm.at[0, 0, pl.ds(0, _ROWS), :],
                                  bufs[ch], sem).wait()

    def issue_out(row, bufs):
        for ch in range(_C):
            pltpu.async_copy(bufs[ch],
                             out_hbm.at[b, ch, pl.ds(row, _ROWS), :], so)

    def compute(src, dst):
        @plsc.parallel_loop(0, _NVEC // _ROWS, 1, unroll=1)
        def _vec(j):
            p = j * _LANES
            for rr in range(_ROWS):
                sl = pl.ds(p, _LANES)
                r = src[0][rr, sl]
                g = src[1][rr, sl]
                bl = src[2][rr, sl]
                x = r * 32.0
                y = g * 32.0
                z = bl * 32.0
                x0 = x.astype(jnp.int32)
                y0 = y.astype(jnp.int32)
                z0 = z.astype(jnp.int32)
                wx = x - x0.astype(jnp.float32)
                wy = y - y0.astype(jnp.float32)
                wz = z - z0.astype(jnp.float32)
                idx = (z0 * _D + y0) * _D + (x0 + d)
                ux = 1.0 - wx
                uy = 1.0 - wy
                uz = 1.0 - wz
                a00 = uz * uy
                a01 = uz * wy
                a10 = wz * uy
                a11 = wz * wy
                w000 = a00 * ux
                w001 = a00 * wx
                w010 = a01 * ux
                w011 = a01 * wx
                w100 = a10 * ux
                w101 = a10 * wx
                w110 = a11 * ux
                w111 = a11 * wx
                corners = (
                    (0, w000), (1, w001), (_D, w010), (_D + 1, w011),
                    (_D * _D, w100), (_D * _D + 1, w101),
                    (_D * _D + _D, w110), (_D * _D + _D + 1, w111),
                )
                idx_r = {0: idx}
                for ch in range(_C):
                    o = ch * _LUT_CH
                    t = []
                    for co, wv in corners:
                        full = o + co
                        res = full % 8
                        if res not in idx_r:
                            idx_r[res] = idx + res
                        g = plsc.load_gather(
                            lut_v.at[pl.ds(full - res, _LUT_SLICE)],
                            [idx_r[res]])
                        t.append(g * wv)
                    acc = (((t[0] + t[1]) + (t[2] + t[3]))
                           + ((t[4] + t[5]) + (t[6] + t[7])))
                    dst[ch][rr, sl] = acc

    issue_in(row0, ina, sia)
    pltpu.sync_copy(lut_hbm.at[pl.ds(start, _LUT_WIN)],
                    lut_v.at[pl.ds(0, _LUT_WIN)])

    @pl.loop(0, _NOUTER)
    def _outer(t):
        row_a = row0 + (2 * t) * _ROWS
        row_b = row_a + _ROWS
        issue_in(row_b, inb, sib)

        @pl.when(t > 0)
        def _():
            drain(outa, so)
            drain(outb, so)

        drain(ina, sia)
        compute(ina, outa)
        issue_out(row_a, outa)

        @pl.when(t < _NOUTER - 1)
        def _():
            issue_in(row_b + _ROWS, ina, sia)

        drain(inb, sib)
        compute(inb, outb)
        issue_out(row_b, outb)

    drain(outa, so)
    drain(outb, so)


def _vmem_chunk():
    return pltpu.VMEM((_ROWS, _W), jnp.float32)


_lut_apply = functools.partial(
    pl.kernel,
    out_type=jax.ShapeDtypeStruct((_B, _C, _H, _W), jnp.float32),
    mesh=plsc.VectorSubcoreMesh(
        core_axis_name="c", subcore_axis_name="s",
        num_cores=_NUM_CORES, num_subcores=_NUM_SUBCORES),
    compiler_params=pltpu.CompilerParams(needs_layout_passes=False),
    scratch_types=[
        pltpu.VMEM((_LUT_BUF,), jnp.float32),
        [_vmem_chunk() for _ in range(_C)],
        [_vmem_chunk() for _ in range(_C)],
        [_vmem_chunk() for _ in range(_C)],
        [_vmem_chunk() for _ in range(_C)],
        pltpu.SemaphoreType.DMA,
        pltpu.SemaphoreType.DMA,
        pltpu.SemaphoreType.DMA,
    ],
)(_lut_body)


def kernel(image, lut):
    return _lut_apply(image, lut.reshape(-1))

# --- scband reference (transcript-rebuilt; emitter-appended) ---
"""Pipeline reference for scband-lutapplier-7086696038792 (READ-ONLY COPY).

The authoritative reference and input builder live on the scoring server;
editing this copy changes nothing except your own understanding.
"""

import jax, jax.numpy as jnp
import numpy as np


def setup_inputs(seed: int = 0) -> dict:
    key = jax.random.key(seed)
    k1, k2 = jax.random.split(key)
    image = jax.random.uniform(k1, (8, 3, 512, 512), dtype=jnp.float32)
    lut = jax.random.normal(k2, (8, 3, 33, 33, 33), dtype=jnp.float32)
    return {"image": image, "lut": lut}


def _grid_sample_3d(lut, grid):
    # lut: (B, C, D, H, W); grid: (B, N, 3), last dim = (x, y, z) in [-1, 1]
    # mode='bilinear' (trilinear for 5D), padding_mode='border', align_corners=True
    B, C, D, H, W = lut.shape
    gx = grid[..., 0]
    gy = grid[..., 1]
    gz = grid[..., 2]
    # align_corners=True unnormalization
    x = (gx + 1.0) * 0.5 * (W - 1)
    y = (gy + 1.0) * 0.5 * (H - 1)
    z = (gz + 1.0) * 0.5 * (D - 1)
    # border padding: clamp coordinates into valid range
    x = jnp.clip(x, 0.0, W - 1)
    y = jnp.clip(y, 0.0, H - 1)
    z = jnp.clip(z, 0.0, D - 1)
    x0f = jnp.floor(x)
    y0f = jnp.floor(y)
    z0f = jnp.floor(z)
    wx = x - x0f
    wy = y - y0f
    wz = z - z0f
    x0 = x0f.astype(jnp.int32)
    y0 = y0f.astype(jnp.int32)
    z0 = z0f.astype(jnp.int32)
    x1 = jnp.minimum(x0 + 1, W - 1)
    y1 = jnp.minimum(y0 + 1, H - 1)
    z1 = jnp.minimum(z0 + 1, D - 1)
    lut_flat = lut.reshape(B, C, D * H * W)
    N = grid.shape[1]

    def gather(zi, yi, xi):
        idx = zi * (H * W) + yi * W + xi  # (B, N)
        idx_b = jnp.broadcast_to(idx[:, None, :], (B, C, N))
        return jnp.take_along_axis(lut_flat, idx_b, axis=2)  # (B, C, N)

    c000 = gather(z0, y0, x0)
    c001 = gather(z0, y0, x1)
    c010 = gather(z0, y1, x0)
    c011 = gather(z0, y1, x1)
    c100 = gather(z1, y0, x0)
    c101 = gather(z1, y0, x1)
    c110 = gather(z1, y1, x0)
    c111 = gather(z1, y1, x1)

    wx_ = wx[:, None, :]
    wy_ = wy[:, None, :]
    wz_ = wz[:, None, :]

    out = (c000 * (1 - wz_) * (1 - wy_) * (1 - wx_)
           + c001 * (1 - wz_) * (1 - wy_) * wx_
           + c010 * (1 - wz_) * wy_ * (1 - wx_)
           + c011 * (1 - wz_) * wy_ * wx_
           + c100 * wz_ * (1 - wy_) * (1 - wx_)
           + c101 * wz_ * (1 - wy_) * wx_
           + c110 * wz_ * wy_ * (1 - wx_)
           + c111 * wz_ * wy_ * wx_)
    return out  # (B, C, N)


def reference(image, lut):
    B, C, H, W = image.shape
    # permute to (B, H, W, 3), scale to [-1, 1], view as (B, H*W, 3)
    grid = jnp.transpose(image, (0, 2, 3, 1)) * 2.0 - 1.0
    grid = grid.reshape(B, H * W, 3)
    out = _grid_sample_3d(lut, grid)  # (B, C, H*W)
    return out.reshape(B, C, H, W)

if __name__ == "__main__":
    import jax
    _d = setup_inputs()
    print(jax.jit(kernel)(*tuple(_d.values())))

</pallas_src>

<mosaic_0001>
#map = affine_map<(d0, d1) -> (0, 0, 0, 0)>
#map1 = affine_map<(d0, d1) -> (0)>
module attributes {stable_mosaic.version = 14 : i64} {
  func.func @_lut_body(%arg0: i32, %arg1: i32, %arg2: memref<8x3x512x512xf32, #tpu.memory_space<hbm>>, %arg3: memref<862488xf32, #tpu.memory_space<hbm>>, %arg4: memref<8x3x512x512xf32, #tpu.memory_space<hbm>>, %arg5: memref<108944xf32, #tpu.memory_space<vmem>>, %arg6: memref<2x512xf32, #tpu.memory_space<vmem>>, %arg7: memref<2x512xf32, #tpu.memory_space<vmem>>, %arg8: memref<2x512xf32, #tpu.memory_space<vmem>>, %arg9: memref<2x512xf32, #tpu.memory_space<vmem>>, %arg10: memref<2x512xf32, #tpu.memory_space<vmem>>, %arg11: memref<2x512xf32, #tpu.memory_space<vmem>>, %arg12: memref<2x512xf32, #tpu.memory_space<vmem>>, %arg13: memref<2x512xf32, #tpu.memory_space<vmem>>, %arg14: memref<2x512xf32, #tpu.memory_space<vmem>>, %arg15: memref<2x512xf32, #tpu.memory_space<vmem>>, %arg16: memref<2x512xf32, #tpu.memory_space<vmem>>, %arg17: memref<2x512xf32, #tpu.memory_space<vmem>>, %arg18: memref<!tpu.dma_semaphore, #tpu.memory_space<semaphore_mem>>, %arg19: memref<!tpu.dma_semaphore, #tpu.memory_space<semaphore_mem>>, %arg20: memref<!tpu.dma_semaphore, #tpu.memory_space<semaphore_mem>>) attributes {dimension_semantics = [#tpu.dimension_semantics<core_parallel>, #tpu.dimension_semantics<subcore_parallel>], iteration_bounds = array<i64: 2, 16>, scalar_prefetch = 0 : i64, scratch_operands = 16 : i64, tpu.core_type = #tpu.core_type<sc_vector_subcore>, window_params = [{transform_indices = #map}, {transform_indices = #map1}, {transform_indices = #map}]} {
    %mul3A = arith.constant 2 : i32
    %mul3A_0 = arith.muli %arg1, %mul3A : i32
    %add3A = arith.addi %mul3A_0, %arg0 : i32
    %jit3A = arith.constant 4 : i32
    %div3A = arith.divsi %add3A, %jit3A : i32
    %sign3A = arith.constant 0 : i32
    %sign3A_1 = arith.cmpi sgt, %add3A, %sign3A : i32
    %sign3A_2 = arith.extui %sign3A_1 : i1 to i32
    %sign3A_3 = arith.constant 0 : i32
    %sign3A_4 = arith.cmpi slt, %add3A, %sign3A_3 : i32
    %sign3A_5 = arith.extui %sign3A_4 : i1 to i32
    %sign3A_6 = arith.subi %sign3A_2, %sign3A_5 : i32
    %sign3A_7 = arith.constant 0 : i32
    %sign3A_8 = arith.cmpi sgt, %jit3A, %sign3A_7 : i32
    %sign3A_9 = arith.extui %sign3A_8 : i1 to i32
    %sign3A_10 = arith.constant 0 : i32
    %sign3A_11 = arith.cmpi slt, %jit3A, %sign3A_10 : i32
    %sign3A_12 = arith.extui %sign3A_11 : i1 to i32
    %sign3A_13 = arith.subi %sign3A_9, %sign3A_12 : i32
    %ne3A = arith.cmpi ne, %sign3A_6, %sign3A_13 : i32
    %rem3A = arith.remsi %add3A, %jit3A : i32
    %ne3A_14 = arith.constant 0 : i32
    %ne3A_15 = arith.cmpi ne, %rem3A, %ne3A_14 : i32
    %and3A = arith.andi %ne3A, %ne3A_15 : i1
    %sub3A = arith.constant 1 : i32
    %sub3A_16 = arith.subi %div3A, %sub3A : i32
    %select_n3A = arith.select %and3A, %sub3A_16, %div3A : i32
    %jit3A_17 = arith.constant 4 : i32
    %eq3A = arith.constant 0 : i32
    %eq3A_18 = arith.cmpi eq, %jit3A_17, %eq3A : i32
    %jit3A_19 = arith.constant 1 : i32
    %select_n3A_20 = arith.select %eq3A_18, %jit3A_19, %jit3A_17 : i32
    %rem3A_21 = arith.remsi %add3A, %select_n3A_20 : i32
    %ne3A_22 = arith.constant 0 : i32
    %ne3A_23 = arith.cmpi ne, %rem3A_21, %ne3A_22 : i32
    %lt3A = arith.constant 0 : i32
    %lt3A_24 = arith.cmpi slt, %rem3A_21, %lt3A : i32
    %lt3A_25 = arith.constant 0 : i32
    %lt3A_26 = arith.cmpi slt, %select_n3A_20, %lt3A_25 : i32
    %ne3A_27 = arith.xori %lt3A_24, %lt3A_26 : i1
    %and3A_28 = arith.andi %ne3A_27, %ne3A_23 : i1
    %add3A_29 = arith.addi %rem3A_21, %select_n3A_20 : i32
    %select_n3A_30 = arith.select %and3A_28, %add3A_29, %rem3A_21 : i32
    %mul3A_31 = arith.constant 107811 : i32
    %mul3A_32 = arith.muli %select_n3A, %mul3A_31 : i32
    %rem3A_33 = arith.constant 8 : i32
    %rem3A_34 = arith.remsi %mul3A_32, %rem3A_33 : i32
    %sub3A_35 = arith.subi %mul3A_32, %rem3A_34 : i32
    %min3A = arith.constant 754664 : i32
    %min3A_36 = arith.minsi %sub3A_35, %min3A : i32
    %multiple_of3A = tpu.assume_multiple %min3A_36, 8 : i32
    %sub3A_37 = arith.subi %mul3A_32, %multiple_of3A : i32
    %mul3A_38 = arith.constant 128 : i32
    %mul3A_39 = arith.muli %select_n3A_30, %mul3A_38 : i32
    %dma_start3A = arith.constant 0 : i32
    %dma_start3A_40 = arith.constant 0 : i32
    %dma_start3A_41 = tpu.memref_slice %arg2[%select_n3A, %dma_start3A, %mul3A_39, %dma_start3A_40] : memref<8x3x512x512xf32, #tpu.memory_space<hbm>> -> memref<1x1x2x512xf32, #tpu.memory_space<hbm>>
    %dma_start3A_42 = tpu.memref_squeeze %dma_start3A_41 : memref<1x1x2x512xf32, #tpu.memory_space<hbm>> -> memref<2x512xf32, #tpu.memory_space<hbm>>
    %dma_start3A_43 = arith.constant 0 : i32
    %dma_start3A_44 = tpu.memref_slice %arg2[%select_n3A, %dma_start3A, %mul3A_39, %dma_start3A_43] : memref<8x3x512x512xf32, #tpu.memory_space<hbm>> -> memref<1x1x2x512xf32, #tpu.memory_space<hbm>>
    %dma_start3A_45 = tpu.memref_squeeze %dma_start3A_44 : memref<1x1x2x512xf32, #tpu.memory_space<hbm>> -> memref<2x512xf32, #tpu.memory_space<hbm>>
    tpu.enqueue_dma source(%dma_start3A_45 : memref<2x512xf32, #tpu.memory_space<hbm>>) target(%arg6 : memref<2x512xf32, #tpu.memory_space<vmem>>) target_semaphore(%arg18 : memref<!tpu.dma_semaphore, #tpu.memory_space<semaphore_mem>>)
    %dma_start3A_46 = arith.constant 1 : i32
    %dma_start3A_47 = arith.constant 0 : i32
    %dma_start3A_48 = tpu.memref_slice %arg2[%select_n3A, %dma_start3A_46, %mul3A_39, %dma_start3A_47] : memref<8x3x512x512xf32, #tpu.memory_space<hbm>> -> memref<1x1x2x512xf32, #tpu.memory_space<hbm>>
    %dma_start3A_49 = tpu.memref_squeeze %dma_start3A_48 : memref<1x1x2x512xf32, #tpu.memory_space<hbm>> -> memref<2x512xf32, #tpu.memory_space<hbm>>
    %dma_start3A_50 = arith.constant 0 : i32
    %dma_start3A_51 = tpu.memref_slice %arg2[%select_n3A, %dma_start3A_46, %mul3A_39, %dma_start3A_50] : memref<8x3x512x512xf32, #tpu.memory_space<hbm>> -> memref<1x1x2x512xf32, #tpu.memory_space<hbm>>
    %dma_start3A_52 = tpu.memref_squeeze %dma_start3A_51 : memref<1x1x2x512xf32, #tpu.memory_space<hbm>> -> memref<2x512xf32, #tpu.memory_space<hbm>>
    tpu.enqueue_dma source(%dma_start3A_52 : memref<2x512xf32, #tpu.memory_space<hbm>>) target(%arg7 : memref<2x512xf32, #tpu.memory_space<vmem>>) target_semaphore(%arg18 : memref<!tpu.dma_semaphore, #tpu.memory_space<semaphore_mem>>)
    %dma_start3A_53 = arith.constant 2 : i32
    %dma_start3A_54 = arith.constant 0 : i32
    %dma_start3A_55 = tpu.memref_slice %arg2[%select_n3A, %dma_start3A_53, %mul3A_39, %dma_start3A_54] : memref<8x3x512x512xf32, #tpu.memory_space<hbm>> -> memref<1x1x2x512xf32, #tpu.memory_space<hbm>>
    %dma_start3A_56 = tpu.memref_squeeze %dma_start3A_55 : memref<1x1x2x512xf32, #tpu.memory_space<hbm>> -> memref<2x512xf32, #tpu.memory_space<hbm>>
    %dma_start3A_57 = arith.constant 0 : i32
    %dma_start3A_58 = tpu.memref_slice %arg2[%select_n3A, %dma_start3A_53, %mul3A_39, %dma_start3A_57] : memref<8x3x512x512xf32, #tpu.memory_space<hbm>> -> memref<1x1x2x512xf32, #tpu.memory_space<hbm>>
    %dma_start3A_59 = tpu.memref_squeeze %dma_start3A_58 : memref<1x1x2x512xf32, #tpu.memory_space<hbm>> -> memref<2x512xf32, #tpu.memory_space<hbm>>
    tpu.enqueue_dma source(%dma_start3A_59 : memref<2x512xf32, #tpu.memory_space<hbm>>) target(%arg8 : memref<2x512xf32, #tpu.memory_space<vmem>>) target_semaphore(%arg18 : memref<!tpu.dma_semaphore, #tpu.memory_space<semaphore_mem>>)
    "tpu.region"() ({
      %run_scoped3A = tpu.sem_alloc : memref<!tpu.dma_semaphore, #tpu.memory_space<semaphore_mem>>
      %dma_start3A_123 = arith.constant 0 : i32
      %dma_start3A_124 = tpu.memref_slice %arg5[%dma_start3A_123] : memref<108944xf32, #tpu.memory_space<vmem>> -> memref<107824xf32, #tpu.memory_space<vmem>>
      %dma_start3A_125 = tpu.memref_slice %arg3[%multiple_of3A] : memref<862488xf32, #tpu.memory_space<hbm>> -> memref<107824xf32, #tpu.memory_space<hbm>>
      %dma_start3A_126 = arith.constant 0 : i32
      %dma_start3A_127 = tpu.memref_slice %arg5[%dma_start3A_126] : memref<108944xf32, #tpu.memory_space<vmem>> -> memref<107824xf32, #tpu.memory_space<vmem>>
      %dma_start3A_128 = tpu.memref_slice %arg3[%multiple_of3A] : memref<862488xf32, #tpu.memory_space<hbm>> -> memref<107824xf32, #tpu.memory_space<hbm>>
      tpu.enqueue_dma source(%dma_start3A_128 : memref<107824xf32, #tpu.memory_space<hbm>>) target(%dma_start3A_127 : memref<107824xf32, #tpu.memory_space<vmem>>) target_semaphore(%run_scoped3A : memref<!tpu.dma_semaphore, #tpu.memory_space<semaphore_mem>>)
      %dma_wait3A_129 = arith.constant 0 : i32
      %dma_wait3A_130 = tpu.memref_slice %arg5[%dma_wait3A_129] : memref<108944xf32, #tpu.memory_space<vmem>> -> memref<107824xf32, #tpu.memory_space<vmem>>
      %dma_wait3A_131 = tpu.memref_slice %arg3[%multiple_of3A] : memref<862488xf32, #tpu.memory_space<hbm>> -> memref<107824xf32, #tpu.memory_space<hbm>>
      %dma_wait3A_132 = arith.constant 0 : i32
      %dma_wait3A_133 = tpu.memref_slice %arg5[%dma_wait3A_132] : memref<108944xf32, #tpu.memory_space<vmem>> -> memref<107824xf32, #tpu.memory_space<vmem>>
      %dma_wait3A_134 = tpu.memref_slice %arg3[%multiple_of3A] : memref<862488xf32, #tpu.memory_space<hbm>> -> memref<107824xf32, #tpu.memory_space<hbm>>
      tpu.wait_dma2 semaphore(%run_scoped3A : memref<!tpu.dma_semaphore, #tpu.memory_space<semaphore_mem>>) src(%dma_wait3A_134 : memref<107824xf32, #tpu.memory_space<hbm>>) dst(%dma_wait3A_133 : memref<107824xf32, #tpu.memory_space<vmem>>)
      tpu.yield
    }) : () -> ()
    %scan3A = arith.constant 0 : i32
    %scan3A_60 = arith.constant 32 : i32
    %scan3A_61 = arith.addi %scan3A, %scan3A_60 : i32
    %scan3A_62 = arith.constant 1 : i32
    scf.for %scan3A_123 = %scan3A to %scan3A_61 step %scan3A_62  : i32 {
      %mul3A_124 = arith.constant 1 : i32
      %mul3A_125 = arith.muli %scan3A_123, %mul3A_124 : i32
      %add3A_126 = arith.constant 0 : i32
      %add3A_127 = arith.addi %add3A_126, %mul3A_125 : i32
      %mul3A_128 = arith.constant 2 : i32
      %mul3A_129 = arith.muli %mul3A_128, %add3A_127 : i32
      %mul3A_130 = arith.constant 2 : i32
      %mul3A_131 = arith.muli %mul3A_129, %mul3A_130 : i32
      %add3A_132 = arith.addi %mul3A_39, %mul3A_131 : i32
      %add3A_133 = arith.constant 2 : i32
      %add3A_134 = arith.addi %add3A_132, %add3A_133 : i32
      %dma_start3A_135 = arith.constant 0 : i32
      %dma_start3A_136 = arith.constant 0 : i32
      %dma_start3A_137 = tpu.memref_slice %arg2[%select_n3A, %dma_start3A_135, %add3A_134, %dma_start3A_136] : memref<8x3x512x512xf32, #tpu.memory_space<hbm>> -> memref<1x1x2x512xf32, #tpu.memory_space<hbm>>
      %dma_start3A_138 = tpu.memref_squeeze %dma_start3A_137 : memref<1x1x2x512xf32, #tpu.memory_space<hbm>> -> memref<2x512xf32, #tpu.memory_space<hbm>>
      %dma_start3A_139 = arith.constant 0 : i32
      %dma_start3A_140 = tpu.memref_slice %arg2[%select_n3A, %dma_start3A_135, %add3A_134, %dma_start3A_139] : memref<8x3x512x512xf32, #tpu.memory_space<hbm>> -> memref<1x1x2x512xf32, #tpu.memory_space<hbm>>
      %dma_start3A_141 = tpu.memref_squeeze %dma_start3A_140 : memref<1x1x2x512xf32, #tpu.memory_space<hbm>> -> memref<2x512xf32, #tpu.memory_space<hbm>>
      tpu.enqueue_dma source(%dma_start3A_141 : memref<2x512xf32, #tpu.memory_space<hbm>>) target(%arg9 : memref<2x512xf32, #tpu.memory_space<vmem>>) target_semaphore(%arg19 : memref<!tpu.dma_semaphore, #tpu.memory_space<semaphore_mem>>)
      %dma_start3A_142 = arith.constant 1 : i32
      %dma_start3A_143 = arith.constant 0 : i32
      %dma_start3A_144 = tpu.memref_slice %arg2[%select_n3A, %dma_start3A_142, %add3A_134, %dma_start3A_143] : memref<8x3x512x512xf32, #tpu.memory_space<hbm>> -> memref<1x1x2x512xf32, #tpu.memory_space<hbm>>
      %dma_start3A_145 = tpu.memref_squeeze %dma_start3A_144 : memref<1x1x2x512xf32, #tpu.memory_space<hbm>> -> memref<2x512xf32, #tpu.memory_space<hbm>>
      %dma_start3A_146 = arith.constant 0 : i32
      %dma_start3A_147 = tpu.memref_slice %arg2[%select_n3A, %dma_start3A_142, %add3A_134, %dma_start3A_146] : memref<8x3x512x512xf32, #tpu.memory_space<hbm>> -> memref<1x1x2x512xf32, #tpu.memory_space<hbm>>
      %dma_start3A_148 = tpu.memref_squeeze %dma_start3A_147 : memref<1x1x2x512xf32, #tpu.memory_space<hbm>> -> memref<2x512xf32, #tpu.memory_space<hbm>>
      tpu.enqueue_dma source(%dma_start3A_148 : memref<2x512xf32, #tpu.memory_space<hbm>>) target(%arg10 : memref<2x512xf32, #tpu.memory_space<vmem>>) target_semaphore(%arg19 : memref<!tpu.dma_semaphore, #tpu.memory_space<semaphore_mem>>)
      %dma_start3A_149 = arith.constant 2 : i32
      %dma_start3A_150 = arith.constant 0 : i32
      %dma_start3A_151 = tpu.memref_slice %arg2[%select_n3A, %dma_start3A_149, %add3A_134, %dma_start3A_150] : memref<8x3x512x512xf32, #tpu.memory_space<hbm>> -> memref<1x1x2x512xf32, #tpu.memory_space<hbm>>
      %dma_start3A_152 = tpu.memref_squeeze %dma_start3A_151 : memref<1x1x2x512xf32, #tpu.memory_space<hbm>> -> memref<2x512xf32, #tpu.memory_space<hbm>>
      %dma_start3A_153 = arith.constant 0 : i32
      %dma_start3A_154 = tpu.memref_slice %arg2[%select_n3A, %dma_start3A_149, %add3A_134, %dma_start3A_153] : memref<8x3x512x512xf32, #tpu.memory_space<hbm>> -> memref<1x1x2x512xf32, #tpu.memory_space<hbm>>
      %dma_start3A_155 = tpu.memref_squeeze %dma_start3A_154 : memref<1x1x2x512xf32, #tpu.memory_space<hbm>> -> memref<2x512xf32, #tpu.memory_space<hbm>>
      tpu.enqueue_dma source(%dma_start3A_155 : memref<2x512xf32, #tpu.memory_space<hbm>>) target(%arg11 : memref<2x512xf32, #tpu.memory_space<vmem>>) target_semaphore(%arg19 : memref<!tpu.dma_semaphore, #tpu.memory_space<semaphore_mem>>)
      %gt3A = arith.constant 0 : i32
      %gt3A_156 = arith.cmpi sgt, %add3A_127, %gt3A : i32
      %convert_element_type3A = arith.extui %gt3A_156 : i1 to i32
      %cond3A = arith.constant 0 : i32
      %cond3A_157 = arith.cmpi ne, %convert_element_type3A, %cond3A : i32
      scf.if %cond3A_157 {
        %dma_wait3A_270 = arith.constant 0 : i32
        %dma_wait3A_271 = arith.constant 0 : i32
        %dma_wait3A_272 = arith.constant 0 : i32
        %dma_wait3A_273 = arith.constant 0 : i32
        %dma_wait3A_274 = tpu.memref_slice %arg2[%dma_wait3A_270, %dma_wait3A_271, %dma_wait3A_272, %dma_wait3A_273] : memref<8x3x512x512xf32, #tpu.memory_space<hbm>> -> memref<1x1x2x512xf32, #tpu.memory_space<hbm>>
        %dma_wait3A_275 = tpu.memref_squeeze %dma_wait3A_274 : memref<1x1x2x512xf32, #tpu.memory_space<hbm>> -> memref<2x512xf32, #tpu.memory_space<hbm>>
        %dma_wait3A_276 = arith.constant 0 : i32
        %dma_wait3A_277 = arith.constant 0 : i32
        %dma_wait3A_278 = tpu.memref_slice %arg2[%dma_wait3A_270, %dma_wait3A_271, %dma_wait3A_276, %dma_wait3A_277] : memref<8x3x512x512xf32, #tpu.memory_space<hbm>> -> memref<1x1x2x512xf32, #tpu.memory_space<hbm>>
        %dma_wait3A_279 = tpu.memref_squeeze %dma_wait3A_278 : memref<1x1x2x512xf32, #tpu.memory_space<hbm>> -> memref<2x512xf32, #tpu.memory_space<hbm>>
        tpu.wait_dma2 semaphore(%arg20 : memref<!tpu.dma_semaphore, #tpu.memory_space<semaphore_mem>>) src(%dma_wait3A_279 : memref<2x512xf32, #tpu.memory_space<hbm>>) dst(%arg12 : memref<2x512xf32, #tpu.memory_space<vmem>>)
        %dma_wait3A_280 = arith.constant 0 : i32
        %dma_wait3A_281 = arith.constant 0 : i32
        %dma_wait3A_282 = arith.constant 0 : i32
        %dma_wait3A_283 = arith.constant 0 : i32
        %dma_wait3A_284 = tpu.memref_slice %arg2[%dma_wait3A_280, %dma_wait3A_281, %dma_wait3A_282, %dma_wait3A_283] : memref<8x3x512x512xf32, #tpu.memory_space<hbm>> -> memref<1x1x2x512xf32, #tpu.memory_space<hbm>>
        %dma_wait3A_285 = tpu.memref_squeeze %dma_wait3A_284 : memref<1x1x2x512xf32, #tpu.memory_space<hbm>> -> memref<2x512xf32, #tpu.memory_space<hbm>>
        %dma_wait3A_286 = arith.constant 0 : i32
        %dma_wait3A_287 = arith.constant 0 : i32
        %dma_wait3A_288 = tpu.memref_slice %arg2[%dma_wait3A_280, %dma_wait3A_281, %dma_wait3A_286, %dma_wait3A_287] : memref<8x3x512x512xf32, #tpu.memory_space<hbm>> -> memref<1x1x2x512xf32, #tpu.memory_space<hbm>>
        %dma_wait3A_289 = tpu.memref_squeeze %dma_wait3A_288 : memref<1x1x2x512xf32, #tpu.memory_space<hbm>> -> memref<2x512xf32, #tpu.memory_space<hbm>>
        tpu.wait_dma2 semaphore(%arg20 : memref<!tpu.dma_semaphore, #tpu.memory_space<semaphore_mem>>) src(%dma_wait3A_289 : memref<2x512xf32, #tpu.memory_space<hbm>>) dst(%arg13 : memref<2x512xf32, #tpu.memory_space<vmem>>)
        %dma_wait3A_290 = arith.constant 0 : i32
        %dma_wait3A_291 = arith.constant 0 : i32
        %dma_wait3A_292 = arith.constant 0 : i32
        %dma_wait3A_293 = arith.constant 0 : i32
        %dma_wait3A_294 = tpu.memref_slice %arg2[%dma_wait3A_290, %dma_wait3A_291, %dma_wait3A_292, %dma_wait3A_293] : memref<8x3x512x512xf32, #tpu.memory_space<hbm>> -> memref<1x1x2x512xf32, #tpu.memory_space<hbm>>
        %dma_wait3A_295 = tpu.memref_squeeze %dma_wait3A_294 : memref<1x1x2x512xf32, #tpu.memory_space<hbm>> -> memref<2x512xf32, #tpu.memory_space<hbm>>
        %dma_wait3A_296 = arith.constant 0 : i32
        %dma_wait3A_297 = arith.constant 0 : i32
        %dma_wait3A_298 = tpu.memref_slice %arg2[%dma_wait3A_290, %dma_wait3A_291, %dma_wait3A_296, %dma_wait3A_297] : memref<8x3x512x512xf32, #tpu.memory_space<hbm>> -> memref<1x1x2x512xf32, #tpu.memory_space<hbm>>
        %dma_wait3A_299 = tpu.memref_squeeze %dma_wait3A_298 : memref<1x1x2x512xf32, #tpu.memory_space<hbm>> -> memref<2x512xf32, #tpu.memory_space<hbm>>
        tpu.wait_dma2 semaphore(%arg20 : memref<!tpu.dma_semaphore, #tpu.memory_space<semaphore_mem>>) src(%dma_wait3A_299 : memref<2x512xf32, #tpu.memory_space<hbm>>) dst(%arg14 : memref<2x512xf32, #tpu.memory_space<vmem>>)
        %dma_wait3A_300 = arith.constant 0 : i32
        %dma_wait3A_301 = arith.constant 0 : i32
        %dma_wait3A_302 = arith.constant 0 : i32
        %dma_wait3A_303 = arith.constant 0 : i32
        %dma_wait3A_304 = tpu.memref_slice %arg2[%dma_wait3A_300, %dma_wait3A_301, %dma_wait3A_302, %dma_wait3A_303] : memref<8x3x512x512xf32, #tpu.memory_space<hbm>> -> memref<1x1x2x512xf32, #tpu.memory_space<hbm>>
        %dma_wait3A_305 = tpu.memref_squeeze %dma_wait3A_304 : memref<1x1x2x512xf32, #tpu.memory_space<hbm>> -> memref<2x512xf32, #tpu.memory_space<hbm>>
        %dma_wait3A_306 = arith.constant 0 : i32
        %dma_wait3A_307 = arith.constant 0 : i32
        %dma_wait3A_308 = tpu.memref_slice %arg2[%dma_wait3A_300, %dma_wait3A_301, %dma_wait3A_306, %dma_wait3A_307] : memref<8x3x512x512xf32, #tpu.memory_space<hbm>> -> memref<1x1x2x512xf32, #tpu.memory_space<hbm>>
        %dma_wait3A_309 = tpu.memref_squeeze %dma_wait3A_308 : memref<1x1x2x512xf32, #tpu.memory_space<hbm>> -> memref<2x512xf32, #tpu.memory_space<hbm>>
        tpu.wait_dma2 semaphore(%arg20 : memref<!tpu.dma_semaphore, #tpu.memory_space<semaphore_mem>>) src(%dma_wait3A_309 : memref<2x512xf32, #tpu.memory_space<hbm>>) dst(%arg15 : memref<2x512xf32, #tpu.memory_space<vmem>>)
        %dma_wait3A_310 = arith.constant 0 : i32
        %dma_wait3A_311 = arith.constant 0 : i32
        %dma_wait3A_312 = arith.constant 0 : i32
        %dma_wait3A_313 = arith.constant 0 : i32
        %dma_wait3A_314 = tpu.memref_slice %arg2[%dma_wait3A_310, %dma_wait3A_311, %dma_wait3A_312, %dma_wait3A_313] : memref<8x3x512x512xf32, #tpu.memory_space<hbm>> -> memref<1x1x2x512xf32, #tpu.memory_space<hbm>>
        %dma_wait3A_315 = tpu.memref_squeeze %dma_wait3A_314 : memref<1x1x2x512xf32, #tpu.memory_space<hbm>> -> memref<2x512xf32, #tpu.memory_space<hbm>>
        %dma_wait3A_316 = arith.constant 0 : i32
        %dma_wait3A_317 = arith.constant 0 : i32
        %dma_wait3A_318 = tpu.memref_slice %arg2[%dma_wait3A_310, %dma_wait3A_311, %dma_wait3A_316, %dma_wait3A_317] : memref<8x3x512x512xf32, #tpu.memory_space<hbm>> -> memref<1x1x2x512xf32, #tpu.memory_space<hbm>>
        %dma_wait3A_319 = tpu.memref_squeeze %dma_wait3A_318 : memref<1x1x2x512xf32, #tpu.memory_space<hbm>> -> memref<2x512xf32, #tpu.memory_space<hbm>>
        tpu.wait_dma2 semaphore(%arg20 : memref<!tpu.dma_semaphore, #tpu.memory_space<semaphore_mem>>) src(%dma_wait3A_319 : memref<2x512xf32, #tpu.memory_space<hbm>>) dst(%arg16 : memref<2x512xf32, #tpu.memory_space<vmem>>)
        %dma_wait3A_320 = arith.constant 0 : i32
        %dma_wait3A_321 = arith.constant 0 : i32
        %dma_wait3A_322 = arith.constant 0 : i32
        %dma_wait3A_323 = arith.constant 0 : i32
        %dma_wait3A_324 = tpu.memref_slice %arg2[%dma_wait3A_320, %dma_wait3A_321, %dma_wait3A_322, %dma_wait3A_323] : memref<8x3x512x512xf32, #tpu.memory_space<hbm>> -> memref<1x1x2x512xf32, #tpu.memory_space<hbm>>
        %dma_wait3A_325 = tpu.memref_squeeze %dma_wait3A_324 : memref<1x1x2x512xf32, #tpu.memory_space<hbm>> -> memref<2x512xf32, #tpu.memory_space<hbm>>
        %dma_wait3A_326 = arith.constant 0 : i32
        %dma_wait3A_327 = arith.constant 0 : i32
        %dma_wait3A_328 = tpu.memref_slice %arg2[%dma_wait3A_320, %dma_wait3A_321, %dma_wait3A_326, %dma_wait3A_327] : memref<8x3x512x512xf32, #tpu.memory_space<hbm>> -> memref<1x1x2x512xf32, #tpu.memory_space<hbm>>
        %dma_wait3A_329 = tpu.memref_squeeze %dma_wait3A_328 : memref<1x1x2x512xf32, #tpu.memory_space<hbm>> -> memref<2x512xf32, #tpu.memory_space<hbm>>
        tpu.wait_dma2 semaphore(%arg20 : memref<!tpu.dma_semaphore, #tpu.memory_space<semaphore_mem>>) src(%dma_wait3A_329 : memref<2x512xf32, #tpu.memory_space<hbm>>) dst(%arg17 : memref<2x512xf32, #tpu.memory_space<vmem>>)
      } else {
      }
      %dma_wait3A_158 = arith.constant 0 : i32
      %dma_wait3A_159 = arith.constant 0 : i32
      %dma_wait3A_160 = arith.constant 0 : i32
      %dma_wait3A_161 = arith.constant 0 : i32
      %dma_wait3A_162 = tpu.memref_slice %arg2[%dma_wait3A_158, %dma_wait3A_159, %dma_wait3A_160, %dma_wait3A_161] : memref<8x3x512x512xf32, #tpu.memory_space<hbm>> -> memref<1x1x2x512xf32, #tpu.memory_space<hbm>>
      %dma_wait3A_163 = tpu.memref_squeeze %dma_wait3A_162 : memref<1x1x2x512xf32, #tpu.memory_space<hbm>> -> memref<2x512xf32, #tpu.memory_space<hbm>>
      %dma_wait3A_164 = arith.constant 0 : i32
      %dma_wait3A_165 = arith.constant 0 : i32
      %dma_wait3A_166 = tpu.memref_slice %arg2[%dma_wait3A_158, %dma_wait3A_159, %dma_wait3A_164, %dma_wait3A_165] : memref<8x3x512x512xf32, #tpu.memory_space<hbm>> -> memref<1x1x2x512xf32, #tpu.memory_space<hbm>>
      %dma_wait3A_167 = tpu.memref_squeeze %dma_wait3A_166 : memref<1x1x2x512xf32, #tpu.memory_space<hbm>> -> memref<2x512xf32, #tpu.memory_space<hbm>>
      tpu.wait_dma2 semaphore(%arg18 : memref<!tpu.dma_semaphore, #tpu.memory_space<semaphore_mem>>) src(%dma_wait3A_167 : memref<2x512xf32, #tpu.memory_space<hbm>>) dst(%arg6 : memref<2x512xf32, #tpu.memory_space<vmem>>)
      %dma_wait3A_168 = arith.constant 0 : i32
      %dma_wait3A_169 = arith.constant 0 : i32
      %dma_wait3A_170 = arith.constant 0 : i32
      %dma_wait3A_171 = arith.constant 0 : i32
      %dma_wait3A_172 = tpu.memref_slice %arg2[%dma_wait3A_168, %dma_wait3A_169, %dma_wait3A_170, %dma_wait3A_171] : memref<8x3x512x512xf32, #tpu.memory_space<hbm>> -> memref<1x1x2x512xf32, #tpu.memory_space<hbm>>
      %dma_wait3A_173 = tpu.memref_squeeze %dma_wait3A_172 : memref<1x1x2x512xf32, #tpu.memory_space<hbm>> -> memref<2x512xf32, #tpu.memory_space<hbm>>
      %dma_wait3A_174 = arith.constant 0 : i32
      %dma_wait3A_175 = arith.constant 0 : i32
      %dma_wait3A_176 = tpu.memref_slice %arg2[%dma_wait3A_168, %dma_wait3A_169, %dma_wait3A_174, %dma_wait3A_175] : memref<8x3x512x512xf32, #tpu.memory_space<hbm>> -> memref<1x1x2x512xf32, #tpu.memory_space<hbm>>
      %dma_wait3A_177 = tpu.memref_squeeze %dma_wait3A_176 : memref<1x1x2x512xf32, #tpu.memory_space<hbm>> -> memref<2x512xf32, #tpu.memory_space<hbm>>
      tpu.wait_dma2 semaphore(%arg18 : memref<!tpu.dma_semaphore, #tpu.memory_space<semaphore_mem>>) src(%dma_wait3A_177 : memref<2x512xf32, #tpu.memory_space<hbm>>) dst(%arg7 : memref<2x512xf32, #tpu.memory_space<vmem>>)
      %dma_wait3A_178 = arith.constant 0 : i32
      %dma_wait3A_179 = arith.constant 0 : i32
      %dma_wait3A_180 = arith.constant 0 : i32
      %dma_wait3A_181 = arith.constant 0 : i32
      %dma_wait3A_182 = tpu.memref_slice %arg2[%dma_wait3A_178, %dma_wait3A_179, %dma_wait3A_180, %dma_wait3A_181] : memref<8x3x512x512xf32, #tpu.memory_space<hbm>> -> memref<1x1x2x512xf32, #tpu.memory_space<hbm>>
      %dma_wait3A_183 = tpu.memref_squeeze %dma_wait3A_182 : memref<1x1x2x512xf32, #tpu.memory_space<hbm>> -> memref<2x512xf32, #tpu.memory_space<hbm>>
      %dma_wait3A_184 = arith.constant 0 : i32
      %dma_wait3A_185 = arith.constant 0 : i32
      %dma_wait3A_186 = tpu.memref_slice %arg2[%dma_wait3A_178, %dma_wait3A_179, %dma_wait3A_184, %dma_wait3A_185] : memref<8x3x512x512xf32, #tpu.memory_space<hbm>> -> memref<1x1x2x512xf32, #tpu.memory_space<hbm>>
      %dma_wait3A_187 = tpu.memref_squeeze %dma_wait3A_186 : memref<1x1x2x512xf32, #tpu.memory_space<hbm>> -> memref<2x512xf32, #tpu.memory_space<hbm>>
      tpu.wait_dma2 semaphore(%arg18 : memref<!tpu.dma_semaphore, #tpu.memory_space<semaphore_mem>>) src(%dma_wait3A_187 : memref<2x512xf32, #tpu.memory_space<hbm>>) dst(%arg8 : memref<2x512xf32, #tpu.memory_space<vmem>>)
      %parallel_loop3A = arith.constant 0 : i32
      %parallel_loop3A_188 = arith.constant 32 : i32
      %parallel_loop3A_189 = arith.constant 1 : i32
      scf.for %parallel_loop3A_270 = %parallel_loop3A to %parallel_loop3A_188 step %parallel_loop3A_189  : i32 {
        %parallel_loop3A_271 = arith.constant 16 : i32
        %parallel_loop3A_272 = arith.muli %parallel_loop3A_270, %parallel_loop3A_271 : i32
        %parallel_loop3A_273 = arith.constant 0 : i32
        %parallel_loop3A_274 = arith.index_cast %parallel_loop3A_273 : i32 to index
        %parallel_loop3A_275 = arith.index_cast %parallel_loop3A_272 : i32 to index
        %parallel_loop3A_276 = tpu.vector_load %arg6[%parallel_loop3A_274, %parallel_loop3A_275] {strides = array<i32>} : memref<2x512xf32, #tpu.memory_space<vmem>>, vector<16xf32>,
        %parallel_loop3A_277 = arith.constant 0 : i32
        %parallel_loop3A_278 = arith.index_cast %parallel_loop3A_277 : i32 to index
        %parallel_loop3A_279 = arith.index_cast %parallel_loop3A_272 : i32 to index
        %parallel_loop3A_280 = tpu.vector_load %arg7[%parallel_loop3A_278, %parallel_loop3A_279] {strides = array<i32>} : memref<2x512xf32, #tpu.memory_space<vmem>>, vector<16xf32>,
        %parallel_loop3A_281 = arith.constant 0 : i32
        %parallel_loop3A_282 = arith.index_cast %parallel_loop3A_281 : i32 to index
        %parallel_loop3A_283 = arith.index_cast %parallel_loop3A_272 : i32 to index
        %parallel_loop3A_284 = tpu.vector_load %arg8[%parallel_loop3A_282, %parallel_loop3A_283] {strides = array<i32>} : memref<2x512xf32, #tpu.memory_space<vmem>>, vector<16xf32>,
        %parallel_loop3A_285 = arith.constant 3.200000e+01 : f32
        %parallel_loop3A_286 = vector.broadcast %parallel_loop3A_285 : f32 to vector<16xf32>
        %parallel_loop3A_287 = arith.mulf %parallel_loop3A_276, %parallel_loop3A_286 : vector<16xf32>
        %parallel_loop3A_288 = arith.constant 3.200000e+01 : f32
        %parallel_loop3A_289 = vector.broadcast %parallel_loop3A_288 : f32 to vector<16xf32>
        %parallel_loop3A_290 = arith.mulf %parallel_loop3A_280, %parallel_loop3A_289 : vector<16xf32>
        %parallel_loop3A_291 = arith.constant 3.200000e+01 : f32
        %parallel_loop3A_292 = vector.broadcast %parallel_loop3A_291 : f32 to vector<16xf32>
        %parallel_loop3A_293 = arith.mulf %parallel_loop3A_284, %parallel_loop3A_292 : vector<16xf32>
        %parallel_loop3A_294 = arith.fptosi %parallel_loop3A_287 : vector<16xf32> to vector<16xi32>
        %parallel_loop3A_295 = arith.fptosi %parallel_loop3A_290 : vector<16xf32> to vector<16xi32>
        %parallel_loop3A_296 = arith.fptosi %parallel_loop3A_293 : vector<16xf32> to vector<16xi32>
        %parallel_loop3A_297 = arith.sitofp %parallel_loop3A_294 : vector<16xi32> to vector<16xf32>
        %parallel_loop3A_298 = arith.subf %parallel_loop3A_287, %parallel_loop3A_297 : vector<16xf32>
        %parallel_loop3A_299 = arith.sitofp %parallel_loop3A_295 : vector<16xi32> to vector<16xf32>
        %parallel_loop3A_300 = arith.subf %parallel_loop3A_290, %parallel_loop3A_299 : vector<16xf32>
        %parallel_loop3A_301 = arith.sitofp %parallel_loop3A_296 : vector<16xi32> to vector<16xf32>
        %parallel_loop3A_302 = arith.subf %parallel_loop3A_293, %parallel_loop3A_301 : vector<16xf32>
        %parallel_loop3A_303 = arith.constant 33 : i32
        %parallel_loop3A_304 = vector.broadcast %parallel_loop3A_303 : i32 to vector<16xi32>
        %parallel_loop3A_305 = arith.muli %parallel_loop3A_296, %parallel_loop3A_304 : vector<16xi32>
        %parallel_loop3A_306 = arith.addi %parallel_loop3A_305, %parallel_loop3A_295 : vector<16xi32>
        %parallel_loop3A_307 = arith.constant 33 : i32
        %parallel_loop3A_308 = vector.broadcast %parallel_loop3A_307 : i32 to vector<16xi32>
        %parallel_loop3A_309 = arith.muli %parallel_loop3A_306, %parallel_loop3A_308 : vector<16xi32>
        %parallel_loop3A_310 = vector.broadcast %sub3A_37 : i32 to vector<16xi32>
        %parallel_loop3A_311 = arith.addi %parallel_loop3A_294, %parallel_loop3A_310 : vector<16xi32>
        %parallel_loop3A_312 = arith.addi %parallel_loop3A_309, %parallel_loop3A_311 : vector<16xi32>
        %parallel_loop3A_313 = arith.constant 1.000000e+00 : f32
        %parallel_loop3A_314 = vector.broadcast %parallel_loop3A_313 : f32 to vector<16xf32>
        %parallel_loop3A_315 = arith.subf %parallel_loop3A_314, %parallel_loop3A_298 : vector<16xf32>
        %parallel_loop3A_316 = arith.constant 1.000000e+00 : f32
        %parallel_loop3A_317 = vector.broadcast %parallel_loop3A_316 : f32 to vector<16xf32>
        %parallel_loop3A_318 = arith.subf %parallel_loop3A_317, %parallel_loop3A_300 : vector<16xf32>
        %parallel_loop3A_319 = arith.constant 1.000000e+00 : f32
        %parallel_loop3A_320 = vector.broadcast %parallel_loop3A_319 : f32 to vector<16xf32>
        %parallel_loop3A_321 = arith.subf %parallel_loop3A_320, %parallel_loop3A_302 : vector<16xf32>
        %parallel_loop3A_322 = arith.mulf %parallel_loop3A_321, %parallel_loop3A_318 : vector<16xf32>
        %parallel_loop3A_323 = arith.mulf %parallel_loop3A_321, %parallel_loop3A_300 : vector<16xf32>
        %parallel_loop3A_324 = arith.mulf %parallel_loop3A_302, %parallel_loop3A_318 : vector<16xf32>
        %parallel_loop3A_325 = arith.mulf %parallel_loop3A_302, %parallel_loop3A_300 : vector<16xf32>
        %parallel_loop3A_326 = arith.mulf %parallel_loop3A_322, %parallel_loop3A_315 : vector<16xf32>
        %parallel_loop3A_327 = arith.mulf %parallel_loop3A_322, %parallel_loop3A_298 : vector<16xf32>
        %parallel_loop3A_328 = arith.mulf %parallel_loop3A_323, %parallel_loop3A_315 : vector<16xf32>
        %parallel_loop3A_329 = arith.mulf %parallel_loop3A_323, %parallel_loop3A_298 : vector<16xf32>
        %parallel_loop3A_330 = arith.mulf %parallel_loop3A_324, %parallel_loop3A_315 : vector<16xf32>
        %parallel_loop3A_331 = arith.mulf %parallel_loop3A_324, %parallel_loop3A_298 : vector<16xf32>
        %parallel_loop3A_332 = arith.mulf %parallel_loop3A_325, %parallel_loop3A_315 : vector<16xf32>
        %parallel_loop3A_333 = arith.mulf %parallel_loop3A_325, %parallel_loop3A_298 : vector<16xf32>
        %parallel_loop3A_334 = arith.constant 0 : i32
        %parallel_loop3A_335 = tpu.memref_slice %arg5[%parallel_loop3A_334] : memref<108944xf32, #tpu.memory_space<vmem>> -> memref<35945xf32, #tpu.memory_space<vmem>>
        %parallel_loop3A_336 = tpu.vector_load_idx %parallel_loop3A_335[%parallel_loop3A_312] : memref<35945xf32, #tpu.memory_space<vmem>>[vector<16xi32>], vector<16xf32>,
        %parallel_loop3A_337 = arith.mulf %parallel_loop3A_336, %parallel_loop3A_326 : vector<16xf32>
        %parallel_loop3A_338 = arith.constant 1 : i32
        %parallel_loop3A_339 = vector.broadcast %parallel_loop3A_338 : i32 to vector<16xi32>
        %parallel_loop3A_340 = arith.addi %parallel_loop3A_312, %parallel_loop3A_339 : vector<16xi32>
        %parallel_loop3A_341 = arith.constant 0 : i32
        %parallel_loop3A_342 = tpu.memref_slice %arg5[%parallel_loop3A_341] : memref<108944xf32, #tpu.memory_space<vmem>> -> memref<35945xf32, #tpu.memory_space<vmem>>
        %parallel_loop3A_343 = tpu.vector_load_idx %parallel_loop3A_342[%parallel_loop3A_340] : memref<35945xf32, #tpu.memory_space<vmem>>[vector<16xi32>], vector<16xf32>,
        %parallel_loop3A_344 = arith.mulf %parallel_loop3A_343, %parallel_loop3A_327 : vector<16xf32>
        %parallel_loop3A_345 = arith.constant 32 : i32
        %parallel_loop3A_346 = tpu.memref_slice %arg5[%parallel_loop3A_345] : memref<108944xf32, #tpu.memory_space<vmem>> -> memref<35945xf32, #tpu.memory_space<vmem>>
        %parallel_loop3A_347 = tpu.vector_load_idx %parallel_loop3A_346[%parallel_loop3A_340] : memref<35945xf32, #tpu.memory_space<vmem>>[vector<16xi32>], vector<16xf32>,
        %parallel_loop3A_348 = arith.mulf %parallel_loop3A_347, %parallel_loop3A_328 : vector<16xf32>
        %parallel_loop3A_349 = arith.constant 2 : i32
        %parallel_loop3A_350 = vector.broadcast %parallel_loop3A_349 : i32 to vector<16xi32>
        %parallel_loop3A_351 = arith.addi %parallel_loop3A_312, %parallel_loop3A_350 : vector<16xi32>
        %parallel_loop3A_352 = arith.constant 32 : i32
        %parallel_loop3A_353 = tpu.memref_slice %arg5[%parallel_loop3A_352] : memref<108944xf32, #tpu.memory_space<vmem>> -> memref<35945xf32, #tpu.memory_space<vmem>>
        %parallel_loop3A_354 = tpu.vector_load_idx %parallel_loop3A_353[%parallel_loop3A_351] : memref<35945xf32, #tpu.memory_space<vmem>>[vector<16xi32>], vector<16xf32>,
        %parallel_loop3A_355 = arith.mulf %parallel_loop3A_354, %parallel_loop3A_329 : vector<16xf32>
        %parallel_loop3A_356 = arith.constant 1088 : i32
        %parallel_loop3A_357 = tpu.memref_slice %arg5[%parallel_loop3A_356] : memref<108944xf32, #tpu.memory_space<vmem>> -> memref<35945xf32, #tpu.memory_space<vmem>>
        %parallel_loop3A_358 = tpu.vector_load_idx %parallel_loop3A_357[%parallel_loop3A_340] : memref<35945xf32, #tpu.memory_space<vmem>>[vector<16xi32>], vector<16xf32>,
        %parallel_loop3A_359 = arith.mulf %parallel_loop3A_358, %parallel_loop3A_330 : vector<16xf32>
        %parallel_loop3A_360 = arith.constant 1088 : i32
        %parallel_loop3A_361 = tpu.memref_slice %arg5[%parallel_loop3A_360] : memref<108944xf32, #tpu.memory_space<vmem>> -> memref<35945xf32, #tpu.memory_space<vmem>>
        %parallel_loop3A_362 = tpu.vector_load_idx %parallel_loop3A_361[%parallel_loop3A_351] : memref<35945xf32, #tpu.memory_space<vmem>>[vector<16xi32>], vector<16xf32>,
        %parallel_loop3A_363 = arith.mulf %parallel_loop3A_362, %parallel_loop3A_331 : vector<16xf32>
        %parallel_loop3A_364 = arith.constant 1120 : i32
        %parallel_loop3A_365 = tpu.memref_slice %arg5[%parallel_loop3A_364] : memref<108944xf32, #tpu.memory_space<vmem>> -> memref<35945xf32, #tpu.memory_space<vmem>>
        %parallel_loop3A_366 = tpu.vector_load_idx %parallel_loop3A_365[%parallel_loop3A_351] : memref<35945xf32, #tpu.memory_space<vmem>>[vector<16xi32>], vector<16xf32>,
        %parallel_loop3A_367 = arith.mulf %parallel_loop3A_366, %parallel_loop3A_332 : vector<16xf32>
        %parallel_loop3A_368 = arith.constant 3 : i32
        %parallel_loop3A_369 = vector.broadcast %parallel_loop3A_368 : i32 to vector<16xi32>
        %parallel_loop3A_370 = arith.addi %parallel_loop3A_312, %parallel_loop3A_369 : vector<16xi32>
        %parallel_loop3A_371 = arith.constant 1120 : i32
        %parallel_loop3A_372 = tpu.memref_slice %arg5[%parallel_loop3A_371] : memref<108944xf32, #tpu.memory_space<vmem>> -> memref<35945xf32, #tpu.memory_space<vmem>>
        %parallel_loop3A_373 = tpu.vector_load_idx %parallel_loop3A_372[%parallel_loop3A_370] : memref<35945xf32, #tpu.memory_space<vmem>>[vector<16xi32>], vector<16xf32>,
        %parallel_loop3A_374 = arith.mulf %parallel_loop3A_373, %parallel_loop3A_333 : vector<16xf32>
        %parallel_loop3A_375 = arith.addf %parallel_loop3A_337, %parallel_loop3A_344 : vector<16xf32>
        %parallel_loop3A_376 = arith.addf %parallel_loop3A_348, %parallel_loop3A_355 : vector<16xf32>
        %parallel_loop3A_377 = arith.addf %parallel_loop3A_375, %parallel_loop3A_376 : vector<16xf32>
        %parallel_loop3A_378 = arith.addf %parallel_loop3A_359, %parallel_loop3A_363 : vector<16xf32>
        %parallel_loop3A_379 = arith.addf %parallel_loop3A_367, %parallel_loop3A_374 : vector<16xf32>
        %parallel_loop3A_380 = arith.addf %parallel_loop3A_378, %parallel_loop3A_379 : vector<16xf32>
        %parallel_loop3A_381 = arith.addf %parallel_loop3A_377, %parallel_loop3A_380 : vector<16xf32>
        %parallel_loop3A_382 = arith.constant 0 : i32
        %parallel_loop3A_383 = arith.index_cast %parallel_loop3A_382 : i32 to index
        %parallel_loop3A_384 = arith.index_cast %parallel_loop3A_272 : i32 to index
        %parallel_loop3A_385 = tpu.vector_load %arg12[%parallel_loop3A_383, %parallel_loop3A_384] {strides = array<i32>} : memref<2x512xf32, #tpu.memory_space<vmem>>, vector<16xf32>,
        tpu.vector_store %arg12[%parallel_loop3A_383, %parallel_loop3A_384], %parallel_loop3A_381 {strides = array<i32>} : memref<2x512xf32, #tpu.memory_space<vmem>>, vector<16xf32>,
        %parallel_loop3A_386 = arith.constant 35936 : i32
        %parallel_loop3A_387 = tpu.memref_slice %arg5[%parallel_loop3A_386] : memref<108944xf32, #tpu.memory_space<vmem>> -> memref<35945xf32, #tpu.memory_space<vmem>>
        %parallel_loop3A_388 = tpu.vector_load_idx %parallel_loop3A_387[%parallel_loop3A_340] : memref<35945xf32, #tpu.memory_space<vmem>>[vector<16xi32>], vector<16xf32>,
        %parallel_loop3A_389 = arith.mulf %parallel_loop3A_388, %parallel_loop3A_326 : vector<16xf32>
        %parallel_loop3A_390 = arith.constant 35936 : i32
        %parallel_loop3A_391 = tpu.memref_slice %arg5[%parallel_loop3A_390] : memref<108944xf32, #tpu.memory_space<vmem>> -> memref<35945xf32, #tpu.memory_space<vmem>>
        %parallel_loop3A_392 = tpu.vector_load_idx %parallel_loop3A_391[%parallel_loop3A_351] : memref<35945xf32, #tpu.memory_space<vmem>>[vector<16xi32>], vector<16xf32>,
        %parallel_loop3A_393 = arith.mulf %parallel_loop3A_392, %parallel_loop3A_327 : vector<16xf32>
        %parallel_loop3A_394 = arith.constant 35968 : i32
        %parallel_loop3A_395 = tpu.memref_slice %arg5[%parallel_loop3A_394] : memref<108944xf32, #tpu.memory_space<vmem>> -> memref<35945xf32, #tpu.memory_space<vmem>>
        %parallel_loop3A_396 = tpu.vector_load_idx %parallel_loop3A_395[%parallel_loop3A_351] : memref<35945xf32, #tpu.memory_space<vmem>>[vector<16xi32>], vector<16xf32>,
        %parallel_loop3A_397 = arith.mulf %parallel_loop3A_396, %parallel_loop3A_328 : vector<16xf32>
        %parallel_loop3A_398 = arith.constant 35968 : i32
        %parallel_loop3A_399 = tpu.memref_slice %arg5[%parallel_loop3A_398] : memref<108944xf32, #tpu.memory_space<vmem>> -> memref<35945xf32, #tpu.memory_space<vmem>>
        %parallel_loop3A_400 = tpu.vector_load_idx %parallel_loop3A_399[%parallel_loop3A_370] : memref<35945xf32, #tpu.memory_space<vmem>>[vector<16xi32>], vector<16xf32>,
        %parallel_loop3A_401 = arith.mulf %parallel_loop3A_400, %parallel_loop3A_329 : vector<16xf32>
        %parallel_loop3A_402 = arith.constant 37024 : i32
        %parallel_loop3A_403 = tpu.memref_slice %arg5[%parallel_loop3A_402] : memref<108944xf32, #tpu.memory_space<vmem>> -> memref<35945xf32, #tpu.memory_space<vmem>>
        %parallel_loop3A_404 = tpu.vector_load_idx %parallel_loop3A_403[%parallel_loop3A_351] : memref<35945xf32, #tpu.memory_space<vmem>>[vector<16xi32>], vector<16xf32>,
        %parallel_loop3A_405 = arith.mulf %parallel_loop3A_404, %parallel_loop3A_330 : vector<16xf32>
        %parallel_loop3A_406 = arith.constant 37024 : i32
        %parallel_loop3A_407 = tpu.memref_slice %arg5[%parallel_loop3A_406] : memref<108944xf32, #tpu.memory_space<vmem>> -> memref<35945xf32, #tpu.memory_space<vmem>>
        %parallel_loop3A_408 = tpu.vector_load_idx %parallel_loop3A_407[%parallel_loop3A_370] : memref<35945xf32, #tpu.memory_space<vmem>>[vector<16xi32>], vector<16xf32>,
        %parallel_loop3A_409 = arith.mulf %parallel_loop3A_408, %parallel_loop3A_331 : vector<16xf32>
        %parallel_loop3A_410 = arith.constant 37056 : i32
        %parallel_loop3A_411 = tpu.memref_slice %arg5[%parallel_loop3A_410] : memref<108944xf32, #tpu.memory_space<vmem>> -> memref<35945xf32, #tpu.memory_space<vmem>>
        %parallel_loop3A_412 = tpu.vector_load_idx %parallel_loop3A_411[%parallel_loop3A_370] : memref<35945xf32, #tpu.memory_space<vmem>>[vector<16xi32>], vector<16xf32>,
        %parallel_loop3A_413 = arith.mulf %parallel_loop3A_412, %parallel_loop3A_332 : vector<16xf32>
        %parallel_loop3A_414 = arith.constant 4 : i32
        %parallel_loop3A_415 = vector.broadcast %parallel_loop3A_414 : i32 to vector<16xi32>
        %parallel_loop3A_416 = arith.addi %parallel_loop3A_312, %parallel_loop3A_415 : vector<16xi32>
        %parallel_loop3A_417 = arith.constant 37056 : i32
        %parallel_loop3A_418 = tpu.memref_slice %arg5[%parallel_loop3A_417] : memref<108944xf32, #tpu.memory_space<vmem>> -> memref<35945xf32, #tpu.memory_space<vmem>>
        %parallel_loop3A_419 = tpu.vector_load_idx %parallel_loop3A_418[%parallel_loop3A_416] : memref<35945xf32, #tpu.memory_space<vmem>>[vector<16xi32>], vector<16xf32>,
        %parallel_loop3A_420 = arith.mulf %parallel_loop3A_419, %parallel_loop3A_333 : vector<16xf32>
        %parallel_loop3A_421 = arith.addf %parallel_loop3A_389, %parallel_loop3A_393 : vector<16xf32>
        %parallel_loop3A_422 = arith.addf %parallel_loop3A_397, %parallel_loop3A_401 : vector<16xf32>
        %parallel_loop3A_423 = arith.addf %parallel_loop3A_421, %parallel_loop3A_422 : vector<16xf32>
        %parallel_loop3A_424 = arith.addf %parallel_loop3A_405, %parallel_loop3A_409 : vector<16xf32>
        %parallel_loop3A_425 = arith.addf %parallel_loop3A_413, %parallel_loop3A_420 : vector<16xf32>
        %parallel_loop3A_426 = arith.addf %parallel_loop3A_424, %parallel_loop3A_425 : vector<16xf32>
        %parallel_loop3A_427 = arith.addf %parallel_loop3A_423, %parallel_loop3A_426 : vector<16xf32>
        %parallel_loop3A_428 = arith.constant 0 : i32
        %parallel_loop3A_429 = arith.index_cast %parallel_loop3A_428 : i32 to index
        %parallel_loop3A_430 = arith.index_cast %parallel_loop3A_272 : i32 to index
        %parallel_loop3A_431 = tpu.vector_load %arg13[%parallel_loop3A_429, %parallel_loop3A_430] {strides = array<i32>} : memref<2x512xf32, #tpu.memory_space<vmem>>, vector<16xf32>,
        tpu.vector_store %arg13[%parallel_loop3A_429, %parallel_loop3A_430], %parallel_loop3A_427 {strides = array<i32>} : memref<2x512xf32, #tpu.memory_space<vmem>>, vector<16xf32>,
        %parallel_loop3A_432 = arith.constant 71872 : i32
        %parallel_loop3A_433 = tpu.memref_slice %arg5[%parallel_loop3A_432] : memref<108944xf32, #tpu.memory_space<vmem>> -> memref<35945xf32, #tpu.memory_space<vmem>>
        %parallel_loop3A_434 = tpu.vector_load_idx %parallel_loop3A_433[%parallel_loop3A_351] : memref<35945xf32, #tpu.memory_space<vmem>>[vector<16xi32>], vector<16xf32>,
        %parallel_loop3A_435 = arith.mulf %parallel_loop3A_434, %parallel_loop3A_326 : vector<16xf32>
        %parallel_loop3A_436 = arith.constant 71872 : i32
        %parallel_loop3A_437 = tpu.memref_slice %arg5[%parallel_loop3A_436] : memref<108944xf32, #tpu.memory_space<vmem>> -> memref<35945xf32, #tpu.memory_space<vmem>>
        %parallel_loop3A_438 = tpu.vector_load_idx %parallel_loop3A_437[%parallel_loop3A_370] : memref<35945xf32, #tpu.memory_space<vmem>>[vector<16xi32>], vector<16xf32>,
        %parallel_loop3A_439 = arith.mulf %parallel_loop3A_438, %parallel_loop3A_327 : vector<16xf32>
        %parallel_loop3A_440 = arith.constant 71904 : i32
        %parallel_loop3A_441 = tpu.memref_slice %arg5[%parallel_loop3A_440] : memref<108944xf32, #tpu.memory_space<vmem>> -> memref<35945xf32, #tpu.memory_space<vmem>>
        %parallel_loop3A_442 = tpu.vector_load_idx %parallel_loop3A_441[%parallel_loop3A_370] : memref<35945xf32, #tpu.memory_space<vmem>>[vector<16xi32>], vector<16xf32>,
        %parallel_loop3A_443 = arith.mulf %parallel_loop3A_442, %parallel_loop3A_328 : vector<16xf32>
        %parallel_loop3A_444 = arith.constant 71904 : i32
        %parallel_loop3A_445 = tpu.memref_slice %arg5[%parallel_loop3A_444] : memref<108944xf32, #tpu.memory_space<vmem>> -> memref<35945xf32, #tpu.memory_space<vmem>>
        %parallel_loop3A_446 = tpu.vector_load_idx %parallel_loop3A_445[%parallel_loop3A_416] : memref<35945xf32, #tpu.memory_space<vmem>>[vector<16xi32>], vector<16xf32>,
        %parallel_loop3A_447 = arith.mulf %parallel_loop3A_446, %parallel_loop3A_329 : vector<16xf32>
        %parallel_loop3A_448 = arith.constant 72960 : i32
        %parallel_loop3A_449 = tpu.memref_slice %arg5[%parallel_loop3A_448] : memref<108944xf32, #tpu.memory_space<vmem>> -> memref<35945xf32, #tpu.memory_space<vmem>>
        %parallel_loop3A_450 = tpu.vector_load_idx %parallel_loop3A_449[%parallel_loop3A_370] : memref<35945xf32, #tpu.memory_space<vmem>>[vector<16xi32>], vector<16xf32>,
        %parallel_loop3A_451 = arith.mulf %parallel_loop3A_450, %parallel_loop3A_330 : vector<16xf32>
        %parallel_loop3A_452 = arith.constant 72960 : i32
        %parallel_loop3A_453 = tpu.memref_slice %arg5[%parallel_loop3A_452] : memref<108944xf32, #tpu.memory_space<vmem>> -> memref<35945xf32, #tpu.memory_space<vmem>>
        %parallel_loop3A_454 = tpu.vector_load_idx %parallel_loop3A_453[%parallel_loop3A_416] : memref<35945xf32, #tpu.memory_space<vmem>>[vector<16xi32>], vector<16xf32>,
        %parallel_loop3A_455 = arith.mulf %parallel_loop3A_454, %parallel_loop3A_331 : vector<16xf32>
        %parallel_loop3A_456 = arith.constant 72992 : i32
        %parallel_loop3A_457 = tpu.memref_slice %arg5[%parallel_loop3A_456] : memref<108944xf32, #tpu.memory_space<vmem>> -> memref<35945xf32, #tpu.memory_space<vmem>>
        %parallel_loop3A_458 = tpu.vector_load_idx %parallel_loop3A_457[%parallel_loop3A_416] : memref<35945xf32, #tpu.memory_space<vmem>>[vector<16xi32>], vector<16xf32>,
        %parallel_loop3A_459 = arith.mulf %parallel_loop3A_458, %parallel_loop3A_332 : vector<16xf32>
        %parallel_loop3A_460 = arith.constant 5 : i32
        %parallel_loop3A_461 = vector.broadcast %parallel_loop3A_460 : i32 to vector<16xi32>
        %parallel_loop3A_462 = arith.addi %parallel_loop3A_312, %parallel_loop3A_461 : vector<16xi32>
        %parallel_loop3A_463 = arith.constant 72992 : i32
        %parallel_loop3A_464 = tpu.memref_slice %arg5[%parallel_loop3A_463] : memref<108944xf32, #tpu.memory_space<vmem>> -> memref<35945xf32, #tpu.memory_space<vmem>>
        %parallel_loop3A_465 = tpu.vector_load_idx %parallel_loop3A_464[%parallel_loop3A_462] : memref<35945xf32, #tpu.memory_space<vmem>>[vector<16xi32>], vector<16xf32>,
        %parallel_loop3A_466 = arith.mulf %parallel_loop3A_465, %parallel_loop3A_333 : vector<16xf32>
        %parallel_loop3A_467 = arith.addf %parallel_loop3A_435, %parallel_loop3A_439 : vector<16xf32>
        %parallel_loop3A_468 = arith.addf %parallel_loop3A_443, %parallel_loop3A_447 : vector<16xf32>
        %parallel_loop3A_469 = arith.addf %parallel_loop3A_467, %parallel_loop3A_468 : vector<16xf32>
        %parallel_loop3A_470 = arith.addf %parallel_loop3A_451, %parallel_loop3A_455 : vector<16xf32>
        %parallel_loop3A_471 = arith.addf %parallel_loop3A_459, %parallel_loop3A_466 : vector<16xf32>
        %parallel_loop3A_472 = arith.addf %parallel_loop3A_470, %parallel_loop3A_471 : vector<16xf32>
        %parallel_loop3A_473 = arith.addf %parallel_loop3A_469, %parallel_loop3A_472 : vector<16xf32>
        %parallel_loop3A_474 = arith.constant 0 : i32
        %parallel_loop3A_475 = arith.index_cast %parallel_loop3A_474 : i32 to index
        %parallel_loop3A_476 = arith.index_cast %parallel_loop3A_272 : i32 to index
        %parallel_loop3A_477 = tpu.vector_load %arg14[%parallel_loop3A_475, %parallel_loop3A_476] {strides = array<i32>} : memref<2x512xf32, #tpu.memory_space<vmem>>, vector<16xf32>,
        tpu.vector_store %arg14[%parallel_loop3A_475, %parallel_loop3A_476], %parallel_loop3A_473 {strides = array<i32>} : memref<2x512xf32, #tpu.memory_space<vmem>>, vector<16xf32>,
        %parallel_loop3A_478 = arith.constant 1 : i32
        %parallel_loop3A_479 = arith.index_cast %parallel_loop3A_478 : i32 to index
        %parallel_loop3A_480 = arith.index_cast %parallel_loop3A_272 : i32 to index
        %parallel_loop3A_481 = tpu.vector_load %arg6[%parallel_loop3A_479, %parallel_loop3A_480] {strides = array<i32>} : memref<2x512xf32, #tpu.memory_space<vmem>>, vector<16xf32>,
        %parallel_loop3A_482 = arith.constant 1 : i32
        %parallel_loop3A_483 = arith.index_cast %parallel_loop3A_482 : i32 to index
        %parallel_loop3A_484 = arith.index_cast %parallel_loop3A_272 : i32 to index
        %parallel_loop3A_485 = tpu.vector_load %arg7[%parallel_loop3A_483, %parallel_loop3A_484] {strides = array<i32>} : memref<2x512xf32, #tpu.memory_space<vmem>>, vector<16xf32>,
        %parallel_loop3A_486 = arith.constant 1 : i32
        %parallel_loop3A_487 = arith.index_cast %parallel_loop3A_486 : i32 to index
        %parallel_loop3A_488 = arith.index_cast %parallel_loop3A_272 : i32 to index
        %parallel_loop3A_489 = tpu.vector_load %arg8[%parallel_loop3A_487, %parallel_loop3A_488] {strides = array<i32>} : memref<2x512xf32, #tpu.memory_space<vmem>>, vector<16xf32>,
        %parallel_loop3A_490 = arith.constant 3.200000e+01 : f32
        %parallel_loop3A_491 = vector.broadcast %parallel_loop3A_490 : f32 to vector<16xf32>
        %parallel_loop3A_492 = arith.mulf %parallel_loop3A_481, %parallel_loop3A_491 : vector<16xf32>
        %parallel_loop3A_493 = arith.constant 3.200000e+01 : f32
        %parallel_loop3A_494 = vector.broadcast %parallel_loop3A_493 : f32 to vector<16xf32>
        %parallel_loop3A_495 = arith.mulf %parallel_loop3A_485, %parallel_loop3A_494 : vector<16xf32>
        %parallel_loop3A_496 = arith.constant 3.200000e+01 : f32
        %parallel_loop3A_497 = vector.broadcast %parallel_loop3A_496 : f32 to vector<16xf32>
        %parallel_loop3A_498 = arith.mulf %parallel_loop3A_489, %parallel_loop3A_497 : vector<16xf32>
        %parallel_loop3A_499 = arith.fptosi %parallel_loop3A_492 : vector<16xf32> to vector<16xi32>
        %parallel_loop3A_500 = arith.fptosi %parallel_loop3A_495 : vector<16xf32> to vector<16xi32>
        %parallel_loop3A_501 = arith.fptosi %parallel_loop3A_498 : vector<16xf32> to vector<16xi32>
        %parallel_loop3A_502 = arith.sitofp %parallel_loop3A_499 : vector<16xi32> to vector<16xf32>
        %parallel_loop3A_503 = arith.subf %parallel_loop3A_492, %parallel_loop3A_502 : vector<16xf32>
        %parallel_loop3A_504 = arith.sitofp %parallel_loop3A_500 : vector<16xi32> to vector<16xf32>
        %parallel_loop3A_505 = arith.subf %parallel_loop3A_495, %parallel_loop3A_504 : vector<16xf32>
        %parallel_loop3A_506 = arith.sitofp %parallel_loop3A_501 : vector<16xi32> to vector<16xf32>
        %parallel_loop3A_507 = arith.subf %parallel_loop3A_498, %parallel_loop3A_506 : vector<16xf32>
        %parallel_loop3A_508 = arith.constant 33 : i32
        %parallel_loop3A_509 = vector.broadcast %parallel_loop3A_508 : i32 to vector<16xi32>
        %parallel_loop3A_510 = arith.muli %parallel_loop3A_501, %parallel_loop3A_509 : vector<16xi32>
        %parallel_loop3A_511 = arith.addi %parallel_loop3A_510, %parallel_loop3A_500 : vector<16xi32>
        %parallel_loop3A_512 = arith.constant 33 : i32
        %parallel_loop3A_513 = vector.broadcast %parallel_loop3A_512 : i32 to vector<16xi32>
        %parallel_loop3A_514 = arith.muli %parallel_loop3A_511, %parallel_loop3A_513 : vector<16xi32>
        %parallel_loop3A_515 = vector.broadcast %sub3A_37 : i32 to vector<16xi32>
        %parallel_loop3A_516 = arith.addi %parallel_loop3A_499, %parallel_loop3A_515 : vector<16xi32>
        %parallel_loop3A_517 = arith.addi %parallel_loop3A_514, %parallel_loop3A_516 : vector<16xi32>
        %parallel_loop3A_518 = arith.constant 1.000000e+00 : f32
        %parallel_loop3A_519 = vector.broadcast %parallel_loop3A_518 : f32 to vector<16xf32>
        %parallel_loop3A_520 = arith.subf %parallel_loop3A_519, %parallel_loop3A_503 : vector<16xf32>
        %parallel_loop3A_521 = arith.constant 1.000000e+00 : f32
        %parallel_loop3A_522 = vector.broadcast %parallel_loop3A_521 : f32 to vector<16xf32>
        %parallel_loop3A_523 = arith.subf %parallel_loop3A_522, %parallel_loop3A_505 : vector<16xf32>
        %parallel_loop3A_524 = arith.constant 1.000000e+00 : f32
        %parallel_loop3A_525 = vector.broadcast %parallel_loop3A_524 : f32 to vector<16xf32>
        %parallel_loop3A_526 = arith.subf %parallel_loop3A_525, %parallel_loop3A_507 : vector<16xf32>
        %parallel_loop3A_527 = arith.mulf %parallel_loop3A_526, %parallel_loop3A_523 : vector<16xf32>
        %parallel_loop3A_528 = arith.mulf %parallel_loop3A_526, %parallel_loop3A_505 : vector<16xf32>
        %parallel_loop3A_529 = arith.mulf %parallel_loop3A_507, %parallel_loop3A_523 : vector<16xf32>
        %parallel_loop3A_530 = arith.mulf %parallel_loop3A_507, %parallel_loop3A_505 : vector<16xf32>
        %parallel_loop3A_531 = arith.mulf %parallel_loop3A_527, %parallel_loop3A_520 : vector<16xf32>
        %parallel_loop3A_532 = arith.mulf %parallel_loop3A_527, %parallel_loop3A_503 : vector<16xf32>
        %parallel_loop3A_533 = arith.mulf %parallel_loop3A_528, %parallel_loop3A_520 : vector<16xf32>
        %parallel_loop3A_534 = arith.mulf %parallel_loop3A_528, %parallel_loop3A_503 : vector<16xf32>
        %parallel_loop3A_535 = arith.mulf %parallel_loop3A_529, %parallel_loop3A_520 : vector<16xf32>
        %parallel_loop3A_536 = arith.mulf %parallel_loop3A_529, %parallel_loop3A_503 : vector<16xf32>
        %parallel_loop3A_537 = arith.mulf %parallel_loop3A_530, %parallel_loop3A_520 : vector<16xf32>
        %parallel_loop3A_538 = arith.mulf %parallel_loop3A_530, %parallel_loop3A_503 : vector<16xf32>
        %parallel_loop3A_539 = arith.constant 0 : i32
        %parallel_loop3A_540 = tpu.memref_slice %arg5[%parallel_loop3A_539] : memref<108944xf32, #tpu.memory_space<vmem>> -> memref<35945xf32, #tpu.memory_space<vmem>>
        %parallel_loop3A_541 = tpu.vector_load_idx %parallel_loop3A_540[%parallel_loop3A_517] : memref<35945xf32, #tpu.memory_space<vmem>>[vector<16xi32>], vector<16xf32>,
        %parallel_loop3A_542 = arith.mulf %parallel_loop3A_541, %parallel_loop3A_531 : vector<16xf32>
        %parallel_loop3A_543 = arith.constant 1 : i32
        %parallel_loop3A_544 = vector.broadcast %parallel_loop3A_543 : i32 to vector<16xi32>
        %parallel_loop3A_545 = arith.addi %parallel_loop3A_517, %parallel_loop3A_544 : vector<16xi32>
        %parallel_loop3A_546 = arith.constant 0 : i32
        %parallel_loop3A_547 = tpu.memref_slice %arg5[%parallel_loop3A_546] : memref<108944xf32, #tpu.memory_space<vmem>> -> memref<35945xf32, #tpu.memory_space<vmem>>
        %parallel_loop3A_548 = tpu.vector_load_idx %parallel_loop3A_547[%parallel_loop3A_545] : memref<35945xf32, #tpu.memory_space<vmem>>[vector<16xi32>], vector<16xf32>,
        %parallel_loop3A_549 = arith.mulf %parallel_loop3A_548, %parallel_loop3A_532 : vector<16xf32>
        %parallel_loop3A_550 = arith.constant 32 : i32
        %parallel_loop3A_551 = tpu.memref_slice %arg5[%parallel_loop3A_550] : memref<108944xf32, #tpu.memory_space<vmem>> -> memref<35945xf32, #tpu.memory_space<vmem>>
        %parallel_loop3A_552 = tpu.vector_load_idx %parallel_loop3A_551[%parallel_loop3A_545] : memref<35945xf32, #tpu.memory_space<vmem>>[vector<16xi32>], vector<16xf32>,
        %parallel_loop3A_553 = arith.mulf %parallel_loop3A_552, %parallel_loop3A_533 : vector<16xf32>
        %parallel_loop3A_554 = arith.constant 2 : i32
        %parallel_loop3A_555 = vector.broadcast %parallel_loop3A_554 : i32 to vector<16xi32>
        %parallel_loop3A_556 = arith.addi %parallel_loop3A_517, %parallel_loop3A_555 : vector<16xi32>
        %parallel_loop3A_557 = arith.constant 32 : i32
        %parallel_loop3A_558 = tpu.memref_slice %arg5[%parallel_loop3A_557] : memref<108944xf32, #tpu.memory_space<vmem>> -> memref<35945xf32, #tpu.memory_space<vmem>>
        %parallel_loop3A_559 = tpu.vector_load_idx %parallel_loop3A_558[%parallel_loop3A_556] : memref<35945xf32, #tpu.memory_space<vmem>>[vector<16xi32>], vector<16xf32>,
        %parallel_loop3A_560 = arith.mulf %parallel_loop3A_559, %parallel_loop3A_534 : vector<16xf32>
        %parallel_loop3A_561 = arith.constant 1088 : i32
        %parallel_loop3A_562 = tpu.memref_slice %arg5[%parallel_loop3A_561] : memref<108944xf32, #tpu.memory_space<vmem>> -> memref<35945xf32, #tpu.memory_space<vmem>>
        %parallel_loop3A_563 = tpu.vector_load_idx %parallel_loop3A_562[%parallel_loop3A_545] : memref<35945xf32, #tpu.memory_space<vmem>>[vector<16xi32>], vector<16xf32>,
        %parallel_loop3A_564 = arith.mulf %parallel_loop3A_563, %parallel_loop3A_535 : vector<16xf32>
        %parallel_loop3A_565 = arith.constant 1088 : i32
        %parallel_loop3A_566 = tpu.memref_slice %arg5[%parallel_loop3A_565] : memref<108944xf32, #tpu.memory_space<vmem>> -> memref<35945xf32, #tpu.memory_space<vmem>>
        %parallel_loop3A_567 = tpu.vector_load_idx %parallel_loop3A_566[%parallel_loop3A_556] : memref<35945xf32, #tpu.memory_space<vmem>>[vector<16xi32>], vector<16xf32>,
        %parallel_loop3A_568 = arith.mulf %parallel_loop3A_567, %parallel_loop3A_536 : vector<16xf32>
        %parallel_loop3A_569 = arith.constant 1120 : i32
        %parallel_loop3A_570 = tpu.memref_slice %arg5[%parallel_loop3A_569] : memref<108944xf32, #tpu.memory_space<vmem>> -> memref<35945xf32, #tpu.memory_space<vmem>>
        %parallel_loop3A_571 = tpu.vector_load_idx %parallel_loop3A_570[%parallel_loop3A_556] : memref<35945xf32, #tpu.memory_space<vmem>>[vector<16xi32>], vector<16xf32>,
        %parallel_loop3A_572 = arith.mulf %parallel_loop3A_571, %parallel_loop3A_537 : vector<16xf32>
        %parallel_loop3A_573 = arith.constant 3 : i32
        %parallel_loop3A_574 = vector.broadcast %parallel_loop3A_573 : i32 to vector<16xi32>
        %parallel_loop3A_575 = arith.addi %parallel_loop3A_517, %parallel_loop3A_574 : vector<16xi32>
        %parallel_loop3A_576 = arith.constant 1120 : i32
        %parallel_loop3A_577 = tpu.memref_slice %arg5[%parallel_loop3A_576] : memref<108944xf32, #tpu.memory_space<vmem>> -> memref<35945xf32, #tpu.memory_space<vmem>>
        %parallel_loop3A_578 = tpu.vector_load_idx %parallel_loop3A_577[%parallel_loop3A_575] : memref<35945xf32, #tpu.memory_space<vmem>>[vector<16xi32>], vector<16xf32>,
        %parallel_loop3A_579 = arith.mulf %parallel_loop3A_578, %parallel_loop3A_538 : vector<16xf32>
        %parallel_loop3A_580 = arith.addf %parallel_loop3A_542, %parallel_loop3A_549 : vector<16xf32>
        %parallel_loop3A_581 = arith.addf %parallel_loop3A_553, %parallel_loop3A_560 : vector<16xf32>
        %parallel_loop3A_582 = arith.addf %parallel_loop3A_580, %parallel_loop3A_581 : vector<16xf32>
        %parallel_loop3A_583 = arith.addf %parallel_loop3A_564, %parallel_loop3A_568 : vector<16xf32>
        %parallel_loop3A_584 = arith.addf %parallel_loop3A_572, %parallel_loop3A_579 : vector<16xf32>
        %parallel_loop3A_585 = arith.addf %parallel_loop3A_583, %parallel_loop3A_584 : vector<16xf32>
        %parallel_loop3A_586 = arith.addf %parallel_loop3A_582, %parallel_loop3A_585 : vector<16xf32>
        %parallel_loop3A_587 = arith.constant 1 : i32
        %parallel_loop3A_588 = arith.index_cast %parallel_loop3A_587 : i32 to index
        %parallel_loop3A_589 = arith.index_cast %parallel_loop3A_272 : i32 to index
        %parallel_loop3A_590 = tpu.vector_load %arg12[%parallel_loop3A_588, %parallel_loop3A_589] {strides = array<i32>} : memref<2x512xf32, #tpu.memory_space<vmem>>, vector<16xf32>,
        tpu.vector_store %arg12[%parallel_loop3A_588, %parallel_loop3A_589], %parallel_loop3A_586 {strides = array<i32>} : memref<2x512xf32, #tpu.memory_space<vmem>>, vector<16xf32>,
        %parallel_loop3A_591 = arith.constant 35936 : i32
        %parallel_loop3A_592 = tpu.memref_slice %arg5[%parallel_loop3A_591] : memref<108944xf32, #tpu.memory_space<vmem>> -> memref<35945xf32, #tpu.memory_space<vmem>>
        %parallel_loop3A_593 = tpu.vector_load_idx %parallel_loop3A_592[%parallel_loop3A_545] : memref<35945xf32, #tpu.memory_space<vmem>>[vector<16xi32>], vector<16xf32>,
        %parallel_loop3A_594 = arith.mulf %parallel_loop3A_593, %parallel_loop3A_531 : vector<16xf32>
        %parallel_loop3A_595 = arith.constant 35936 : i32
        %parallel_loop3A_596 = tpu.memref_slice %arg5[%parallel_loop3A_595] : memref<108944xf32, #tpu.memory_space<vmem>> -> memref<35945xf32, #tpu.memory_space<vmem>>
        %parallel_loop3A_597 = tpu.vector_load_idx %parallel_loop3A_596[%parallel_loop3A_556] : memref<35945xf32, #tpu.memory_space<vmem>>[vector<16xi32>], vector<16xf32>,
        %parallel_loop3A_598 = arith.mulf %parallel_loop3A_597, %parallel_loop3A_532 : vector<16xf32>
        %parallel_loop3A_599 = arith.constant 35968 : i32
        %parallel_loop3A_600 = tpu.memref_slice %arg5[%parallel_loop3A_599] : memref<108944xf32, #tpu.memory_space<vmem>> -> memref<35945xf32, #tpu.memory_space<vmem>>
        %parallel_loop3A_601 = tpu.vector_load_idx %parallel_loop3A_600[%parallel_loop3A_556] : memref<35945xf32, #tpu.memory_space<vmem>>[vector<16xi32>], vector<16xf32>,
        %parallel_loop3A_602 = arith.mulf %parallel_loop3A_601, %parallel_loop3A_533 : vector<16xf32>
        %parallel_loop3A_603 = arith.constant 35968 : i32
        %parallel_loop3A_604 = tpu.memref_slice %arg5[%parallel_loop3A_603] : memref<108944xf32, #tpu.memory_space<vmem>> -> memref<35945xf32, #tpu.memory_space<vmem>>
        %parallel_loop3A_605 = tpu.vector_load_idx %parallel_loop3A_604[%parallel_loop3A_575] : memref<35945xf32, #tpu.memory_space<vmem>>[vector<16xi32>], vector<16xf32>,
        %parallel_loop3A_606 = arith.mulf %parallel_loop3A_605, %parallel_loop3A_534 : vector<16xf32>
        %parallel_loop3A_607 = arith.constant 37024 : i32
        %parallel_loop3A_608 = tpu.memref_slice %arg5[%parallel_loop3A_607] : memref<108944xf32, #tpu.memory_space<vmem>> -> memref<35945xf32, #tpu.memory_space<vmem>>
        %parallel_loop3A_609 = tpu.vector_load_idx %parallel_loop3A_608[%parallel_loop3A_556] : memref<35945xf32, #tpu.memory_space<vmem>>[vector<16xi32>], vector<16xf32>,
        %parallel_loop3A_610 = arith.mulf %parallel_loop3A_609, %parallel_loop3A_535 : vector<16xf32>
        %parallel_loop3A_611 = arith.constant 37024 : i32
        %parallel_loop3A_612 = tpu.memref_slice %arg5[%parallel_loop3A_611] : memref<108944xf32, #tpu.memory_space<vmem>> -> memref<35945xf32, #tpu.memory_space<vmem>>
        %parallel_loop3A_613 = tpu.vector_load_idx %parallel_loop3A_612[%parallel_loop3A_575] : memref<35945xf32, #tpu.memory_space<vmem>>[vector<16xi32>], vector<16xf32>,
        %parallel_loop3A_614 = arith.mulf %parallel_loop3A_613, %parallel_loop3A_536 : vector<16xf32>
        %parallel_loop3A_615 = arith.constant 37056 : i32
        %parallel_loop3A_616 = tpu.memref_slice %arg5[%parallel_loop3A_615] : memref<108944xf32, #tpu.memory_space<vmem>> -> memref<35945xf32, #tpu.memory_space<vmem>>
        %parallel_loop3A_617 = tpu.vector_load_idx %parallel_loop3A_616[%parallel_loop3A_575] : memref<35945xf32, #tpu.memory_space<vmem>>[vector<16xi32>], vector<16xf32>,
        %parallel_loop3A_618 = arith.mulf %parallel_loop3A_617, %parallel_loop3A_537 : vector<16xf32>
        %parallel_loop3A_619 = arith.constant 4 : i32
        %parallel_loop3A_620 = vector.broadcast %parallel_loop3A_619 : i32 to vector<16xi32>
        %parallel_loop3A_621 = arith.addi %parallel_loop3A_517, %parallel_loop3A_620 : vector<16xi32>
        %parallel_loop3A_622 = arith.constant 37056 : i32
        %parallel_loop3A_623 = tpu.memref_slice %arg5[%parallel_loop3A_622] : memref<108944xf32, #tpu.memory_space<vmem>> -> memref<35945xf32, #tpu.memory_space<vmem>>
        %parallel_loop3A_624 = tpu.vector_load_idx %parallel_loop3A_623[%parallel_loop3A_621] : memref<35945xf32, #tpu.memory_space<vmem>>[vector<16xi32>], vector<16xf32>,
        %parallel_loop3A_625 = arith.mulf %parallel_loop3A_624, %parallel_loop3A_538 : vector<16xf32>
        %parallel_loop3A_626 = arith.addf %parallel_loop3A_594, %parallel_loop3A_598 : vector<16xf32>
        %parallel_loop3A_627 = arith.addf %parallel_loop3A_602, %parallel_loop3A_606 : vector<16xf32>
        %parallel_loop3A_628 = arith.addf %parallel_loop3A_626, %parallel_loop3A_627 : vector<16xf32>
        %parallel_loop3A_629 = arith.addf %parallel_loop3A_610, %parallel_loop3A_614 : vector<16xf32>
        %parallel_loop3A_630 = arith.addf %parallel_loop3A_618, %parallel_loop3A_625 : vector<16xf32>
        %parallel_loop3A_631 = arith.addf %parallel_loop3A_629, %parallel_loop3A_630 : vector<16xf32>
        %parallel_loop3A_632 = arith.addf %parallel_loop3A_628, %parallel_loop3A_631 : vector<16xf32>
        %parallel_loop3A_633 = arith.constant 1 : i32
        %parallel_loop3A_634 = arith.index_cast %parallel_loop3A_633 : i32 to index
        %parallel_loop3A_635 = arith.index_cast %parallel_loop3A_272 : i32 to index
        %parallel_loop3A_636 = tpu.vector_load %arg13[%parallel_loop3A_634, %parallel_loop3A_635] {strides = array<i32>} : memref<2x512xf32, #tpu.memory_space<vmem>>, vector<16xf32>,
        tpu.vector_store %arg13[%parallel_loop3A_634, %parallel_loop3A_635], %parallel_loop3A_632 {strides = array<i32>} : memref<2x512xf32, #tpu.memory_space<vmem>>, vector<16xf32>,
        %parallel_loop3A_637 = arith.constant 71872 : i32
        %parallel_loop3A_638 = tpu.memref_slice %arg5[%parallel_loop3A_637] : memref<108944xf32, #tpu.memory_space<vmem>> -> memref<35945xf32, #tpu.memory_space<vmem>>
        %parallel_loop3A_639 = tpu.vector_load_idx %parallel_loop3A_638[%parallel_loop3A_556] : memref<35945xf32, #tpu.memory_space<vmem>>[vector<16xi32>], vector<16xf32>,
        %parallel_loop3A_640 = arith.mulf %parallel_loop3A_639, %parallel_loop3A_531 : vector<16xf32>
        %parallel_loop3A_641 = arith.constant 71872 : i32
        %parallel_loop3A_642 = tpu.memref_slice %arg5[%parallel_loop3A_641] : memref<108944xf32, #tpu.memory_space<vmem>> -> memref<35945xf32, #tpu.memory_space<vmem>>
        %parallel_loop3A_643 = tpu.vector_load_idx %parallel_loop3A_642[%parallel_loop3A_575] : memref<35945xf32, #tpu.memory_space<vmem>>[vector<16xi32>], vector<16xf32>,
        %parallel_loop3A_644 = arith.mulf %parallel_loop3A_643, %parallel_loop3A_532 : vector<16xf32>
        %parallel_loop3A_645 = arith.constant 71904 : i32
        %parallel_loop3A_646 = tpu.memref_slice %arg5[%parallel_loop3A_645] : memref<108944xf32, #tpu.memory_space<vmem>> -> memref<35945xf32, #tpu.memory_space<vmem>>
        %parallel_loop3A_647 = tpu.vector_load_idx %parallel_loop3A_646[%parallel_loop3A_575] : memref<35945xf32, #tpu.memory_space<vmem>>[vector<16xi32>], vector<16xf32>,
        %parallel_loop3A_648 = arith.mulf %parallel_loop3A_647, %parallel_loop3A_533 : vector<16xf32>
        %parallel_loop3A_649 = arith.constant 71904 : i32
        %parallel_loop3A_650 = tpu.memref_slice %arg5[%parallel_loop3A_649] : memref<108944xf32, #tpu.memory_space<vmem>> -> memref<35945xf32, #tpu.memory_space<vmem>>
        %parallel_loop3A_651 = tpu.vector_load_idx %parallel_loop3A_650[%parallel_loop3A_621] : memref<35945xf32, #tpu.memory_space<vmem>>[vector<16xi32>], vector<16xf32>,
        %parallel_loop3A_652 = arith.mulf %parallel_loop3A_651, %parallel_loop3A_534 : vector<16xf32>
        %parallel_loop3A_653 = arith.constant 72960 : i32
        %parallel_loop3A_654 = tpu.memref_slice %arg5[%parallel_loop3A_653] : memref<108944xf32, #tpu.memory_space<vmem>> -> memref<35945xf32, #tpu.memory_space<vmem>>
        %parallel_loop3A_655 = tpu.vector_load_idx %parallel_loop3A_654[%parallel_loop3A_575] : memref<35945xf32, #tpu.memory_space<vmem>>[vector<16xi32>], vector<16xf32>,
        %parallel_loop3A_656 = arith.mulf %parallel_loop3A_655, %parallel_loop3A_535 : vector<16xf32>
        %parallel_loop3A_657 = arith.constant 72960 : i32
        %parallel_loop3A_658 = tpu.memref_slice %arg5[%parallel_loop3A_657] : memref<108944xf32, #tpu.memory_space<vmem>> -> memref<35945xf32, #tpu.memory_space<vmem>>
        %parallel_loop3A_659 = tpu.vector_load_idx %parallel_loop3A_658[%parallel_loop3A_621] : memref<35945xf32, #tpu.memory_space<vmem>>[vector<16xi32>], vector<16xf32>,
        %parallel_loop3A_660 = arith.mulf %parallel_loop3A_659, %parallel_loop3A_536 : vector<16xf32>
        %parallel_loop3A_661 = arith.constant 72992 : i32
        %parallel_loop3A_662 = tpu.memref_slice %arg5[%parallel_loop3A_661] : memref<108944xf32, #tpu.memory_space<vmem>> -> memref<35945xf32, #tpu.memory_space<vmem>>
        %parallel_loop3A_663 = tpu.vector_load_idx %parallel_loop3A_662[%parallel_loop3A_621] : memref<35945xf32, #tpu.memory_space<vmem>>[vector<16xi32>], vector<16xf32>,
        %parallel_loop3A_664 = arith.mulf %parallel_loop3A_663, %parallel_loop3A_537 : vector<16xf32>
        %parallel_loop3A_665 = arith.constant 5 : i32
        %parallel_loop3A_666 = vector.broadcast %parallel_loop3A_665 : i32 to vector<16xi32>
        %parallel_loop3A_667 = arith.addi %parallel_loop3A_517, %parallel_loop3A_666 : vector<16xi32>
        %parallel_loop3A_668 = arith.constant 72992 : i32
        %parallel_loop3A_669 = tpu.memref_slice %arg5[%parallel_loop3A_668] : memref<108944xf32, #tpu.memory_space<vmem>> -> memref<35945xf32, #tpu.memory_space<vmem>>
        %parallel_loop3A_670 = tpu.vector_load_idx %parallel_loop3A_669[%parallel_loop3A_667] : memref<35945xf32, #tpu.memory_space<vmem>>[vector<16xi32>], vector<16xf32>,
        %parallel_loop3A_671 = arith.mulf %parallel_loop3A_670, %parallel_loop3A_538 : vector<16xf32>
        %parallel_loop3A_672 = arith.addf %parallel_loop3A_640, %parallel_loop3A_644 : vector<16xf32>
        %parallel_loop3A_673 = arith.addf %parallel_loop3A_648, %parallel_loop3A_652 : vector<16xf32>
        %parallel_loop3A_674 = arith.addf %parallel_loop3A_672, %parallel_loop3A_673 : vector<16xf32>
        %parallel_loop3A_675 = arith.addf %parallel_loop3A_656, %parallel_loop3A_660 : vector<16xf32>
        %parallel_loop3A_676 = arith.addf %parallel_loop3A_664, %parallel_loop3A_671 : vector<16xf32>
        %parallel_loop3A_677 = arith.addf %parallel_loop3A_675, %parallel_loop3A_676 : vector<16xf32>
        %parallel_loop3A_678 = arith.addf %parallel_loop3A_674, %parallel_loop3A_677 : vector<16xf32>
        %parallel_loop3A_679 = arith.constant 1 : i32
        %parallel_loop3A_680 = arith.index_cast %parallel_loop3A_679 : i32 to index
        %parallel_loop3A_681 = arith.index_cast %parallel_loop3A_272 : i32 to index
        %parallel_loop3A_682 = tpu.vector_load %arg14[%parallel_loop3A_680, %parallel_loop3A_681] {strides = array<i32>} : memref<2x512xf32, #tpu.memory_space<vmem>>, vector<16xf32>,
        tpu.vector_store %arg14[%parallel_loop3A_680, %parallel_loop3A_681], %parallel_loop3A_678 {strides = array<i32>} : memref<2x512xf32, #tpu.memory_space<vmem>>, vector<16xf32>,
      } {sc.loop_unroll_factor = 1 : i64, sc.parallel_access}
      %dma_start3A_190 = arith.constant 0 : i32
      %dma_start3A_191 = arith.constant 0 : i32
      %dma_start3A_192 = tpu.memref_slice %arg4[%select_n3A, %dma_start3A_190, %add3A_132, %dma_start3A_191] : memref<8x3x512x512xf32, #tpu.memory_space<hbm>> -> memref<1x1x2x512xf32, #tpu.memory_space<hbm>>
      %dma_start3A_193 = tpu.memref_squeeze %dma_start3A_192 : memref<1x1x2x512xf32, #tpu.memory_space<hbm>> -> memref<2x512xf32, #tpu.memory_space<hbm>>
      %dma_start3A_194 = arith.constant 0 : i32
      %dma_start3A_195 = tpu.memref_slice %arg4[%select_n3A, %dma_start3A_190, %add3A_132, %dma_start3A_194] : memref<8x3x512x512xf32, #tpu.memory_space<hbm>> -> memref<1x1x2x512xf32, #tpu.memory_space<hbm>>
      %dma_start3A_196 = tpu.memref_squeeze %dma_start3A_195 : memref<1x1x2x512xf32, #tpu.memory_space<hbm>> -> memref<2x512xf32, #tpu.memory_space<hbm>>
      tpu.enqueue_dma source(%arg12 : memref<2x512xf32, #tpu.memory_space<vmem>>) target(%dma_start3A_196 : memref<2x512xf32, #tpu.memory_space<hbm>>) target_semaphore(%arg20 : memref<!tpu.dma_semaphore, #tpu.memory_space<semaphore_mem>>)
      %dma_start3A_197 = arith.constant 1 : i32
      %dma_start3A_198 = arith.constant 0 : i32
      %dma_start3A_199 = tpu.memref_slice %arg4[%select_n3A, %dma_start3A_197, %add3A_132, %dma_start3A_198] : memref<8x3x512x512xf32, #tpu.memory_space<hbm>> -> memref<1x1x2x512xf32, #tpu.memory_space<hbm>>
      %dma_start3A_200 = tpu.memref_squeeze %dma_start3A_199 : memref<1x1x2x512xf32, #tpu.memory_space<hbm>> -> memref<2x512xf32, #tpu.memory_space<hbm>>
      %dma_start3A_201 = arith.constant 0 : i32
      %dma_start3A_202 = tpu.memref_slice %arg4[%select_n3A, %dma_start3A_197, %add3A_132, %dma_start3A_201] : memref<8x3x512x512xf32, #tpu.memory_space<hbm>> -> memref<1x1x2x512xf32, #tpu.memory_space<hbm>>
      %dma_start3A_203 = tpu.memref_squeeze %dma_start3A_202 : memref<1x1x2x512xf32, #tpu.memory_space<hbm>> -> memref<2x512xf32, #tpu.memory_space<hbm>>
      tpu.enqueue_dma source(%arg13 : memref<2x512xf32, #tpu.memory_space<vmem>>) target(%dma_start3A_203 : memref<2x512xf32, #tpu.memory_space<hbm>>) target_semaphore(%arg20 : memref<!tpu.dma_semaphore, #tpu.memory_space<semaphore_mem>>)
      %dma_start3A_204 = arith.constant 2 : i32
      %dma_start3A_205 = arith.constant 0 : i32
      %dma_start3A_206 = tpu.memref_slice %arg4[%select_n3A, %dma_start3A_204, %add3A_132, %dma_start3A_205] : memref<8x3x512x512xf32, #tpu.memory_space<hbm>> -> memref<1x1x2x512xf32, #tpu.memory_space<hbm>>
      %dma_start3A_207 = tpu.memref_squeeze %dma_start3A_206 : memref<1x1x2x512xf32, #tpu.memory_space<hbm>> -> memref<2x512xf32, #tpu.memory_space<hbm>>
      %dma_start3A_208 = arith.constant 0 : i32
      %dma_start3A_209 = tpu.memref_slice %arg4[%select_n3A, %dma_start3A_204, %add3A_132, %dma_start3A_208] : memref<8x3x512x512xf32, #tpu.memory_space<hbm>> -> memref<1x1x2x512xf32, #tpu.memory_space<hbm>>
      %dma_start3A_210 = tpu.memref_squeeze %dma_start3A_209 : memref<1x1x2x512xf32, #tpu.memory_space<hbm>> -> memref<2x512xf32, #tpu.memory_space<hbm>>
      tpu.enqueue_dma source(%arg14 : memref<2x512xf32, #tpu.memory_space<vmem>>) target(%dma_start3A_210 : memref<2x512xf32, #tpu.memory_space<hbm>>) target_semaphore(%arg20 : memref<!tpu.dma_semaphore, #tpu.memory_space<semaphore_mem>>)
      %lt3A_211 = arith.constant 31 : i32
      %lt3A_212 = arith.cmpi slt, %add3A_127, %lt3A_211 : i32
      %convert_element_type3A_213 = arith.extui %lt3A_212 : i1 to i32
      %cond3A_214 = arith.constant 0 : i32
      %cond3A_215 = arith.cmpi ne, %convert_element_type3A_213, %cond3A_214 : i32
      scf.if %cond3A_215 {
        %add3A_270 = arith.constant 2 : i32
        %add3A_271 = arith.addi %add3A_134, %add3A_270 : i32
        %dma_start3A_272 = arith.constant 0 : i32
        %dma_start3A_273 = arith.constant 0 : i32
        %dma_start3A_274 = tpu.memref_slice %arg2[%select_n3A, %dma_start3A_272, %add3A_271, %dma_start3A_273] : memref<8x3x512x512xf32, #tpu.memory_space<hbm>> -> memref<1x1x2x512xf32, #tpu.memory_space<hbm>>
        %dma_start3A_275 = tpu.memref_squeeze %dma_start3A_274 : memref<1x1x2x512xf32, #tpu.memory_space<hbm>> -> memref<2x512xf32, #tpu.memory_space<hbm>>
        %dma_start3A_276 = arith.constant 0 : i32
        %dma_start3A_277 = tpu.memref_slice %arg2[%select_n3A, %dma_start3A_272, %add3A_271, %dma_start3A_276] : memref<8x3x512x512xf32, #tpu.memory_space<hbm>> -> memref<1x1x2x512xf32, #tpu.memory_space<hbm>>
        %dma_start3A_278 = tpu.memref_squeeze %dma_start3A_277 : memref<1x1x2x512xf32, #tpu.memory_space<hbm>> -> memref<2x512xf32, #tpu.memory_space<hbm>>
        tpu.enqueue_dma source(%dma_start3A_278 : memref<2x512xf32, #tpu.memory_space<hbm>>) target(%arg6 : memref<2x512xf32, #tpu.memory_space<vmem>>) target_semaphore(%arg18 : memref<!tpu.dma_semaphore, #tpu.memory_space<semaphore_mem>>)
        %dma_start3A_279 = arith.constant 1 : i32
        %dma_start3A_280 = arith.constant 0 : i32
        %dma_start3A_281 = tpu.memref_slice %arg2[%select_n3A, %dma_start3A_279, %add3A_271, %dma_start3A_280] : memref<8x3x512x512xf32, #tpu.memory_space<hbm>> -> memref<1x1x2x512xf32, #tpu.memory_space<hbm>>
        %dma_start3A_282 = tpu.memref_squeeze %dma_start3A_281 : memref<1x1x2x512xf32, #tpu.memory_space<hbm>> -> memref<2x512xf32, #tpu.memory_space<hbm>>
        %dma_start3A_283 = arith.constant 0 : i32
        %dma_start3A_284 = tpu.memref_slice %arg2[%select_n3A, %dma_start3A_279, %add3A_271, %dma_start3A_283] : memref<8x3x512x512xf32, #tpu.memory_space<hbm>> -> memref<1x1x2x512xf32, #tpu.memory_space<hbm>>
        %dma_start3A_285 = tpu.memref_squeeze %dma_start3A_284 : memref<1x1x2x512xf32, #tpu.memory_space<hbm>> -> memref<2x512xf32, #tpu.memory_space<hbm>>
        tpu.enqueue_dma source(%dma_start3A_285 : memref<2x512xf32, #tpu.memory_space<hbm>>) target(%arg7 : memref<2x512xf32, #tpu.memory_space<vmem>>) target_semaphore(%arg18 : memref<!tpu.dma_semaphore, #tpu.memory_space<semaphore_mem>>)
        %dma_start3A_286 = arith.constant 2 : i32
        %dma_start3A_287 = arith.constant 0 : i32
        %dma_start3A_288 = tpu.memref_slice %arg2[%select_n3A, %dma_start3A_286, %add3A_271, %dma_start3A_287] : memref<8x3x512x512xf32, #tpu.memory_space<hbm>> -> memref<1x1x2x512xf32, #tpu.memory_space<hbm>>
        %dma_start3A_289 = tpu.memref_squeeze %dma_start3A_288 : memref<1x1x2x512xf32, #tpu.memory_space<hbm>> -> memref<2x512xf32, #tpu.memory_space<hbm>>
        %dma_start3A_290 = arith.constant 0 : i32
        %dma_start3A_291 = tpu.memref_slice %arg2[%select_n3A, %dma_start3A_286, %add3A_271, %dma_start3A_290] : memref<8x3x512x512xf32, #tpu.memory_space<hbm>> -> memref<1x1x2x512xf32, #tpu.memory_space<hbm>>
        %dma_start3A_292 = tpu.memref_squeeze %dma_start3A_291 : memref<1x1x2x512xf32, #tpu.memory_space<hbm>> -> memref<2x512xf32, #tpu.memory_space<hbm>>
        tpu.enqueue_dma source(%dma_start3A_292 : memref<2x512xf32, #tpu.memory_space<hbm>>) target(%arg8 : memref<2x512xf32, #tpu.memory_space<vmem>>) target_semaphore(%arg18 : memref<!tpu.dma_semaphore, #tpu.memory_space<semaphore_mem>>)
      } else {
      }
      %dma_wait3A_216 = arith.constant 0 : i32
      %dma_wait3A_217 = arith.constant 0 : i32
      %dma_wait3A_218 = arith.constant 0 : i32
      %dma_wait3A_219 = arith.constant 0 : i32
      %dma_wait3A_220 = tpu.memref_slice %arg2[%dma_wait3A_216, %dma_wait3A_217, %dma_wait3A_218, %dma_wait3A_219] : memref<8x3x512x512xf32, #tpu.memory_space<hbm>> -> memref<1x1x2x512xf32, #tpu.memory_space<hbm>>
      %dma_wait3A_221 = tpu.memref_squeeze %dma_wait3A_220 : memref<1x1x2x512xf32, #tpu.memory_space<hbm>> -> memref<2x512xf32, #tpu.memory_space<hbm>>
      %dma_wait3A_222 = arith.constant 0 : i32
      %dma_wait3A_223 = arith.constant 0 : i32
      %dma_wait3A_224 = tpu.memref_slice %arg2[%dma_wait3A_216, %dma_wait3A_217, %dma_wait3A_222, %dma_wait3A_223] : memref<8x3x512x512xf32, #tpu.memory_space<hbm>> -> memref<1x1x2x512xf32, #tpu.memory_space<hbm>>
      %dma_wait3A_225 = tpu.memref_squeeze %dma_wait3A_224 : memref<1x1x2x512xf32, #tpu.memory_space<hbm>> -> memref<2x512xf32, #tpu.memory_space<hbm>>
      tpu.wait_dma2 semaphore(%arg19 : memref<!tpu.dma_semaphore, #tpu.memory_space<semaphore_mem>>) src(%dma_wait3A_225 : memref<2x512xf32, #tpu.memory_space<hbm>>) dst(%arg9 : memref<2x512xf32, #tpu.memory_space<vmem>>)
      %dma_wait3A_226 = arith.constant 0 : i32
      %dma_wait3A_227 = arith.constant 0 : i32
      %dma_wait3A_228 = arith.constant 0 : i32
      %dma_wait3A_229 = arith.constant 0 : i32
      %dma_wait3A_230 = tpu.memref_slice %arg2[%dma_wait3A_226, %dma_wait3A_227, %dma_wait3A_228, %dma_wait3A_229] : memref<8x3x512x512xf32, #tpu.memory_space<hbm>> -> memref<1x1x2x512xf32, #tpu.memory_space<hbm>>
      %dma_wait3A_231 = tpu.memref_squeeze %dma_wait3A_230 : memref<1x1x2x512xf32, #tpu.memory_space<hbm>> -> memref<2x512xf32, #tpu.memory_space<hbm>>
      %dma_wait3A_232 = arith.constant 0 : i32
      %dma_wait3A_233 = arith.constant 0 : i32
      %dma_wait3A_234 = tpu.memref_slice %arg2[%dma_wait3A_226, %dma_wait3A_227, %dma_wait3A_232, %dma_wait3A_233] : memref<8x3x512x512xf32, #tpu.memory_space<hbm>> -> memref<1x1x2x512xf32, #tpu.memory_space<hbm>>
      %dma_wait3A_235 = tpu.memref_squeeze %dma_wait3A_234 : memref<1x1x2x512xf32, #tpu.memory_space<hbm>> -> memref<2x512xf32, #tpu.memory_space<hbm>>
      tpu.wait_dma2 semaphore(%arg19 : memref<!tpu.dma_semaphore, #tpu.memory_space<semaphore_mem>>) src(%dma_wait3A_235 : memref<2x512xf32, #tpu.memory_space<hbm>>) dst(%arg10 : memref<2x512xf32, #tpu.memory_space<vmem>>)
      %dma_wait3A_236 = arith.constant 0 : i32
      %dma_wait3A_237 = arith.constant 0 : i32
      %dma_wait3A_238 = arith.constant 0 : i32
      %dma_wait3A_239 = arith.constant 0 : i32
      %dma_wait3A_240 = tpu.memref_slice %arg2[%dma_wait3A_236, %dma_wait3A_237, %dma_wait3A_238, %dma_wait3A_239] : memref<8x3x512x512xf32, #tpu.memory_space<hbm>> -> memref<1x1x2x512xf32, #tpu.memory_space<hbm>>
      %dma_wait3A_241 = tpu.memref_squeeze %dma_wait3A_240 : memref<1x1x2x512xf32, #tpu.memory_space<hbm>> -> memref<2x512xf32, #tpu.memory_space<hbm>>
      %dma_wait3A_242 = arith.constant 0 : i32
      %dma_wait3A_243 = arith.constant 0 : i32
      %dma_wait3A_244 = tpu.memref_slice %arg2[%dma_wait3A_236, %dma_wait3A_237, %dma_wait3A_242, %dma_wait3A_243] : memref<8x3x512x512xf32, #tpu.memory_space<hbm>> -> memref<1x1x2x512xf32, #tpu.memory_space<hbm>>
      %dma_wait3A_245 = tpu.memref_squeeze %dma_wait3A_244 : memref<1x1x2x512xf32, #tpu.memory_space<hbm>> -> memref<2x512xf32, #tpu.memory_space<hbm>>
      tpu.wait_dma2 semaphore(%arg19 : memref<!tpu.dma_semaphore, #tpu.memory_space<semaphore_mem>>) src(%dma_wait3A_245 : memref<2x512xf32, #tpu.memory_space<hbm>>) dst(%arg11 : memref<2x512xf32, #tpu.memory_space<vmem>>)
      %parallel_loop3A_246 = arith.constant 0 : i32
      %parallel_loop3A_247 = arith.constant 32 : i32
      %parallel_loop3A_248 = arith.constant 1 : i32
      scf.for %parallel_loop3A_270 = %parallel_loop3A_246 to %parallel_loop3A_247 step %parallel_loop3A_248  : i32 {
        %parallel_loop3A_271 = arith.constant 16 : i32
        %parallel_loop3A_272 = arith.muli %parallel_loop3A_270, %parallel_loop3A_271 : i32
        %parallel_loop3A_273 = arith.constant 0 : i32
        %parallel_loop3A_274 = arith.index_cast %parallel_loop3A_273 : i32 to index
        %parallel_loop3A_275 = arith.index_cast %parallel_loop3A_272 : i32 to index
        %parallel_loop3A_276 = tpu.vector_load %arg9[%parallel_loop3A_274, %parallel_loop3A_275] {strides = array<i32>} : memref<2x512xf32, #tpu.memory_space<vmem>>, vector<16xf32>,
        %parallel_loop3A_277 = arith.constant 0 : i32
        %parallel_loop3A_278 = arith.index_cast %parallel_loop3A_277 : i32 to index
        %parallel_loop3A_279 = arith.index_cast %parallel_loop3A_272 : i32 to index
        %parallel_loop3A_280 = tpu.vector_load %arg10[%parallel_loop3A_278, %parallel_loop3A_279] {strides = array<i32>} : memref<2x512xf32, #tpu.memory_space<vmem>>, vector<16xf32>,
        %parallel_loop3A_281 = arith.constant 0 : i32
        %parallel_loop3A_282 = arith.index_cast %parallel_loop3A_281 : i32 to index
        %parallel_loop3A_283 = arith.index_cast %parallel_loop3A_272 : i32 to index
        %parallel_loop3A_284 = tpu.vector_load %arg11[%parallel_loop3A_282, %parallel_loop3A_283] {strides = array<i32>} : memref<2x512xf32, #tpu.memory_space<vmem>>, vector<16xf32>,
        %parallel_loop3A_285 = arith.constant 3.200000e+01 : f32
        %parallel_loop3A_286 = vector.broadcast %parallel_loop3A_285 : f32 to vector<16xf32>
        %parallel_loop3A_287 = arith.mulf %parallel_loop3A_276, %parallel_loop3A_286 : vector<16xf32>
        %parallel_loop3A_288 = arith.constant 3.200000e+01 : f32
        %parallel_loop3A_289 = vector.broadcast %parallel_loop3A_288 : f32 to vector<16xf32>
        %parallel_loop3A_290 = arith.mulf %parallel_loop3A_280, %parallel_loop3A_289 : vector<16xf32>
        %parallel_loop3A_291 = arith.constant 3.200000e+01 : f32
        %parallel_loop3A_292 = vector.broadcast %parallel_loop3A_291 : f32 to vector<16xf32>
        %parallel_loop3A_293 = arith.mulf %parallel_loop3A_284, %parallel_loop3A_292 : vector<16xf32>
        %parallel_loop3A_294 = arith.fptosi %parallel_loop3A_287 : vector<16xf32> to vector<16xi32>
        %parallel_loop3A_295 = arith.fptosi %parallel_loop3A_290 : vector<16xf32> to vector<16xi32>
        %parallel_loop3A_296 = arith.fptosi %parallel_loop3A_293 : vector<16xf32> to vector<16xi32>
        %parallel_loop3A_297 = arith.sitofp %parallel_loop3A_294 : vector<16xi32> to vector<16xf32>
        %parallel_loop3A_298 = arith.subf %parallel_loop3A_287, %parallel_loop3A_297 : vector<16xf32>
        %parallel_loop3A_299 = arith.sitofp %parallel_loop3A_295 : vector<16xi32> to vector<16xf32>
        %parallel_loop3A_300 = arith.subf %parallel_loop3A_290, %parallel_loop3A_299 : vector<16xf32>
        %parallel_loop3A_301 = arith.sitofp %parallel_loop3A_296 : vector<16xi32> to vector<16xf32>
        %parallel_loop3A_302 = arith.subf %parallel_loop3A_293, %parallel_loop3A_301 : vector<16xf32>
        %parallel_loop3A_303 = arith.constant 33 : i32
        %parallel_loop3A_304 = vector.broadcast %parallel_loop3A_303 : i32 to vector<16xi32>
        %parallel_loop3A_305 = arith.muli %parallel_loop3A_296, %parallel_loop3A_304 : vector<16xi32>
        %parallel_loop3A_306 = arith.addi %parallel_loop3A_305, %parallel_loop3A_295 : vector<16xi32>
        %parallel_loop3A_307 = arith.constant 33 : i32
        %parallel_loop3A_308 = vector.broadcast %parallel_loop3A_307 : i32 to vector<16xi32>
        %parallel_loop3A_309 = arith.muli %parallel_loop3A_306, %parallel_loop3A_308 : vector<16xi32>
        %parallel_loop3A_310 = vector.broadcast %sub3A_37 : i32 to vector<16xi32>
        %parallel_loop3A_311 = arith.addi %parallel_loop3A_294, %parallel_loop3A_310 : vector<16xi32>
        %parallel_loop3A_312 = arith.addi %parallel_loop3A_309, %parallel_loop3A_311 : vector<16xi32>
        %parallel_loop3A_313 = arith.constant 1.000000e+00 : f32
        %parallel_loop3A_314 = vector.broadcast %parallel_loop3A_313 : f32 to vector<16xf32>
        %parallel_loop3A_315 = arith.subf %parallel_loop3A_314, %parallel_loop3A_298 : vector<16xf32>
        %parallel_loop3A_316 = arith.constant 1.000000e+00 : f32
        %parallel_loop3A_317 = vector.broadcast %parallel_loop3A_316 : f32 to vector<16xf32>
        %parallel_loop3A_318 = arith.subf %parallel_loop3A_317, %parallel_loop3A_300 : vector<16xf32>
        %parallel_loop3A_319 = arith.constant 1.000000e+00 : f32
        %parallel_loop3A_320 = vector.broadcast %parallel_loop3A_319 : f32 to vector<16xf32>
        %parallel_loop3A_321 = arith.subf %parallel_loop3A_320, %parallel_loop3A_302 : vector<16xf32>
        %parallel_loop3A_322 = arith.mulf %parallel_loop3A_321, %parallel_loop3A_318 : vector<16xf32>
        %parallel_loop3A_323 = arith.mulf %parallel_loop3A_321, %parallel_loop3A_300 : vector<16xf32>
        %parallel_loop3A_324 = arith.mulf %parallel_loop3A_302, %parallel_loop3A_318 : vector<16xf32>
        %parallel_loop3A_325 = arith.mulf %parallel_loop3A_302, %parallel_loop3A_300 : vector<16xf32>
        %parallel_loop3A_326 = arith.mulf %parallel_loop3A_322, %parallel_loop3A_315 : vector<16xf32>
        %parallel_loop3A_327 = arith.mulf %parallel_loop3A_322, %parallel_loop3A_298 : vector<16xf32>
        %parallel_loop3A_328 = arith.mulf %parallel_loop3A_323, %parallel_loop3A_315 : vector<16xf32>
        %parallel_loop3A_329 = arith.mulf %parallel_loop3A_323, %parallel_loop3A_298 : vector<16xf32>
        %parallel_loop3A_330 = arith.mulf %parallel_loop3A_324, %parallel_loop3A_315 : vector<16xf32>
        %parallel_loop3A_331 = arith.mulf %parallel_loop3A_324, %parallel_loop3A_298 : vector<16xf32>
        %parallel_loop3A_332 = arith.mulf %parallel_loop3A_325, %parallel_loop3A_315 : vector<16xf32>
        %parallel_loop3A_333 = arith.mulf %parallel_loop3A_325, %parallel_loop3A_298 : vector<16xf32>
        %parallel_loop3A_334 = arith.constant 0 : i32
        %parallel_loop3A_335 = tpu.memref_slice %arg5[%parallel_loop3A_334] : memref<108944xf32, #tpu.memory_space<vmem>> -> memref<35945xf32, #tpu.memory_space<vmem>>
        %parallel_loop3A_336 = tpu.vector_load_idx %parallel_loop3A_335[%parallel_loop3A_312] : memref<35945xf32, #tpu.memory_space<vmem>>[vector<16xi32>], vector<16xf32>,
        %parallel_loop3A_337 = arith.mulf %parallel_loop3A_336, %parallel_loop3A_326 : vector<16xf32>
        %parallel_loop3A_338 = arith.constant 1 : i32
        %parallel_loop3A_339 = vector.broadcast %parallel_loop3A_338 : i32 to vector<16xi32>
        %parallel_loop3A_340 = arith.addi %parallel_loop3A_312, %parallel_loop3A_339 : vector<16xi32>
        %parallel_loop3A_341 = arith.constant 0 : i32
        %parallel_loop3A_342 = tpu.memref_slice %arg5[%parallel_loop3A_341] : memref<108944xf32, #tpu.memory_space<vmem>> -> memref<35945xf32, #tpu.memory_space<vmem>>
        %parallel_loop3A_343 = tpu.vector_load_idx %parallel_loop3A_342[%parallel_loop3A_340] : memref<35945xf32, #tpu.memory_space<vmem>>[vector<16xi32>], vector<16xf32>,
        %parallel_loop3A_344 = arith.mulf %parallel_loop3A_343, %parallel_loop3A_327 : vector<16xf32>
        %parallel_loop3A_345 = arith.constant 32 : i32
        %parallel_loop3A_346 = tpu.memref_slice %arg5[%parallel_loop3A_345] : memref<108944xf32, #tpu.memory_space<vmem>> -> memref<35945xf32, #tpu.memory_space<vmem>>
        %parallel_loop3A_347 = tpu.vector_load_idx %parallel_loop3A_346[%parallel_loop3A_340] : memref<35945xf32, #tpu.memory_space<vmem>>[vector<16xi32>], vector<16xf32>,
        %parallel_loop3A_348 = arith.mulf %parallel_loop3A_347, %parallel_loop3A_328 : vector<16xf32>
        %parallel_loop3A_349 = arith.constant 2 : i32
        %parallel_loop3A_350 = vector.broadcast %parallel_loop3A_349 : i32 to vector<16xi32>
        %parallel_loop3A_351 = arith.addi %parallel_loop3A_312, %parallel_loop3A_350 : vector<16xi32>
        %parallel_loop3A_352 = arith.constant 32 : i32
        %parallel_loop3A_353 = tpu.memref_slice %arg5[%parallel_loop3A_352] : memref<108944xf32, #tpu.memory_space<vmem>> -> memref<35945xf32, #tpu.memory_space<vmem>>
        %parallel_loop3A_354 = tpu.vector_load_idx %parallel_loop3A_353[%parallel_loop3A_351] : memref<35945xf32, #tpu.memory_space<vmem>>[vector<16xi32>], vector<16xf32>,
        %parallel_loop3A_355 = arith.mulf %parallel_loop3A_354, %parallel_loop3A_329 : vector<16xf32>
        %parallel_loop3A_356 = arith.constant 1088 : i32
        %parallel_loop3A_357 = tpu.memref_slice %arg5[%parallel_loop3A_356] : memref<108944xf32, #tpu.memory_space<vmem>> -> memref<35945xf32, #tpu.memory_space<vmem>>
        %parallel_loop3A_358 = tpu.vector_load_idx %parallel_loop3A_357[%parallel_loop3A_340] : memref<35945xf32, #tpu.memory_space<vmem>>[vector<16xi32>], vector<16xf32>,
        %parallel_loop3A_359 = arith.mulf %parallel_loop3A_358, %parallel_loop3A_330 : vector<16xf32>
        %parallel_loop3A_360 = arith.constant 1088 : i32
        %parallel_loop3A_361 = tpu.memref_slice %arg5[%parallel_loop3A_360] : memref<108944xf32, #tpu.memory_space<vmem>> -> memref<35945xf32, #tpu.memory_space<vmem>>
        %parallel_loop3A_362 = tpu.vector_load_idx %parallel_loop3A_361[%parallel_loop3A_351] : memref<35945xf32, #tpu.memory_space<vmem>>[vector<16xi32>], vector<16xf32>,
        %parallel_loop3A_363 = arith.mulf %parallel_loop3A_362, %parallel_loop3A_331 : vector<16xf32>
        %parallel_loop3A_364 = arith.constant 1120 : i32
        %parallel_loop3A_365 = tpu.memref_slice %arg5[%parallel_loop3A_364] : memref<108944xf32, #tpu.memory_space<vmem>> -> memref<35945xf32, #tpu.memory_space<vmem>>
        %parallel_loop3A_366 = tpu.vector_load_idx %parallel_loop3A_365[%parallel_loop3A_351] : memref<35945xf32, #tpu.memory_space<vmem>>[vector<16xi32>], vector<16xf32>,
        %parallel_loop3A_367 = arith.mulf %parallel_loop3A_366, %parallel_loop3A_332 : vector<16xf32>
        %parallel_loop3A_368 = arith.constant 3 : i32
        %parallel_loop3A_369 = vector.broadcast %parallel_loop3A_368 : i32 to vector<16xi32>
        %parallel_loop3A_370 = arith.addi %parallel_loop3A_312, %parallel_loop3A_369 : vector<16xi32>
        %parallel_loop3A_371 = arith.constant 1120 : i32
        %parallel_loop3A_372 = tpu.memref_slice %arg5[%parallel_loop3A_371] : memref<108944xf32, #tpu.memory_space<vmem>> -> memref<35945xf32, #tpu.memory_space<vmem>>
        %parallel_loop3A_373 = tpu.vector_load_idx %parallel_loop3A_372[%parallel_loop3A_370] : memref<35945xf32, #tpu.memory_space<vmem>>[vector<16xi32>], vector<16xf32>,
        %parallel_loop3A_374 = arith.mulf %parallel_loop3A_373, %parallel_loop3A_333 : vector<16xf32>
        %parallel_loop3A_375 = arith.addf %parallel_loop3A_337, %parallel_loop3A_344 : vector<16xf32>
        %parallel_loop3A_376 = arith.addf %parallel_loop3A_348, %parallel_loop3A_355 : vector<16xf32>
        %parallel_loop3A_377 = arith.addf %parallel_loop3A_375, %parallel_loop3A_376 : vector<16xf32>
        %parallel_loop3A_378 = arith.addf %parallel_loop3A_359, %parallel_loop3A_363 : vector<16xf32>
        %parallel_loop3A_379 = arith.addf %parallel_loop3A_367, %parallel_loop3A_374 : vector<16xf32>
        %parallel_loop3A_380 = arith.addf %parallel_loop3A_378, %parallel_loop3A_379 : vector<16xf32>
        %parallel_loop3A_381 = arith.addf %parallel_loop3A_377, %parallel_loop3A_380 : vector<16xf32>
        %parallel_loop3A_382 = arith.constant 0 : i32
        %parallel_loop3A_383 = arith.index_cast %parallel_loop3A_382 : i32 to index
        %parallel_loop3A_384 = arith.index_cast %parallel_loop3A_272 : i32 to index
        %parallel_loop3A_385 = tpu.vector_load %arg15[%parallel_loop3A_383, %parallel_loop3A_384] {strides = array<i32>} : memref<2x512xf32, #tpu.memory_space<vmem>>, vector<16xf32>,
        tpu.vector_store %arg15[%parallel_loop3A_383, %parallel_loop3A_384], %parallel_loop3A_381 {strides = array<i32>} : memref<2x512xf32, #tpu.memory_space<vmem>>, vector<16xf32>,
        %parallel_loop3A_386 = arith.constant 35936 : i32
        %parallel_loop3A_387 = tpu.memref_slice %arg5[%parallel_loop3A_386] : memref<108944xf32, #tpu.memory_space<vmem>> -> memref<35945xf32, #tpu.memory_space<vmem>>
        %parallel_loop3A_388 = tpu.vector_load_idx %parallel_loop3A_387[%parallel_loop3A_340] : memref<35945xf32, #tpu.memory_space<vmem>>[vector<16xi32>], vector<16xf32>,
        %parallel_loop3A_389 = arith.mulf %parallel_loop3A_388, %parallel_loop3A_326 : vector<16xf32>
        %parallel_loop3A_390 = arith.constant 35936 : i32
        %parallel_loop3A_391 = tpu.memref_slice %arg5[%parallel_loop3A_390] : memref<108944xf32, #tpu.memory_space<vmem>> -> memref<35945xf32, #tpu.memory_space<vmem>>
        %parallel_loop3A_392 = tpu.vector_load_idx %parallel_loop3A_391[%parallel_loop3A_351] : memref<35945xf32, #tpu.memory_space<vmem>>[vector<16xi32>], vector<16xf32>,
        %parallel_loop3A_393 = arith.mulf %parallel_loop3A_392, %parallel_loop3A_327 : vector<16xf32>
        %parallel_loop3A_394 = arith.constant 35968 : i32
        %parallel_loop3A_395 = tpu.memref_slice %arg5[%parallel_loop3A_394] : memref<108944xf32, #tpu.memory_space<vmem>> -> memref<35945xf32, #tpu.memory_space<vmem>>
        %parallel_loop3A_396 = tpu.vector_load_idx %parallel_loop3A_395[%parallel_loop3A_351] : memref<35945xf32, #tpu.memory_space<vmem>>[vector<16xi32>], vector<16xf32>,
        %parallel_loop3A_397 = arith.mulf %parallel_loop3A_396, %parallel_loop3A_328 : vector<16xf32>
        %parallel_loop3A_398 = arith.constant 35968 : i32
        %parallel_loop3A_399 = tpu.memref_slice %arg5[%parallel_loop3A_398] : memref<108944xf32, #tpu.memory_space<vmem>> -> memref<35945xf32, #tpu.memory_space<vmem>>
        %parallel_loop3A_400 = tpu.vector_load_idx %parallel_loop3A_399[%parallel_loop3A_370] : memref<35945xf32, #tpu.memory_space<vmem>>[vector<16xi32>], vector<16xf32>,
        %parallel_loop3A_401 = arith.mulf %parallel_loop3A_400, %parallel_loop3A_329 : vector<16xf32>
        %parallel_loop3A_402 = arith.constant 37024 : i32
        %parallel_loop3A_403 = tpu.memref_slice %arg5[%parallel_loop3A_402] : memref<108944xf32, #tpu.memory_space<vmem>> -> memref<35945xf32, #tpu.memory_space<vmem>>
        %parallel_loop3A_404 = tpu.vector_load_idx %parallel_loop3A_403[%parallel_loop3A_351] : memref<35945xf32, #tpu.memory_space<vmem>>[vector<16xi32>], vector<16xf32>,
        %parallel_loop3A_405 = arith.mulf %parallel_loop3A_404, %parallel_loop3A_330 : vector<16xf32>
        %parallel_loop3A_406 = arith.constant 37024 : i32
        %parallel_loop3A_407 = tpu.memref_slice %arg5[%parallel_loop3A_406] : memref<108944xf32, #tpu.memory_space<vmem>> -> memref<35945xf32, #tpu.memory_space<vmem>>
        %parallel_loop3A_408 = tpu.vector_load_idx %parallel_loop3A_407[%parallel_loop3A_370] : memref<35945xf32, #tpu.memory_space<vmem>>[vector<16xi32>], vector<16xf32>,
        %parallel_loop3A_409 = arith.mulf %parallel_loop3A_408, %parallel_loop3A_331 : vector<16xf32>
        %parallel_loop3A_410 = arith.constant 37056 : i32
        %parallel_loop3A_411 = tpu.memref_slice %arg5[%parallel_loop3A_410] : memref<108944xf32, #tpu.memory_space<vmem>> -> memref<35945xf32, #tpu.memory_space<vmem>>
        %parallel_loop3A_412 = tpu.vector_load_idx %parallel_loop3A_411[%parallel_loop3A_370] : memref<35945xf32, #tpu.memory_space<vmem>>[vector<16xi32>], vector<16xf32>,
        %parallel_loop3A_413 = arith.mulf %parallel_loop3A_412, %parallel_loop3A_332 : vector<16xf32>
        %parallel_loop3A_414 = arith.constant 4 : i32
        %parallel_loop3A_415 = vector.broadcast %parallel_loop3A_414 : i32 to vector<16xi32>
        %parallel_loop3A_416 = arith.addi %parallel_loop3A_312, %parallel_loop3A_415 : vector<16xi32>
        %parallel_loop3A_417 = arith.constant 37056 : i32
        %parallel_loop3A_418 = tpu.memref_slice %arg5[%parallel_loop3A_417] : memref<108944xf32, #tpu.memory_space<vmem>> -> memref<35945xf32, #tpu.memory_space<vmem>>
        %parallel_loop3A_419 = tpu.vector_load_idx %parallel_loop3A_418[%parallel_loop3A_416] : memref<35945xf32, #tpu.memory_space<vmem>>[vector<16xi32>], vector<16xf32>,
        %parallel_loop3A_420 = arith.mulf %parallel_loop3A_419, %parallel_loop3A_333 : vector<16xf32>
        %parallel_loop3A_421 = arith.addf %parallel_loop3A_389, %parallel_loop3A_393 : vector<16xf32>
        %parallel_loop3A_422 = arith.addf %parallel_loop3A_397, %parallel_loop3A_401 : vector<16xf32>
        %parallel_loop3A_423 = arith.addf %parallel_loop3A_421, %parallel_loop3A_422 : vector<16xf32>
        %parallel_loop3A_424 = arith.addf %parallel_loop3A_405, %parallel_loop3A_409 : vector<16xf32>
        %parallel_loop3A_425 = arith.addf %parallel_loop3A_413, %parallel_loop3A_420 : vector<16xf32>
        %parallel_loop3A_426 = arith.addf %parallel_loop3A_424, %parallel_loop3A_425 : vector<16xf32>
        %parallel_loop3A_427 = arith.addf %parallel_loop3A_423, %parallel_loop3A_426 : vector<16xf32>
        %parallel_loop3A_428 = arith.constant 0 : i32
        %parallel_loop3A_429 = arith.index_cast %parallel_loop3A_428 : i32 to index
        %parallel_loop3A_430 = arith.index_cast %parallel_loop3A_272 : i32 to index
        %parallel_loop3A_431 = tpu.vector_load %arg16[%parallel_loop3A_429, %parallel_loop3A_430] {strides = array<i32>} : memref<2x512xf32, #tpu.memory_space<vmem>>, vector<16xf32>,
        tpu.vector_store %arg16[%parallel_loop3A_429, %parallel_loop3A_430], %parallel_loop3A_427 {strides = array<i32>} : memref<2x512xf32, #tpu.memory_space<vmem>>, vector<16xf32>,
        %parallel_loop3A_432 = arith.constant 71872 : i32
        %parallel_loop3A_433 = tpu.memref_slice %arg5[%parallel_loop3A_432] : memref<108944xf32, #tpu.memory_space<vmem>> -> memref<35945xf32, #tpu.memory_space<vmem>>
        %parallel_loop3A_434 = tpu.vector_load_idx %parallel_loop3A_433[%parallel_loop3A_351] : memref<35945xf32, #tpu.memory_space<vmem>>[vector<16xi32>], vector<16xf32>,
        %parallel_loop3A_435 = arith.mulf %parallel_loop3A_434, %parallel_loop3A_326 : vector<16xf32>
        %parallel_loop3A_436 = arith.constant 71872 : i32
        %parallel_loop3A_437 = tpu.memref_slice %arg5[%parallel_loop3A_436] : memref<108944xf32, #tpu.memory_space<vmem>> -> memref<35945xf32, #tpu.memory_space<vmem>>
        %parallel_loop3A_438 = tpu.vector_load_idx %parallel_loop3A_437[%parallel_loop3A_370] : memref<35945xf32, #tpu.memory_space<vmem>>[vector<16xi32>], vector<16xf32>,
        %parallel_loop3A_439 = arith.mulf %parallel_loop3A_438, %parallel_loop3A_327 : vector<16xf32>
        %parallel_loop3A_440 = arith.constant 71904 : i32
        %parallel_loop3A_441 = tpu.memref_slice %arg5[%parallel_loop3A_440] : memref<108944xf32, #tpu.memory_space<vmem>> -> memref<35945xf32, #tpu.memory_space<vmem>>
        %parallel_loop3A_442 = tpu.vector_load_idx %parallel_loop3A_441[%parallel_loop3A_370] : memref<35945xf32, #tpu.memory_space<vmem>>[vector<16xi32>], vector<16xf32>,
        %parallel_loop3A_443 = arith.mulf %parallel_loop3A_442, %parallel_loop3A_328 : vector<16xf32>
        %parallel_loop3A_444 = arith.constant 71904 : i32
        %parallel_loop3A_445 = tpu.memref_slice %arg5[%parallel_loop3A_444] : memref<108944xf32, #tpu.memory_space<vmem>> -> memref<35945xf32, #tpu.memory_space<vmem>>
        %parallel_loop3A_446 = tpu.vector_load_idx %parallel_loop3A_445[%parallel_loop3A_416] : memref<35945xf32, #tpu.memory_space<vmem>>[vector<16xi32>], vector<16xf32>,
        %parallel_loop3A_447 = arith.mulf %parallel_loop3A_446, %parallel_loop3A_329 : vector<16xf32>
        %parallel_loop3A_448 = arith.constant 72960 : i32
        %parallel_loop3A_449 = tpu.memref_slice %arg5[%parallel_loop3A_448] : memref<108944xf32, #tpu.memory_space<vmem>> -> memref<35945xf32, #tpu.memory_space<vmem>>
        %parallel_loop3A_450 = tpu.vector_load_idx %parallel_loop3A_449[%parallel_loop3A_370] : memref<35945xf32, #tpu.memory_space<vmem>>[vector<16xi32>], vector<16xf32>,
        %parallel_loop3A_451 = arith.mulf %parallel_loop3A_450, %parallel_loop3A_330 : vector<16xf32>
        %parallel_loop3A_452 = arith.constant 72960 : i32
        %parallel_loop3A_453 = tpu.memref_slice %arg5[%parallel_loop3A_452] : memref<108944xf32, #tpu.memory_space<vmem>> -> memref<35945xf32, #tpu.memory_space<vmem>>
        %parallel_loop3A_454 = tpu.vector_load_idx %parallel_loop3A_453[%parallel_loop3A_416] : memref<35945xf32, #tpu.memory_space<vmem>>[vector<16xi32>], vector<16xf32>,
        %parallel_loop3A_455 = arith.mulf %parallel_loop3A_454, %parallel_loop3A_331 : vector<16xf32>
        %parallel_loop3A_456 = arith.constant 72992 : i32
        %parallel_loop3A_457 = tpu.memref_slice %arg5[%parallel_loop3A_456] : memref<108944xf32, #tpu.memory_space<vmem>> -> memref<35945xf32, #tpu.memory_space<vmem>>
        %parallel_loop3A_458 = tpu.vector_load_idx %parallel_loop3A_457[%parallel_loop3A_416] : memref<35945xf32, #tpu.memory_space<vmem>>[vector<16xi32>], vector<16xf32>,
        %parallel_loop3A_459 = arith.mulf %parallel_loop3A_458, %parallel_loop3A_332 : vector<16xf32>
        %parallel_loop3A_460 = arith.constant 5 : i32
        %parallel_loop3A_461 = vector.broadcast %parallel_loop3A_460 : i32 to vector<16xi32>
        %parallel_loop3A_462 = arith.addi %parallel_loop3A_312, %parallel_loop3A_461 : vector<16xi32>
        %parallel_loop3A_463 = arith.constant 72992 : i32
        %parallel_loop3A_464 = tpu.memref_slice %arg5[%parallel_loop3A_463] : memref<108944xf32, #tpu.memory_space<vmem>> -> memref<35945xf32, #tpu.memory_space<vmem>>
        %parallel_loop3A_465 = tpu.vector_load_idx %parallel_loop3A_464[%parallel_loop3A_462] : memref<35945xf32, #tpu.memory_space<vmem>>[vector<16xi32>], vector<16xf32>,
        %parallel_loop3A_466 = arith.mulf %parallel_loop3A_465, %parallel_loop3A_333 : vector<16xf32>
        %parallel_loop3A_467 = arith.addf %parallel_loop3A_435, %parallel_loop3A_439 : vector<16xf32>
        %parallel_loop3A_468 = arith.addf %parallel_loop3A_443, %parallel_loop3A_447 : vector<16xf32>
        %parallel_loop3A_469 = arith.addf %parallel_loop3A_467, %parallel_loop3A_468 : vector<16xf32>
        %parallel_loop3A_470 = arith.addf %parallel_loop3A_451, %parallel_loop3A_455 : vector<16xf32>
        %parallel_loop3A_471 = arith.addf %parallel_loop3A_459, %parallel_loop3A_466 : vector<16xf32>
        %parallel_loop3A_472 = arith.addf %parallel_loop3A_470, %parallel_loop3A_471 : vector<16xf32>
        %parallel_loop3A_473 = arith.addf %parallel_loop3A_469, %parallel_loop3A_472 : vector<16xf32>
        %parallel_loop3A_474 = arith.constant 0 : i32
        %parallel_loop3A_475 = arith.index_cast %parallel_loop3A_474 : i32 to index
        %parallel_loop3A_476 = arith.index_cast %parallel_loop3A_272 : i32 to index
        %parallel_loop3A_477 = tpu.vector_load %arg17[%parallel_loop3A_475, %parallel_loop3A_476] {strides = array<i32>} : memref<2x512xf32, #tpu.memory_space<vmem>>, vector<16xf32>,
        tpu.vector_store %arg17[%parallel_loop3A_475, %parallel_loop3A_476], %parallel_loop3A_473 {strides = array<i32>} : memref<2x512xf32, #tpu.memory_space<vmem>>, vector<16xf32>,
        %parallel_loop3A_478 = arith.constant 1 : i32
        %parallel_loop3A_479 = arith.index_cast %parallel_loop3A_478 : i32 to index
        %parallel_loop3A_480 = arith.index_cast %parallel_loop3A_272 : i32 to index
        %parallel_loop3A_481 = tpu.vector_load %arg9[%parallel_loop3A_479, %parallel_loop3A_480] {strides = array<i32>} : memref<2x512xf32, #tpu.memory_space<vmem>>, vector<16xf32>,
        %parallel_loop3A_482 = arith.constant 1 : i32
        %parallel_loop3A_483 = arith.index_cast %parallel_loop3A_482 : i32 to index
        %parallel_loop3A_484 = arith.index_cast %parallel_loop3A_272 : i32 to index
        %parallel_loop3A_485 = tpu.vector_load %arg10[%parallel_loop3A_483, %parallel_loop3A_484] {strides = array<i32>} : memref<2x512xf32, #tpu.memory_space<vmem>>, vector<16xf32>,
        %parallel_loop3A_486 = arith.constant 1 : i32
        %parallel_loop3A_487 = arith.index_cast %parallel_loop3A_486 : i32 to index
        %parallel_loop3A_488 = arith.index_cast %parallel_loop3A_272 : i32 to index
        %parallel_loop3A_489 = tpu.vector_load %arg11[%parallel_loop3A_487, %parallel_loop3A_488] {strides = array<i32>} : memref<2x512xf32, #tpu.memory_space<vmem>>, vector<16xf32>,
        %parallel_loop3A_490 = arith.constant 3.200000e+01 : f32
        %parallel_loop3A_491 = vector.broadcast %parallel_loop3A_490 : f32 to vector<16xf32>
        %parallel_loop3A_492 = arith.mulf %parallel_loop3A_481, %parallel_loop3A_491 : vector<16xf32>
        %parallel_loop3A_493 = arith.constant 3.200000e+01 : f32
        %parallel_loop3A_494 = vector.broadcast %parallel_loop3A_493 : f32 to vector<16xf32>
        %parallel_loop3A_495 = arith.mulf %parallel_loop3A_485, %parallel_loop3A_494 : vector<16xf32>
        %parallel_loop3A_496 = arith.constant 3.200000e+01 : f32
        %parallel_loop3A_497 = vector.broadcast %parallel_loop3A_496 : f32 to vector<16xf32>
        %parallel_loop3A_498 = arith.mulf %parallel_loop3A_489, %parallel_loop3A_497 : vector<16xf32>
        %parallel_loop3A_499 = arith.fptosi %parallel_loop3A_492 : vector<16xf32> to vector<16xi32>
        %parallel_loop3A_500 = arith.fptosi %parallel_loop3A_495 : vector<16xf32> to vector<16xi32>
        %parallel_loop3A_501 = arith.fptosi %parallel_loop3A_498 : vector<16xf32> to vector<16xi32>
        %parallel_loop3A_502 = arith.sitofp %parallel_loop3A_499 : vector<16xi32> to vector<16xf32>
        %parallel_loop3A_503 = arith.subf %parallel_loop3A_492, %parallel_loop3A_502 : vector<16xf32>
        %parallel_loop3A_504 = arith.sitofp %parallel_loop3A_500 : vector<16xi32> to vector<16xf32>
        %parallel_loop3A_505 = arith.subf %parallel_loop3A_495, %parallel_loop3A_504 : vector<16xf32>
        %parallel_loop3A_506 = arith.sitofp %parallel_loop3A_501 : vector<16xi32> to vector<16xf32>
        %parallel_loop3A_507 = arith.subf %parallel_loop3A_498, %parallel_loop3A_506 : vector<16xf32>
        %parallel_loop3A_508 = arith.constant 33 : i32
        %parallel_loop3A_509 = vector.broadcast %parallel_loop3A_508 : i32 to vector<16xi32>
        %parallel_loop3A_510 = arith.muli %parallel_loop3A_501, %parallel_loop3A_509 : vector<16xi32>
        %parallel_loop3A_511 = arith.addi %parallel_loop3A_510, %parallel_loop3A_500 : vector<16xi32>
        %parallel_loop3A_512 = arith.constant 33 : i32
        %parallel_loop3A_513 = vector.broadcast %parallel_loop3A_512 : i32 to vector<16xi32>
        %parallel_loop3A_514 = arith.muli %parallel_loop3A_511, %parallel_loop3A_513 : vector<16xi32>
        %parallel_loop3A_515 = vector.broadcast %sub3A_37 : i32 to vector<16xi32>
        %parallel_loop3A_516 = arith.addi %parallel_loop3A_499, %parallel_loop3A_515 : vector<16xi32>
        %parallel_loop3A_517 = arith.addi %parallel_loop3A_514, %parallel_loop3A_516 : vector<16xi32>
        %parallel_loop3A_518 = arith.constant 1.000000e+00 : f32
        %parallel_loop3A_519 = vector.broadcast %parallel_loop3A_518 : f32 to vector<16xf32>
        %parallel_loop3A_520 = arith.subf %parallel_loop3A_519, %parallel_loop3A_503 : vector<16xf32>
        %parallel_loop3A_521 = arith.constant 1.000000e+00 : f32
        %parallel_loop3A_522 = vector.broadcast %parallel_loop3A_521 : f32 to vector<16xf32>
        %parallel_loop3A_523 = arith.subf %parallel_loop3A_522, %parallel_loop3A_505 : vector<16xf32>
        %parallel_loop3A_524 = arith.constant 1.000000e+00 : f32
        %parallel_loop3A_525 = vector.broadcast %parallel_loop3A_524 : f32 to vector<16xf32>
        %parallel_loop3A_526 = arith.subf %parallel_loop3A_525, %parallel_loop3A_507 : vector<16xf32>
        %parallel_loop3A_527 = arith.mulf %parallel_loop3A_526, %parallel_loop3A_523 : vector<16xf32>
        %parallel_loop3A_528 = arith.mulf %parallel_loop3A_526, %parallel_loop3A_505 : vector<16xf32>
        %parallel_loop3A_529 = arith.mulf %parallel_loop3A_507, %parallel_loop3A_523 : vector<16xf32>
        %parallel_loop3A_530 = arith.mulf %parallel_loop3A_507, %parallel_loop3A_505 : vector<16xf32>
        %parallel_loop3A_531 = arith.mulf %parallel_loop3A_527, %parallel_loop3A_520 : vector<16xf32>
        %parallel_loop3A_532 = arith.mulf %parallel_loop3A_527, %parallel_loop3A_503 : vector<16xf32>
        %parallel_loop3A_533 = arith.mulf %parallel_loop3A_528, %parallel_loop3A_520 : vector<16xf32>
        %parallel_loop3A_534 = arith.mulf %parallel_loop3A_528, %parallel_loop3A_503 : vector<16xf32>
        %parallel_loop3A_535 = arith.mulf %parallel_loop3A_529, %parallel_loop3A_520 : vector<16xf32>
        %parallel_loop3A_536 = arith.mulf %parallel_loop3A_529, %parallel_loop3A_503 : vector<16xf32>
        %parallel_loop3A_537 = arith.mulf %parallel_loop3A_530, %parallel_loop3A_520 : vector<16xf32>
        %parallel_loop3A_538 = arith.mulf %parallel_loop3A_530, %parallel_loop3A_503 : vector<16xf32>
        %parallel_loop3A_539 = arith.constant 0 : i32
        %parallel_loop3A_540 = tpu.memref_slice %arg5[%parallel_loop3A_539] : memref<108944xf32, #tpu.memory_space<vmem>> -> memref<35945xf32, #tpu.memory_space<vmem>>
        %parallel_loop3A_541 = tpu.vector_load_idx %parallel_loop3A_540[%parallel_loop3A_517] : memref<35945xf32, #tpu.memory_space<vmem>>[vector<16xi32>], vector<16xf32>,
        %parallel_loop3A_542 = arith.mulf %parallel_loop3A_541, %parallel_loop3A_531 : vector<16xf32>
        %parallel_loop3A_543 = arith.constant 1 : i32
        %parallel_loop3A_544 = vector.broadcast %parallel_loop3A_543 : i32 to vector<16xi32>
        %parallel_loop3A_545 = arith.addi %parallel_loop3A_517, %parallel_loop3A_544 : vector<16xi32>
        %parallel_loop3A_546 = arith.constant 0 : i32
        %parallel_loop3A_547 = tpu.memref_slice %arg5[%parallel_loop3A_546] : memref<108944xf32, #tpu.memory_space<vmem>> -> memref<35945xf32, #tpu.memory_space<vmem>>
        %parallel_loop3A_548 = tpu.vector_load_idx %parallel_loop3A_547[%parallel_loop3A_545] : memref<35945xf32, #tpu.memory_space<vmem>>[vector<16xi32>], vector<16xf32>,
        %parallel_loop3A_549 = arith.mulf %parallel_loop3A_548, %parallel_loop3A_532 : vector<16xf32>
        %parallel_loop3A_550 = arith.constant 32 : i32
        %parallel_loop3A_551 = tpu.memref_slice %arg5[%parallel_loop3A_550] : memref<108944xf32, #tpu.memory_space<vmem>> -> memref<35945xf32, #tpu.memory_space<vmem>>
        %parallel_loop3A_552 = tpu.vector_load_idx %parallel_loop3A_551[%parallel_loop3A_545] : memref<35945xf32, #tpu.memory_space<vmem>>[vector<16xi32>], vector<16xf32>,
        %parallel_loop3A_553 = arith.mulf %parallel_loop3A_552, %parallel_loop3A_533 : vector<16xf32>
        %parallel_loop3A_554 = arith.constant 2 : i32
        %parallel_loop3A_555 = vector.broadcast %parallel_loop3A_554 : i32 to vector<16xi32>
        %parallel_loop3A_556 = arith.addi %parallel_loop3A_517, %parallel_loop3A_555 : vector<16xi32>
        %parallel_loop3A_557 = arith.constant 32 : i32
        %parallel_loop3A_558 = tpu.memref_slice %arg5[%parallel_loop3A_557] : memref<108944xf32, #tpu.memory_space<vmem>> -> memref<35945xf32, #tpu.memory_space<vmem>>
        %parallel_loop3A_559 = tpu.vector_load_idx %parallel_loop3A_558[%parallel_loop3A_556] : memref<35945xf32, #tpu.memory_space<vmem>>[vector<16xi32>], vector<16xf32>,
        %parallel_loop3A_560 = arith.mulf %parallel_loop3A_559, %parallel_loop3A_534 : vector<16xf32>
        %parallel_loop3A_561 = arith.constant 1088 : i32
        %parallel_loop3A_562 = tpu.memref_slice %arg5[%parallel_loop3A_561] : memref<108944xf32, #tpu.memory_space<vmem>> -> memref<35945xf32, #tpu.memory_space<vmem>>
        %parallel_loop3A_563 = tpu.vector_load_idx %parallel_loop3A_562[%parallel_loop3A_545] : memref<35945xf32, #tpu.memory_space<vmem>>[vector<16xi32>], vector<16xf32>,
        %parallel_loop3A_564 = arith.mulf %parallel_loop3A_563, %parallel_loop3A_535 : vector<16xf32>
        %parallel_loop3A_565 = arith.constant 1088 : i32
        %parallel_loop3A_566 = tpu.memref_slice %arg5[%parallel_loop3A_565] : memref<108944xf32, #tpu.memory_space<vmem>> -> memref<35945xf32, #tpu.memory_space<vmem>>
        %parallel_loop3A_567 = tpu.vector_load_idx %parallel_loop3A_566[%parallel_loop3A_556] : memref<35945xf32, #tpu.memory_space<vmem>>[vector<16xi32>], vector<16xf32>,
        %parallel_loop3A_568 = arith.mulf %parallel_loop3A_567, %parallel_loop3A_536 : vector<16xf32>
        %parallel_loop3A_569 = arith.constant 1120 : i32
        %parallel_loop3A_570 = tpu.memref_slice %arg5[%parallel_loop3A_569] : memref<108944xf32, #tpu.memory_space<vmem>> -> memref<35945xf32, #tpu.memory_space<vmem>>
        %parallel_loop3A_571 = tpu.vector_load_idx %parallel_loop3A_570[%parallel_loop3A_556] : memref<35945xf32, #tpu.memory_space<vmem>>[vector<16xi32>], vector<16xf32>,
        %parallel_loop3A_572 = arith.mulf %parallel_loop3A_571, %parallel_loop3A_537 : vector<16xf32>
        %parallel_loop3A_573 = arith.constant 3 : i32
        %parallel_loop3A_574 = vector.broadcast %parallel_loop3A_573 : i32 to vector<16xi32>
        %parallel_loop3A_575 = arith.addi %parallel_loop3A_517, %parallel_loop3A_574 : vector<16xi32>
        %parallel_loop3A_576 = arith.constant 1120 : i32
        %parallel_loop3A_577 = tpu.memref_slice %arg5[%parallel_loop3A_576] : memref<108944xf32, #tpu.memory_space<vmem>> -> memref<35945xf32, #tpu.memory_space<vmem>>
        %parallel_loop3A_578 = tpu.vector_load_idx %parallel_loop3A_577[%parallel_loop3A_575] : memref<35945xf32, #tpu.memory_space<vmem>>[vector<16xi32>], vector<16xf32>,
        %parallel_loop3A_579 = arith.mulf %parallel_loop3A_578, %parallel_loop3A_538 : vector<16xf32>
        %parallel_loop3A_580 = arith.addf %parallel_loop3A_542, %parallel_loop3A_549 : vector<16xf32>
        %parallel_loop3A_581 = arith.addf %parallel_loop3A_553, %parallel_loop3A_560 : vector<16xf32>
        %parallel_loop3A_582 = arith.addf %parallel_loop3A_580, %parallel_loop3A_581 : vector<16xf32>
        %parallel_loop3A_583 = arith.addf %parallel_loop3A_564, %parallel_loop3A_568 : vector<16xf32>
        %parallel_loop3A_584 = arith.addf %parallel_loop3A_572, %parallel_loop3A_579 : vector<16xf32>
        %parallel_loop3A_585 = arith.addf %parallel_loop3A_583, %parallel_loop3A_584 : vector<16xf32>
        %parallel_loop3A_586 = arith.addf %parallel_loop3A_582, %parallel_loop3A_585 : vector<16xf32>
        %parallel_loop3A_587 = arith.constant 1 : i32
        %parallel_loop3A_588 = arith.index_cast %parallel_loop3A_587 : i32 to index
        %parallel_loop3A_589 = arith.index_cast %parallel_loop3A_272 : i32 to index
        %parallel_loop3A_590 = tpu.vector_load %arg15[%parallel_loop3A_588, %parallel_loop3A_589] {strides = array<i32>} : memref<2x512xf32, #tpu.memory_space<vmem>>, vector<16xf32>,
        tpu.vector_store %arg15[%parallel_loop3A_588, %parallel_loop3A_589], %parallel_loop3A_586 {strides = array<i32>} : memref<2x512xf32, #tpu.memory_space<vmem>>, vector<16xf32>,
        %parallel_loop3A_591 = arith.constant 35936 : i32
        %parallel_loop3A_592 = tpu.memref_slice %arg5[%parallel_loop3A_591] : memref<108944xf32, #tpu.memory_space<vmem>> -> memref<35945xf32, #tpu.memory_space<vmem>>
        %parallel_loop3A_593 = tpu.vector_load_idx %parallel_loop3A_592[%parallel_loop3A_545] : memref<35945xf32, #tpu.memory_space<vmem>>[vector<16xi32>], vector<16xf32>,
        %parallel_loop3A_594 = arith.mulf %parallel_loop3A_593, %parallel_loop3A_531 : vector<16xf32>
        %parallel_loop3A_595 = arith.constant 35936 : i32
        %parallel_loop3A_596 = tpu.memref_slice %arg5[%parallel_loop3A_595] : memref<108944xf32, #tpu.memory_space<vmem>> -> memref<35945xf32, #tpu.memory_space<vmem>>
        %parallel_loop3A_597 = tpu.vector_load_idx %parallel_loop3A_596[%parallel_loop3A_556] : memref<35945xf32, #tpu.memory_space<vmem>>[vector<16xi32>], vector<16xf32>,
        %parallel_loop3A_598 = arith.mulf %parallel_loop3A_597, %parallel_loop3A_532 : vector<16xf32>
        %parallel_loop3A_599 = arith.constant 35968 : i32
        %parallel_loop3A_600 = tpu.memref_slice %arg5[%parallel_loop3A_599] : memref<108944xf32, #tpu.memory_space<vmem>> -> memref<35945xf32, #tpu.memory_space<vmem>>
        %parallel_loop3A_601 = tpu.vector_load_idx %parallel_loop3A_600[%parallel_loop3A_556] : memref<35945xf32, #tpu.memory_space<vmem>>[vector<16xi32>], vector<16xf32>,
        %parallel_loop3A_602 = arith.mulf %parallel_loop3A_601, %parallel_loop3A_533 : vector<16xf32>
        %parallel_loop3A_603 = arith.constant 35968 : i32
        %parallel_loop3A_604 = tpu.memref_slice %arg5[%parallel_loop3A_603] : memref<108944xf32, #tpu.memory_space<vmem>> -> memref<35945xf32, #tpu.memory_space<vmem>>
        %parallel_loop3A_605 = tpu.vector_load_idx %parallel_loop3A_604[%parallel_loop3A_575] : memref<35945xf32, #tpu.memory_space<vmem>>[vector<16xi32>], vector<16xf32>,
        %parallel_loop3A_606 = arith.mulf %parallel_loop3A_605, %parallel_loop3A_534 : vector<16xf32>
        %parallel_loop3A_607 = arith.constant 37024 : i32
        %parallel_loop3A_608 = tpu.memref_slice %arg5[%parallel_loop3A_607] : memref<108944xf32, #tpu.memory_space<vmem>> -> memref<35945xf32, #tpu.memory_space<vmem>>
        %parallel_loop3A_609 = tpu.vector_load_idx %parallel_loop3A_608[%parallel_loop3A_556] : memref<35945xf32, #tpu.memory_space<vmem>>[vector<16xi32>], vector<16xf32>,
        %parallel_loop3A_610 = arith.mulf %parallel_loop3A_609, %parallel_loop3A_535 : vector<16xf32>
        %parallel_loop3A_611 = arith.constant 37024 : i32
        %parallel_loop3A_612 = tpu.memref_slice %arg5[%parallel_loop3A_611] : memref<108944xf32, #tpu.memory_space<vmem>> -> memref<35945xf32, #tpu.memory_space<vmem>>
        %parallel_loop3A_613 = tpu.vector_load_idx %parallel_loop3A_612[%parallel_loop3A_575] : memref<35945xf32, #tpu.memory_space<vmem>>[vector<16xi32>], vector<16xf32>,
        %parallel_loop3A_614 = arith.mulf %parallel_loop3A_613, %parallel_loop3A_536 : vector<16xf32>
        %parallel_loop3A_615 = arith.constant 37056 : i32
        %parallel_loop3A_616 = tpu.memref_slice %arg5[%parallel_loop3A_615] : memref<108944xf32, #tpu.memory_space<vmem>> -> memref<35945xf32, #tpu.memory_space<vmem>>
        %parallel_loop3A_617 = tpu.vector_load_idx %parallel_loop3A_616[%parallel_loop3A_575] : memref<35945xf32, #tpu.memory_space<vmem>>[vector<16xi32>], vector<16xf32>,
        %parallel_loop3A_618 = arith.mulf %parallel_loop3A_617, %parallel_loop3A_537 : vector<16xf32>
        %parallel_loop3A_619 = arith.constant 4 : i32
        %parallel_loop3A_620 = vector.broadcast %parallel_loop3A_619 : i32 to vector<16xi32>
        %parallel_loop3A_621 = arith.addi %parallel_loop3A_517, %parallel_loop3A_620 : vector<16xi32>
        %parallel_loop3A_622 = arith.constant 37056 : i32
        %parallel_loop3A_623 = tpu.memref_slice %arg5[%parallel_loop3A_622] : memref<108944xf32, #tpu.memory_space<vmem>> -> memref<35945xf32, #tpu.memory_space<vmem>>
        %parallel_loop3A_624 = tpu.vector_load_idx %parallel_loop3A_623[%parallel_loop3A_621] : memref<35945xf32, #tpu.memory_space<vmem>>[vector<16xi32>], vector<16xf32>,
        %parallel_loop3A_625 = arith.mulf %parallel_loop3A_624, %parallel_loop3A_538 : vector<16xf32>
        %parallel_loop3A_626 = arith.addf %parallel_loop3A_594, %parallel_loop3A_598 : vector<16xf32>
        %parallel_loop3A_627 = arith.addf %parallel_loop3A_602, %parallel_loop3A_606 : vector<16xf32>
        %parallel_loop3A_628 = arith.addf %parallel_loop3A_626, %parallel_loop3A_627 : vector<16xf32>
        %parallel_loop3A_629 = arith.addf %parallel_loop3A_610, %parallel_loop3A_614 : vector<16xf32>
        %parallel_loop3A_630 = arith.addf %parallel_loop3A_618, %parallel_loop3A_625 : vector<16xf32>
        %parallel_loop3A_631 = arith.addf %parallel_loop3A_629, %parallel_loop3A_630 : vector<16xf32>
        %parallel_loop3A_632 = arith.addf %parallel_loop3A_628, %parallel_loop3A_631 : vector<16xf32>
        %parallel_loop3A_633 = arith.constant 1 : i32
        %parallel_loop3A_634 = arith.index_cast %parallel_loop3A_633 : i32 to index
        %parallel_loop3A_635 = arith.index_cast %parallel_loop3A_272 : i32 to index
        %parallel_loop3A_636 = tpu.vector_load %arg16[%parallel_loop3A_634, %parallel_loop3A_635] {strides = array<i32>} : memref<2x512xf32, #tpu.memory_space<vmem>>, vector<16xf32>,
        tpu.vector_store %arg16[%parallel_loop3A_634, %parallel_loop3A_635], %parallel_loop3A_632 {strides = array<i32>} : memref<2x512xf32, #tpu.memory_space<vmem>>, vector<16xf32>,
        %parallel_loop3A_637 = arith.constant 71872 : i32
        %parallel_loop3A_638 = tpu.memref_slice %arg5[%parallel_loop3A_637] : memref<108944xf32, #tpu.memory_space<vmem>> -> memref<35945xf32, #tpu.memory_space<vmem>>
        %parallel_loop3A_639 = tpu.vector_load_idx %parallel_loop3A_638[%parallel_loop3A_556] : memref<35945xf32, #tpu.memory_space<vmem>>[vector<16xi32>], vector<16xf32>,
        %parallel_loop3A_640 = arith.mulf %parallel_loop3A_639, %parallel_loop3A_531 : vector<16xf32>
        %parallel_loop3A_641 = arith.constant 71872 : i32
        %parallel_loop3A_642 = tpu.memref_slice %arg5[%parallel_loop3A_641] : memref<108944xf32, #tpu.memory_space<vmem>> -> memref<35945xf32, #tpu.memory_space<vmem>>
        %parallel_loop3A_643 = tpu.vector_load_idx %parallel_loop3A_642[%parallel_loop3A_575] : memref<35945xf32, #tpu.memory_space<vmem>>[vector<16xi32>], vector<16xf32>,
        %parallel_loop3A_644 = arith.mulf %parallel_loop3A_643, %parallel_loop3A_532 : vector<16xf32>
        %parallel_loop3A_645 = arith.constant 71904 : i32
        %parallel_loop3A_646 = tpu.memref_slice %arg5[%parallel_loop3A_645] : memref<108944xf32, #tpu.memory_space<vmem>> -> memref<35945xf32, #tpu.memory_space<vmem>>
        %parallel_loop3A_647 = tpu.vector_load_idx %parallel_loop3A_646[%parallel_loop3A_575] : memref<35945xf32, #tpu.memory_space<vmem>>[vector<16xi32>], vector<16xf32>,
        %parallel_loop3A_648 = arith.mulf %parallel_loop3A_647, %parallel_loop3A_533 : vector<16xf32>
        %parallel_loop3A_649 = arith.constant 71904 : i32
        %parallel_loop3A_650 = tpu.memref_slice %arg5[%parallel_loop3A_649] : memref<108944xf32, #tpu.memory_space<vmem>> -> memref<35945xf32, #tpu.memory_space<vmem>>
        %parallel_loop3A_651 = tpu.vector_load_idx %parallel_loop3A_650[%parallel_loop3A_621] : memref<35945xf32, #tpu.memory_space<vmem>>[vector<16xi32>], vector<16xf32>,
        %parallel_loop3A_652 = arith.mulf %parallel_loop3A_651, %parallel_loop3A_534 : vector<16xf32>
        %parallel_loop3A_653 = arith.constant 72960 : i32
        %parallel_loop3A_654 = tpu.memref_slice %arg5[%parallel_loop3A_653] : memref<108944xf32, #tpu.memory_space<vmem>> -> memref<35945xf32, #tpu.memory_space<vmem>>
        %parallel_loop3A_655 = tpu.vector_load_idx %parallel_loop3A_654[%parallel_loop3A_575] : memref<35945xf32, #tpu.memory_space<vmem>>[vector<16xi32>], vector<16xf32>,
        %parallel_loop3A_656 = arith.mulf %parallel_loop3A_655, %parallel_loop3A_535 : vector<16xf32>
        %parallel_loop3A_657 = arith.constant 72960 : i32
        %parallel_loop3A_658 = tpu.memref_slice %arg5[%parallel_loop3A_657] : memref<108944xf32, #tpu.memory_space<vmem>> -> memref<35945xf32, #tpu.memory_space<vmem>>
        %parallel_loop3A_659 = tpu.vector_load_idx %parallel_loop3A_658[%parallel_loop3A_621] : memref<35945xf32, #tpu.memory_space<vmem>>[vector<16xi32>], vector<16xf32>,
        %parallel_loop3A_660 = arith.mulf %parallel_loop3A_659, %parallel_loop3A_536 : vector<16xf32>
        %parallel_loop3A_661 = arith.constant 72992 : i32
        %parallel_loop3A_662 = tpu.memref_slice %arg5[%parallel_loop3A_661] : memref<108944xf32, #tpu.memory_space<vmem>> -> memref<35945xf32, #tpu.memory_space<vmem>>
        %parallel_loop3A_663 = tpu.vector_load_idx %parallel_loop3A_662[%parallel_loop3A_621] : memref<35945xf32, #tpu.memory_space<vmem>>[vector<16xi32>], vector<16xf32>,
        %parallel_loop3A_664 = arith.mulf %parallel_loop3A_663, %parallel_loop3A_537 : vector<16xf32>
        %parallel_loop3A_665 = arith.constant 5 : i32
        %parallel_loop3A_666 = vector.broadcast %parallel_loop3A_665 : i32 to vector<16xi32>
        %parallel_loop3A_667 = arith.addi %parallel_loop3A_517, %parallel_loop3A_666 : vector<16xi32>
        %parallel_loop3A_668 = arith.constant 72992 : i32
        %parallel_loop3A_669 = tpu.memref_slice %arg5[%parallel_loop3A_668] : memref<108944xf32, #tpu.memory_space<vmem>> -> memref<35945xf32, #tpu.memory_space<vmem>>
        %parallel_loop3A_670 = tpu.vector_load_idx %parallel_loop3A_669[%parallel_loop3A_667] : memref<35945xf32, #tpu.memory_space<vmem>>[vector<16xi32>], vector<16xf32>,
        %parallel_loop3A_671 = arith.mulf %parallel_loop3A_670, %parallel_loop3A_538 : vector<16xf32>
        %parallel_loop3A_672 = arith.addf %parallel_loop3A_640, %parallel_loop3A_644 : vector<16xf32>
        %parallel_loop3A_673 = arith.addf %parallel_loop3A_648, %parallel_loop3A_652 : vector<16xf32>
        %parallel_loop3A_674 = arith.addf %parallel_loop3A_672, %parallel_loop3A_673 : vector<16xf32>
        %parallel_loop3A_675 = arith.addf %parallel_loop3A_656, %parallel_loop3A_660 : vector<16xf32>
        %parallel_loop3A_676 = arith.addf %parallel_loop3A_664, %parallel_loop3A_671 : vector<16xf32>
        %parallel_loop3A_677 = arith.addf %parallel_loop3A_675, %parallel_loop3A_676 : vector<16xf32>
        %parallel_loop3A_678 = arith.addf %parallel_loop3A_674, %parallel_loop3A_677 : vector<16xf32>
        %parallel_loop3A_679 = arith.constant 1 : i32
        %parallel_loop3A_680 = arith.index_cast %parallel_loop3A_679 : i32 to index
        %parallel_loop3A_681 = arith.index_cast %parallel_loop3A_272 : i32 to index
        %parallel_loop3A_682 = tpu.vector_load %arg17[%parallel_loop3A_680, %parallel_loop3A_681] {strides = array<i32>} : memref<2x512xf32, #tpu.memory_space<vmem>>, vector<16xf32>,
        tpu.vector_store %arg17[%parallel_loop3A_680, %parallel_loop3A_681], %parallel_loop3A_678 {strides = array<i32>} : memref<2x512xf32, #tpu.memory_space<vmem>>, vector<16xf32>,
      } {sc.loop_unroll_factor = 1 : i64, sc.parallel_access}
      %dma_start3A_249 = arith.constant 0 : i32
      %dma_start3A_250 = arith.constant 0 : i32
      %dma_start3A_251 = tpu.memref_slice %arg4[%select_n3A, %dma_start3A_249, %add3A_134, %dma_start3A_250] : memref<8x3x512x512xf32, #tpu.memory_space<hbm>> -> memref<1x1x2x512xf32, #tpu.memory_space<hbm>>
      %dma_start3A_252 = tpu.memref_squeeze %dma_start3A_251 : memref<1x1x2x512xf32, #tpu.memory_space<hbm>> -> memref<2x512xf32, #tpu.memory_space<hbm>>
      %dma_start3A_253 = arith.constant 0 : i32
      %dma_start3A_254 = tpu.memref_slice %arg4[%select_n3A, %dma_start3A_249, %add3A_134, %dma_start3A_253] : memref<8x3x512x512xf32, #tpu.memory_space<hbm>> -> memref<1x1x2x512xf32, #tpu.memory_space<hbm>>
      %dma_start3A_255 = tpu.memref_squeeze %dma_start3A_254 : memref<1x1x2x512xf32, #tpu.memory_space<hbm>> -> memref<2x512xf32, #tpu.memory_space<hbm>>
      tpu.enqueue_dma source(%arg15 : memref<2x512xf32, #tpu.memory_space<vmem>>) target(%dma_start3A_255 : memref<2x512xf32, #tpu.memory_space<hbm>>) target_semaphore(%arg20 : memref<!tpu.dma_semaphore, #tpu.memory_space<semaphore_mem>>)
      %dma_start3A_256 = arith.constant 1 : i32
      %dma_start3A_257 = arith.constant 0 : i32
      %dma_start3A_258 = tpu.memref_slice %arg4[%select_n3A, %dma_start3A_256, %add3A_134, %dma_start3A_257] : memref<8x3x512x512xf32, #tpu.memory_space<hbm>> -> memref<1x1x2x512xf32, #tpu.memory_space<hbm>>
      %dma_start3A_259 = tpu.memref_squeeze %dma_start3A_258 : memref<1x1x2x512xf32, #tpu.memory_space<hbm>> -> memref<2x512xf32, #tpu.memory_space<hbm>>
      %dma_start3A_260 = arith.constant 0 : i32
      %dma_start3A_261 = tpu.memref_slice %arg4[%select_n3A, %dma_start3A_256, %add3A_134, %dma_start3A_260] : memref<8x3x512x512xf32, #tpu.memory_space<hbm>> -> memref<1x1x2x512xf32, #tpu.memory_space<hbm>>
      %dma_start3A_262 = tpu.memref_squeeze %dma_start3A_261 : memref<1x1x2x512xf32, #tpu.memory_space<hbm>> -> memref<2x512xf32, #tpu.memory_space<hbm>>
      tpu.enqueue_dma source(%arg16 : memref<2x512xf32, #tpu.memory_space<vmem>>) target(%dma_start3A_262 : memref<2x512xf32, #tpu.memory_space<hbm>>) target_semaphore(%arg20 : memref<!tpu.dma_semaphore, #tpu.memory_space<semaphore_mem>>)
      %dma_start3A_263 = arith.constant 2 : i32
      %dma_start3A_264 = arith.constant 0 : i32
      %dma_start3A_265 = tpu.memref_slice %arg4[%select_n3A, %dma_start3A_263, %add3A_134, %dma_start3A_264] : memref<8x3x512x512xf32, #tpu.memory_space<hbm>> -> memref<1x1x2x512xf32, #tpu.memory_space<hbm>>
      %dma_start3A_266 = tpu.memref_squeeze %dma_start3A_265 : memref<1x1x2x512xf32, #tpu.memory_space<hbm>> -> memref<2x512xf32, #tpu.memory_space<hbm>>
      %dma_start3A_267 = arith.constant 0 : i32
      %dma_start3A_268 = tpu.memref_slice %arg4[%select_n3A, %dma_start3A_263, %add3A_134, %dma_start3A_267] : memref<8x3x512x512xf32, #tpu.memory_space<hbm>> -> memref<1x1x2x512xf32, #tpu.memory_space<hbm>>
      %dma_start3A_269 = tpu.memref_squeeze %dma_start3A_268 : memref<1x1x2x512xf32, #tpu.memory_space<hbm>> -> memref<2x512xf32, #tpu.memory_space<hbm>>
      tpu.enqueue_dma source(%arg17 : memref<2x512xf32, #tpu.memory_space<vmem>>) target(%dma_start3A_269 : memref<2x512xf32, #tpu.memory_space<hbm>>) target_semaphore(%arg20 : memref<!tpu.dma_semaphore, #tpu.memory_space<semaphore_mem>>)
    }
    %scan3A_63 = arith.constant 32 : i32
    %dma_wait3A = arith.constant 0 : i32
    %dma_wait3A_64 = arith.constant 0 : i32
    %dma_wait3A_65 = arith.constant 0 : i32
    %dma_wait3A_66 = arith.constant 0 : i32
    %dma_wait3A_67 = tpu.memref_slice %arg2[%dma_wait3A, %dma_wait3A_64, %dma_wait3A_65, %dma_wait3A_66] : memref<8x3x512x512xf32, #tpu.memory_space<hbm>> -> memref<1x1x2x512xf32, #tpu.memory_space<hbm>>
    %dma_wait3A_68 = tpu.memref_squeeze %dma_wait3A_67 : memref<1x1x2x512xf32, #tpu.memory_space<hbm>> -> memref<2x512xf32, #tpu.memory_space<hbm>>
    %dma_wait3A_69 = arith.constant 0 : i32
    %dma_wait3A_70 = arith.constant 0 : i32
    %dma_wait3A_71 = tpu.memref_slice %arg2[%dma_wait3A, %dma_wait3A_64, %dma_wait3A_69, %dma_wait3A_70] : memref<8x3x512x512xf32, #tpu.memory_space<hbm>> -> memref<1x1x2x512xf32, #tpu.memory_space<hbm>>
    %dma_wait3A_72 = tpu.memref_squeeze %dma_wait3A_71 : memref<1x1x2x512xf32, #tpu.memory_space<hbm>> -> memref<2x512xf32, #tpu.memory_space<hbm>>
    tpu.wait_dma2 semaphore(%arg20 : memref<!tpu.dma_semaphore, #tpu.memory_space<semaphore_mem>>) src(%dma_wait3A_72 : memref<2x512xf32, #tpu.memory_space<hbm>>) dst(%arg12 : memref<2x512xf32, #tpu.memory_space<vmem>>)
    %dma_wait3A_73 = arith.constant 0 : i32
    %dma_wait3A_74 = arith.constant 0 : i32
    %dma_wait3A_75 = arith.constant 0 : i32
    %dma_wait3A_76 = arith.constant 0 : i32
    %dma_wait3A_77 = tpu.memref_slice %arg2[%dma_wait3A_73, %dma_wait3A_74, %dma_wait3A_75, %dma_wait3A_76] : memref<8x3x512x512xf32, #tpu.memory_space<hbm>> -> memref<1x1x2x512xf32, #tpu.memory_space<hbm>>
    %dma_wait3A_78 = tpu.memref_squeeze %dma_wait3A_77 : memref<1x1x2x512xf32, #tpu.memory_space<hbm>> -> memref<2x512xf32, #tpu.memory_space<hbm>>
    %dma_wait3A_79 = arith.constant 0 : i32
    %dma_wait3A_80 = arith.constant 0 : i32
    %dma_wait3A_81 = tpu.memref_slice %arg2[%dma_wait3A_73, %dma_wait3A_74, %dma_wait3A_79, %dma_wait3A_80] : memref<8x3x512x512xf32, #tpu.memory_space<hbm>> -> memref<1x1x2x512xf32, #tpu.memory_space<hbm>>
    %dma_wait3A_82 = tpu.memref_squeeze %dma_wait3A_81 : memref<1x1x2x512xf32, #tpu.memory_space<hbm>> -> memref<2x512xf32, #tpu.memory_space<hbm>>
    tpu.wait_dma2 semaphore(%arg20 : memref<!tpu.dma_semaphore, #tpu.memory_space<semaphore_mem>>) src(%dma_wait3A_82 : memref<2x512xf32, #tpu.memory_space<hbm>>) dst(%arg13 : memref<2x512xf32, #tpu.memory_space<vmem>>)
    %dma_wait3A_83 = arith.constant 0 : i32
    %dma_wait3A_84 = arith.constant 0 : i32
    %dma_wait3A_85 = arith.constant 0 : i32
    %dma_wait3A_86 = arith.constant 0 : i32
    %dma_wait3A_87 = tpu.memref_slice %arg2[%dma_wait3A_83, %dma_wait3A_84, %dma_wait3A_85, %dma_wait3A_86] : memref<8x3x512x512xf32, #tpu.memory_space<hbm>> -> memref<1x1x2x512xf32, #tpu.memory_space<hbm>>
    %dma_wait3A_88 = tpu.memref_squeeze %dma_wait3A_87 : memref<1x1x2x512xf32, #tpu.memory_space<hbm>> -> memref<2x512xf32, #tpu.memory_space<hbm>>
    %dma_wait3A_89 = arith.constant 0 : i32
    %dma_wait3A_90 = arith.constant 0 : i32
    %dma_wait3A_91 = tpu.memref_slice %arg2[%dma_wait3A_83, %dma_wait3A_84, %dma_wait3A_89, %dma_wait3A_90] : memref<8x3x512x512xf32, #tpu.memory_space<hbm>> -> memref<1x1x2x512xf32, #tpu.memory_space<hbm>>
    %dma_wait3A_92 = tpu.memref_squeeze %dma_wait3A_91 : memref<1x1x2x512xf32, #tpu.memory_space<hbm>> -> memref<2x512xf32, #tpu.memory_space<hbm>>
    tpu.wait_dma2 semaphore(%arg20 : memref<!tpu.dma_semaphore, #tpu.memory_space<semaphore_mem>>) src(%dma_wait3A_92 : memref<2x512xf32, #tpu.memory_space<hbm>>) dst(%arg14 : memref<2x512xf32, #tpu.memory_space<vmem>>)
    %dma_wait3A_93 = arith.constant 0 : i32
    %dma_wait3A_94 = arith.constant 0 : i32
    %dma_wait3A_95 = arith.constant 0 : i32
    %dma_wait3A_96 = arith.constant 0 : i32
    %dma_wait3A_97 = tpu.memref_slice %arg2[%dma_wait3A_93, %dma_wait3A_94, %dma_wait3A_95, %dma_wait3A_96] : memref<8x3x512x512xf32, #tpu.memory_space<hbm>> -> memref<1x1x2x512xf32, #tpu.memory_space<hbm>>
    %dma_wait3A_98 = tpu.memref_squeeze %dma_wait3A_97 : memref<1x1x2x512xf32, #tpu.memory_space<hbm>> -> memref<2x512xf32, #tpu.memory_space<hbm>>
    %dma_wait3A_99 = arith.constant 0 : i32
    %dma_wait3A_100 = arith.constant 0 : i32
    %dma_wait3A_101 = tpu.memref_slice %arg2[%dma_wait3A_93, %dma_wait3A_94, %dma_wait3A_99, %dma_wait3A_100] : memref<8x3x512x512xf32, #tpu.memory_space<hbm>> -> memref<1x1x2x512xf32, #tpu.memory_space<hbm>>
    %dma_wait3A_102 = tpu.memref_squeeze %dma_wait3A_101 : memref<1x1x2x512xf32, #tpu.memory_space<hbm>> -> memref<2x512xf32, #tpu.memory_space<hbm>>
    tpu.wait_dma2 semaphore(%arg20 : memref<!tpu.dma_semaphore, #tpu.memory_space<semaphore_mem>>) src(%dma_wait3A_102 : memref<2x512xf32, #tpu.memory_space<hbm>>) dst(%arg15 : memref<2x512xf32, #tpu.memory_space<vmem>>)
    %dma_wait3A_103 = arith.constant 0 : i32
    %dma_wait3A_104 = arith.constant 0 : i32
    %dma_wait3A_105 = arith.constant 0 : i32
    %dma_wait3A_106 = arith.constant 0 : i32
    %dma_wait3A_107 = tpu.memref_slice %arg2[%dma_wait3A_103, %dma_wait3A_104, %dma_wait3A_105, %dma_wait3A_106] : memref<8x3x512x512xf32, #tpu.memory_space<hbm>> -> memref<1x1x2x512xf32, #tpu.memory_space<hbm>>
    %dma_wait3A_108 = tpu.memref_squeeze %dma_wait3A_107 : memref<1x1x2x512xf32, #tpu.memory_space<hbm>> -> memref<2x512xf32, #tpu.memory_space<hbm>>
    %dma_wait3A_109 = arith.constant 0 : i32
    %dma_wait3A_110 = arith.constant 0 : i32
    %dma_wait3A_111 = tpu.memref_slice %arg2[%dma_wait3A_103, %dma_wait3A_104, %dma_wait3A_109, %dma_wait3A_110] : memref<8x3x512x512xf32, #tpu.memory_space<hbm>> -> memref<1x1x2x512xf32, #tpu.memory_space<hbm>>
    %dma_wait3A_112 = tpu.memref_squeeze %dma_wait3A_111 : memref<1x1x2x512xf32, #tpu.memory_space<hbm>> -> memref<2x512xf32, #tpu.memory_space<hbm>>
    tpu.wait_dma2 semaphore(%arg20 : memref<!tpu.dma_semaphore, #tpu.memory_space<semaphore_mem>>) src(%dma_wait3A_112 : memref<2x512xf32, #tpu.memory_space<hbm>>) dst(%arg16 : memref<2x512xf32, #tpu.memory_space<vmem>>)
    %dma_wait3A_113 = arith.constant 0 : i32
    %dma_wait3A_114 = arith.constant 0 : i32
    %dma_wait3A_115 = arith.constant 0 : i32
    %dma_wait3A_116 = arith.constant 0 : i32
    %dma_wait3A_117 = tpu.memref_slice %arg2[%dma_wait3A_113, %dma_wait3A_114, %dma_wait3A_115, %dma_wait3A_116] : memref<8x3x512x512xf32, #tpu.memory_space<hbm>> -> memref<1x1x2x512xf32, #tpu.memory_space<hbm>>
    %dma_wait3A_118 = tpu.memref_squeeze %dma_wait3A_117 : memref<1x1x2x512xf32, #tpu.memory_space<hbm>> -> memref<2x512xf32, #tpu.memory_space<hbm>>
    %dma_wait3A_119 = arith.constant 0 : i32
    %dma_wait3A_120 = arith.constant 0 : i32
    %dma_wait3A_121 = tpu.memref_slice %arg2[%dma_wait3A_113, %dma_wait3A_114, %dma_wait3A_119, %dma_wait3A_120] : memref<8x3x512x512xf32, #tpu.memory_space<hbm>> -> memref<1x1x2x512xf32, #tpu.memory_space<hbm>>
    %dma_wait3A_122 = tpu.memref_squeeze %dma_wait3A_121 : memref<1x1x2x512xf32, #tpu.memory_space<hbm>> -> memref<2x512xf32, #tpu.memory_space<hbm>>
    tpu.wait_dma2 semaphore(%arg20 : memref<!tpu.dma_semaphore, #tpu.memory_space<semaphore_mem>>) src(%dma_wait3A_122 : memref<2x512xf32, #tpu.memory_space<hbm>>) dst(%arg17 : memref<2x512xf32, #tpu.memory_space<vmem>>)
    return
  }
}

</mosaic_0001>

<sc_bundles>
// kernel: kernel.3.cloned.1.call-start
scs
__scs_entry_jumppad:
0x0: {  	(pc) =	sbr.rel $0x88, $3  }
0x1: {  	(tag) =	ssettag $0x0;
	lr =	simm.s32 $0x1  }
0x2: {  	[smem:$0x3F9F] =	sst lr;
	_ =	strace $0xD0000000  }
0x3: {  	_ = 	snop  }
0x4: {  	_ = 	snop  }
0x5: {  	_ = 	snop  }
0x6: {  	_ = 	snop  }
0x7: {  	_ = 	snop  }
__scs_overlays_trampoline_lowered:
0x8: {  	[smem:$0x3FAE] =	sst s0  }
0x9: {  	[smem:$0x3FAF] =	sst s1  }
0xa: {  	[smem:$0x3FB0] =	sst s2  }
0xb: {  	[smem:$0x3FB1] =	sst s3  }
0xc: {  	[smem:$0x3FB2] =	sst s4  }
0xd: {  	[smem:$0x3FB3] =	sst s5  }
0xe: {  	[smem:$0x3FB4] =	sst s6  }
0xf: {  	[smem:$0x3FB5] =	sst s7  }
0x10: {  	[smem:$0x3FB6] =	sst s8  }
0x11: {  	[smem:$0x3FB7] =	sst s9;
	s0 =	simm.s32 @!p0 $0x0  }
0x12: {  	s1 =	sld [smem:$0x3F9D];
	s0 =	simm.s32 @p0 $0x1  }
0x13: {  	[smem:$0x3FB8] =	sst s0;
	s0 =	simm.s32 @!p1 $0x0  }
0x14: {  	s2 =	sld [smem:$0x3F9C];
	s0 =	simm.s32 @p1 $0x1  }
0x15: {  	[smem:$0x3FB9] =	sst s0;
	s0 =	simm.s32 @!p2 $0x0  }
0x16: {  	s3 =	sld [smem:$0x3FDB];
	s0 =	simm.s32 @p2 $0x1  }
0x17: {  	s4 =	simm.s32 $0x1BF5;
	[smem:$0x3FBB] =	sst s0  }
0x18: {  	s0 =	sld [smem:$0x3F9E];
	_ =	swait.ge [sflag:s4], $0x0  }
0x19: {  	s7 =	sld [smem:$0x3F9F]  }
0x1a: {  	s8 =	sadd.s32 $0xFFFFE003, lr  }
0x1b: {  	s9 =	sadd.s32 $0xFFFFFEF7, lr;
	s5 =	simm.s32 $0xFFFFFFFF;
	p2 =	slt.u32 s8, $0xFFFFF086  }
0x1c: {  	p1 =	slt.u32 s9, $0xF7A;
	s5 =	simm.s32 @!p2 $0x0  }
0x1d: {  	s5 =	simm.s32 @p1 $0x1;
	p0 =	seq.s32 s7, s2  }
0x1e: {  	s7 =	smul.u32 @!p0 $0xF7A, s2;
	p2 =	seq.s32 @!p0 s5, $0x0  }
0x1f: {  	s9 =	smul.u32 $0xF7A, s1;
	s8 =	simm.s32 @!p0 $0x1BF5;
	p2 =	por !p2, p0  }
0x20: {  	[sflag:s8] =	ssyncset.s32 @!p0 $0xFFFFF086;
	s6 =	sadd.s32 @!p0 s3, s7;
	s7 =	simm.s32 @!p0 $0x108  }
0x21: {  	s3 =	sadd.s32 s3, s9;
	s6 =	sadd.s32 @!p0 $0x88, s6;
	s7 =	simm.s32 @p2 $0x1082  }
0x22: {  	[simem:s7], [sflag:s8] =	dma.local @!p0 [hbm:s6], $0xF7A  }
0x23: {  	s9 =	sor.u32 $0xD0000000, s2;
	s6 =	simm.s32 $0x108;
	_ =	swait.ge @!p0 [sflag:s8], $0x0  }
0x24: {  	s3 =	sadd.s32 $0x88, s3;
	s6 =	simm.s32 @!p1 $0x1082;
	[sflag:s4] =	ssyncset.s32 $0xFFFFF086  }
0x25: {  	[simem:s6], [sflag:s4] =	dma.local [hbm:s3], $0xF7A  }
0x26: {  	[smem:$0x3F9F] =	sst s1;
	(tag) =	ssettag s2;
	_ =	strace s9  }
0x27: {  	s1 =	sld [smem:$0x3FAF]  }
0x28: {  	s2 =	sld [smem:$0x3FB0]  }
0x29: {  	s4 =	sld [smem:$0x3FB2]  }
0x2a: {  	p0 =	seq.s32 s5, $0x0;
	s5 =	sld [smem:$0x3FB3]  }
0x2b: {  	s6 =	sld [smem:$0x3FB4]  }
0x2c: {  	s7 =	sld [smem:$0x3FB5]  }
0x2d: {  	s3 =	simm.s32 $0x108;
	s8 =	sld [smem:$0x3FB6]  }
0x2e: {  	s3 =	simm.s32 @!p0 $0x1082;
	s9 =	sld [smem:$0x3FB7]  }
0x2f: {  	lr =	sadd.s32 s0, s3;
	s0 =	sld [smem:$0x3FAE]  }
0x30: {  	s3 =	sld [smem:$0x3FB1]  }
0x31: {  	[smem:$0x3FBA] =	sst s10  }
0x32: {  	s10 =	sld [smem:$0x3FB8];
	_ =	sdelay $0x3  }
0x33: {  	p0 =	seq.s32 s10, $0x1;
	s10 =	sld [smem:$0x3FBA];
	_ =	sdelay $0x3  }
0x34: {  	[smem:$0x3FBA] =	sst s10  }
0x35: {  	s10 =	sld [smem:$0x3FB9];
	_ =	sdelay $0x3  }
0x36: {  	p1 =	seq.s32 s10, $0x1;
	s10 =	sld [smem:$0x3FBA];
	_ =	sdelay $0x3  }
0x37: {  	[smem:$0x3FBA] =	sst s10  }
0x38: {  	s10 =	sld [smem:$0x3FBB]  }
0x39: {  	_ = 	snop;
	(pc) =	sbr.ind lr, $3  }
0x3a: {  	_ = 	snop  }
0x3b: {  	_ = 	snop  }
0x3c: {  	p2 =	seq.s32 s10, $0x1;
	s10 =	sld [smem:$0x3FBA]  }
0x3d: {  	_ =	shalt  }
0x3e: {  	_ =	shalt  }
0x3f: {  	_ =	shalt  }
0x40: {  	_ =	shalt  }
0x41: {  	_ =	shalt  }
0x42: {  	_ =	shalt  }
0x43: {  	_ =	shalt  }
0x44: {  	_ =	shalt  }
0x45: {  	_ =	shalt  }
0x46: {  	_ =	shalt  }
0x47: {  	_ =	shalt  }
0x48: {  	_ =	shalt  }
0x49: {  	_ =	shalt  }
0x4a: {  	_ =	shalt  }
0x4b: {  	_ =	shalt  }
0x4c: {  	_ =	shalt  }
0x4d: {  	_ =	shalt  }
0x4e: {  	_ =	shalt  }
0x4f: {  	_ =	shalt  }
0x50: {  	_ =	shalt  }
0x51: {  	_ =	shalt  }
0x52: {  	_ =	shalt  }
0x53: {  	_ =	shalt  }
0x54: {  	_ =	shalt  }
0x55: {  	_ =	shalt  }
0x56: {  	_ =	shalt  }
0x57: {  	_ =	shalt  }
0x58: {  	_ =	shalt  }
0x59: {  	_ =	shalt  }
0x5a: {  	_ =	shalt  }
0x5b: {  	_ =	shalt  }
0x5c: {  	_ =	shalt  }
0x5d: {  	_ =	shalt  }
0x5e: {  	_ =	shalt  }
0x5f: {  	_ =	shalt  }
0x60: {  	_ =	shalt  }
0x61: {  	_ =	shalt  }
0x62: {  	_ =	shalt  }
0x63: {  	_ =	shalt  }
0x64: {  	_ =	shalt  }
0x65: {  	_ =	shalt  }
0x66: {  	_ =	shalt  }
0x67: {  	_ =	shalt  }
0x68: {  	_ =	shalt  }
0x69: {  	_ =	shalt  }
0x6a: {  	_ =	shalt  }
0x6b: {  	_ =	shalt  }
0x6c: {  	_ =	shalt  }
0x6d: {  	_ =	shalt  }
0x6e: {  	_ =	shalt  }
0x6f: {  	_ =	shalt  }
0x70: {  	_ =	shalt  }
0x71: {  	_ =	shalt  }
0x72: {  	_ =	shalt  }
0x73: {  	_ =	shalt  }
0x74: {  	_ =	shalt  }
0x75: {  	_ =	shalt  }
0x76: {  	_ =	shalt  }
0x77: {  	_ =	shalt  }
0x78: {  	_ =	shalt  }
0x79: {  	_ =	shalt  }
0x7a: {  	_ =	shalt  }
0x7b: {  	_ =	shalt  }
0x7c: {  	_ =	shalt  }
0x7d: {  	_ =	shalt  }
0x7e: {  	_ =	shalt  }
0x7f: {  	_ =	shalt  }
0x80: {  	_ =	shalt  }
0x81: {  	_ =	shalt  }
0x82: {  	_ =	shalt  }
0x83: {  	_ =	shalt  }
0x84: {  	_ =	shalt  }
0x85: {  	_ =	shalt  }
0x86: {  	_ =	shalt  }
0x87: {  	_ =	shalt  }
.Lfunc_end0:
.L_simem_size_0:
called_computation_lowered:
.L_overlay_start_0:
0x88: {  	s2 =	sld [smem:$0x3FD9]  }
0x89: {  	s3 =	sld [smem:$0x3FFE];
	_ =	sdelay $0x1  }
0x8a: {  	s1 =	srdreg.scid  }
0x8b: {  	s0 =	sand.u32 $0x1, s1  }
0x8c: {  	s17 =	sshll.u32 s0, $0xA;
	s2 =	sadd.s32 s3, s2  }
0x8d: {  	s2 =	sadd.s32 s2, s17  }
0x8e: {  	[smem:$0x3FC6] =	sst s2  }
0x8f: {  	_ = 	snop  }
0x90: {  	s2 =	sld [smem:$0x3FC9]  }
0x91: {  	s18 =	sld [smem:$0x3FD0];
	(tm) =	ssettm $0x1  }
0x92: {  	s4 =	sld [smem:$0x3FFB];
	_ =	sdelay $0x3  }
0x93: {  	_ =	strace s4  }
0x94: {  	s4 =	sld [smem:$0x3FFC];
	_ =	sdelay $0x3  }
0x95: {  	_ =	strace s4  }
0x96: {  	s4 =	sld [smem:$0x3FFD];
	_ =	sdelay $0x3  }
0x97: {  	_ =	strace s4  }
0x98: {  	_ =	strace $0x8FFFFFFF  }
0x99: {  	s19 =	sld [smem:$0x3FDB];
	_ =	sdelay $0x1  }
0x9a: {  	s5 =	simm.s32 $_scs_section_size  }
0x9b: {  	s6 =	simm.s32 $_size__tile_overlayer_lowered;
	s7 =	simm.s32 $_tile_overlayer_lowered  }
0x9c: {  	s22 =	simm.s32 $0x1BFF;
	s21 =	sshll.u32 s7, $0x1;
	s4 =	sadd.s32 s5, s19  }
0x9d: {  	s8 =	simm.s32 $0x0;
	s20 =	sshll.u32 s6, $0x1;
	s6 =	sadd.s32 s21, s4  }
0x9e: {  	[timem:s8], [sflag:s22] =	dma.local [hbm:s6], s20  }
0x9f: {  	_ =	swait.ge [sflag:s22], s20  }
0xa0: {  	s5 =	ssub.s32 $0x0, s20;
	[sflag:s22] =	ssyncset.done $0x0  }
0xa1: {  	[sflag:s22] =	ssyncadd.s32 s5;
	_ =	sdelay $0x1  }
0xa2: {  	s23 =	simm.s32 $0x1B8B  }
0xa3: {  	_ =	swait.ge [sflag:s23], $0x1  }
0xa4: {  	[sflag:s23] =	ssyncset.done $0x0  }
0xa5: {  	s25 =	simm.s32 $0x1B8E;
	s24 =	sld [smem:$0x3FFE];
	[sflag:s23] =	ssyncadd.s32 $0xFFFFFFFF  }
0xa6: {  	s26 =	simm.s32 $execute0_lowered;
	[smem:$0x3FD2] =	sst s25  }
0xa7: {  	s6 =	sshll.u32 s26, $0x1;
	_ =	strace $0x80000046;
	[dreg:$0x1] =	wrdreg $0xFFFFFFFF  }
0xa8: {  	s28 =	simm.s32 $_size_execute0_lowered;
	s4 =	sadd.s32 s4, s6;
	[dreg:$0x0] =	wrdreg $0x0  }
0xa9: {  	s6 =	sshll.u32 s28, $0x1;
	[dreg:$0x2] =	wrdreg s4  }
0xaa: {  	[dreg:$0x3] =	wrdreg s6  }
0xab: {  	[dreg:$0x4] =	wrdreg $0xC0  }
0xac: {  	_ =	task [dreg:s8], $0x5FFFF  }
0xad: {  	[dreg:$0x1] =	wrdreg $0xFFFFFFFF  }
0xae: {  	[dreg:$0x0] =	wrdreg $0x60  }
0xaf: {  	[dreg:$0x2] =	wrdreg s2  }
0xb0: {  	[dreg:$0x3] =	wrdreg s24  }
0xb1: {  	[dreg:$0x4] =	wrdreg s18  }
0xb2: {  	[dreg:$0x5] =	wrdreg $0x9  }
0xb3: {  	_ =	task.clear_ibuf [dreg:s8], $0x6FFFF;
	_ =	strace $0x90000046  }
0xb4: {  	s29 =	simm.s32 $0x9;
	_ =	strace $0x80000048  }
0xb5: {  	_ =	swait.ge [sflag:s29], $0x1  }
0xb6: {  	[sflag:s29] =	ssyncadd.s32 $0xFFFFFFFF  }
0xb7: {  	_ =	strace $0x90000048  }
0xb8: {  	_ =	sfence  }
0xb9: {  	s30 =	sld [smem:$0x0];
	_ =	sdelay $0x2  }
0xba: {  	s31 =	sshll.u32 s1, $0xD;
	s1 =	sshrl.u32 s1, $0x2  }
0xbb: {  	s3 =	sand.u32 $0x4000, s31;
	s1 =	sadd.s32 s1, s30  }
0xbc: {  	s0 =	sor.u32 s3, s0;
	s1 =	sshll.u32 s1, $0x11  }
0xbd: {  	s0 =	sor.u32 s1, s0  }
0xbe: {  	s0 =	sadd.s32 $0x8F2B, s0  }
0xbf: {  	[sflag:s0] =	ssyncadd.remote.s32 $0x1  }
0xc0: {  	_ =	sfence.sel $0xFFFF  }
0xc1: {  	[dreg:$0x0] =	wrdreg $0xFFFFFFFF;
	(pc) =	sbr.abs _section_cstart, $3  }
0xc2: {  	[dreg:$0x1] =	wrdreg $0xFFFFFFFF  }
0xc3: {  	_ =	task.clear_ibuf [dreg:s8], $0x2FFFF;
	_ =	strace $0x9FFFFFFF  }
0xc4: {  	(tm) =	ssettm $0x7FFFFFFF  }
0xc5: {  	_ =	shalt  }
tec
execute0_lowered:
.L_overlay_start_1:
0x0: {  	(tag) =	ssettag $0x1  }
0x1: {  	s10 =	rddreg [dreg:$0x0]  }
0x2: {  	s1 =	rddreg [dreg:$0x1]  }
0x3: {  	s3 =	stileid.u32;
	s21 =	rddreg [dreg:$0x2]  }
0x4: {  	s4 =	simm.s32 $0x0;
	s6 =	srdreg.scid;
	s14 =	simm.s32 $0x100  }
0x5: {  	s15 =	simm.s32 $0x400;
	s28 =	simm.s32 $0x8C60;
	s29 =	simm.s32 $0x8C80  }
0x6: {  	s30 =	simm.s32 $0x90A0;
	s31 =	simm.s32 $0x90C0;
	s16 =	simm.s32 $0x11D00  }
0x7: {  	s11 =	simm.s32 $0x2;
	s0 =	sshrl.u32 s3, $0x1;
	[smem:$0x7FF] =	sst s4  }
0x8: {  	s6 =	sand.u32 $0x1, s6;
	s8 =	sshll.u32 s3, $0x1;
	s2 =	smul.u32 $0x1A523, s0  }
0x9: {  	_ =	strace $0x80000047;
	s17 =	ssub.s32 $0x2, s6;
	s8 =	sand.u32 $0x2, s8  }
0xa: {  	s12 =	smul.u32 $0xC0000, s0;
	s9 =	sshrl.u32 s17, $0x1;
	s6 =	sor.u32 s6, s8  }
0xb: {  	s5 =	sand.u32 $0xFFFF8, s2;
	s18 =	ssub.s32 s17, s9;
	s19 =	sshll.u32 s6, $0x7  }
0xc: {  	s20 =	sshll.u32 s6, $0x10;
	s23 =	sadd.s32 $0x80000, s12;
	s17 =	simm.s32 $0x11D20  }
0xd: {  	s5 =	smin.u32 s5, $0xB83E8;
	[dreg:$0x4] =	wrdreg s19;
	s19 =	sadd.s32 $0x40000, s12  }
0xe: {  	s6 =	sor.u32 s12, s20;
	[dreg:$0x5] =	wrdreg s23;
	s0 =	smax.u32 s18, $0x1  }
0xf: {  	s7 =	sshrl.u32 s5, $0x3;
	s2 =	ssub.s32 s2, s5;
	s22 =	sor.u32 s19, s20  }
0x10: {  	s6 =	sshrl.u32 s6, $0x3;
	s5 =	sor.u32 s23, s20;
	[dreg:$0xa] =	wrdreg s0  }
0x11: {  	s1 =	sadd.s32 s7, s1;
	s7 =	sshrl.u32 s22, $0x3;
	s24 =	sadd.s32 s10, s6  }
0x12: {  	s5 =	sshrl.u32 s5, $0x3;
	[dreg:$0x6] =	wrdreg s24;
	s25 =	sadd.s32 s10, s7  }
0x13: {  	s23 =	simm.s32 $0x1;
	s26 =	sadd.s32 s10, s5;
	[dreg:$0x7] =	wrdreg s25  }
0x14: {  	s0 =	simm.s32 $0x118E0;
	s1 =	sadd.s32 $0x400, s1;
	[dreg:$0x8] =	wrdreg s26  }
0x15: {  	s24 =	simm.s32 $0x20;
	s5 =	simm.s32 $0x0;
	[dreg:$0x9] =	wrdreg s1  }
0x16: {  	v0 =	vmov s2;
	s25 =	simm.s32 $0x440;
	s26 =	simm.s32 $0x460;
	s1 =	simm.s32 $0x118C0  }
.LBB2_1:
0x17: {  	[dreg:$0xb] =	wrdreg s5  }
0x18: {  	s2 =	rddreg [dreg:$0x6];
	s3 =	simm.s32 $0x1AA00  }
0x19: {  	[tilespmem:s3], [sflag:$0x1] =	stream.strided.gather [hbm4b:s2+s14], $0x400, s15, s14, $0x38;
	[tilespmem:$0x1DA00] =	vst v63  }
0x1a: {  	s9 =	rddreg [dreg:$0x7];
	s10 =	simm.s32 $0x1AE00  }
0x1b: {  	[tilespmem:s10], [sflag:$0x1] =	stream.strided.gather [hbm4b:s9+s14], $0x400, s15, s14, $0x38;
	[tilespmem:$0x1DA00] =	vst v63  }
0x1c: {  	s13 =	rddreg [dreg:$0x8];
	s18 =	simm.s32 $0x1B200  }
0x1d: {  	[tilespmem:s18], [sflag:$0x1] =	stream.strided.gather [hbm4b:s13+s14], $0x400, s15, s14, $0x38;
	[tilespmem:$0x1DA00] =	vst v63  }
0x1e: {  	s20 =	rddreg [dreg:$0x9];
	s22 =	simm.s32 $0x4  }
0x1f: {  	[tilespmem:s4], [sflag:$0x4] =	stream.linear.gather [hbm4b:s20+s4], $0x1A530, $0x38;
	[tilespmem:$0x1DA00] =	vst v63  }
0x20: {  	_ =	swait.ge [sflag:s22], $0x1A530  }
0x21: {  	[sflag:s22] =	ssyncset.done $0x0  }
0x22: {  	s20 =	simm.s32 $0x0;
	[sflag:s22] =	ssyncadd.s32 $0xFFFE5AD0  }
.LBB2_2:
0x23: {  	s2 =	sshll.u32 s20, $0x2;
	s3 =	rddreg [dreg:$0x4]  }
0x24: {  	s9 =	sadd.s32 s3, s2  }
0x25: {  	s5 =	sshll.u32 s20, $0x9;
	s2 =	sshll.u32 s9, $0x9  }
0x26: {  	s10 =	sand.u32 $0x200, s5;
	s2 =	sand.u32 $0x3F000, s2  }
0x27: {  	s22 =	smov.u32 s12;
	s5 =	sor.u32 $0x100, s10;
	s13 =	sor.u32 s12, s2  }
0x28: {  	s18 =	smov.u32 s19;
	s3 =	rddreg [dreg:$0x0];
	s6 =	sor.u32 s5, s13  }
0x29: {  	s12 =	sor.u32 s19, s2;
	s19 =	rddreg [dreg:$0x5];
	s6 =	sshrl.u32 s6, $0x3  }
0x2a: {  	s7 =	simm.s32 $0x1B600;
	[dreg:$0xc] =	wrdreg s6;
	s6 =	sadd.s32 s3, s6  }
0x2b: {  	[tilespmem:s7], [sflag:$0x2] =	stream.strided.gather [hbm4b:s6+s14], $0x400, s15, s14, $0x38;
	[tilespmem:$0x1DA00] =	vst v63  }
0x2c: {  	s8 =	simm.s32 $0x1BA00;
	s19 =	sor.u32 s19, s2;
	s7 =	sor.u32 s5, s12  }
0x2d: {  	p0 =	seq.s32 s20, $0x0;
	s2 =	sor.u32 s5, s19;
	s6 =	sshrl.u32 s7, $0x3  }
0x2e: {  	s2 =	sshrl.u32 s2, $0x3;
	[dreg:$0xd] =	wrdreg s6;
	s6 =	sadd.s32 s3, s6  }
0x2f: {  	[tilespmem:s8], [sflag:$0x2] =	stream.strided.gather [hbm4b:s6+s14], $0x400, s15, s14, $0x38;
	[tilespmem:$0x1DA00] =	vst v63  }
0x30: {  	[dreg:$0xe] =	wrdreg s2;
	s2 =	sadd.s32 s3, s2;
	s7 =	simm.s32 $0x1BE00  }
0x31: {  	[tilespmem:s7], [sflag:$0x2] =	stream.strided.gather [hbm4b:s2+s14], $0x400, s15, s14, $0x38;
	[tilespmem:$0x1DA00] =	vst v63  }
0x32: {  	s2 =	simm.s32 @!p0 $0x3  }
0x33: {  	_ =	swait.ge @!p0 [sflag:s2], $0x400  }
0x34: {  	[sflag:s2] =	ssyncset.done @!p0 $0x0  }
0x35: {  	[sflag:s2] =	ssyncadd.s32 @!p0 $0xFFFFFC00  }
0x36: {  	_ =	swait.ge @!p0 [sflag:s2], $0x400  }
0x37: {  	[sflag:s2] =	ssyncset.done @!p0 $0x0  }
0x38: {  	[sflag:s2] =	ssyncadd.s32 @!p0 $0xFFFFFC00  }
0x39: {  	_ =	swait.ge @!p0 [sflag:s2], $0x400  }
0x3a: {  	[sflag:s2] =	ssyncset.done @!p0 $0x0  }
0x3b: {  	[sflag:s2] =	ssyncadd.s32 @!p0 $0xFFFFFC00  }
0x3c: {  	_ =	swait.ge @!p0 [sflag:s2], $0x400  }
0x3d: {  	[sflag:s2] =	ssyncset.done @!p0 $0x0  }
0x3e: {  	[sflag:s2] =	ssyncadd.s32 @!p0 $0xFFFFFC00  }
0x3f: {  	_ =	swait.ge @!p0 [sflag:s2], $0x400  }
0x40: {  	[sflag:s2] =	ssyncset.done @!p0 $0x0  }
0x41: {  	[sflag:s2] =	ssyncadd.s32 @!p0 $0xFFFFFC00  }
0x42: {  	_ =	swait.ge @!p0 [sflag:s2], $0x400  }
0x43: {  	[sflag:s2] =	ssyncset.done @!p0 $0x0  }
0x44: {  	[sflag:s2] =	ssyncadd.s32 @!p0 $0xFFFFFC00  }
0x45: {  	_ =	swait.ge [sflag:s23], $0x400  }
0x46: {  	[sflag:s23] =	ssyncset.done $0x0  }
0x47: {  	[sflag:s23] =	ssyncadd.s32 $0xFFFFFC00  }
0x48: {  	_ =	swait.ge [sflag:s23], $0x400  }
0x49: {  	[sflag:s23] =	ssyncset.done $0x0  }
0x4a: {  	[sflag:s23] =	ssyncadd.s32 $0xFFFFFC00  }
0x4b: {  	s8 =	simm.s32 $0x0;
	_ =	swait.ge [sflag:s23], $0x400  }
0x4c: {  	s3 =	sand.u32 $0x70, s8;
	s2 =	sand.u32 $0x300, s8;
	[sflag:s23] =	ssyncset.done $0x0  }
0x4d: {  	s6 =	sor.u32 s3, s2;
	[sflag:s23] =	ssyncadd.s32 $0xFFFFFC00  }
0x4e: {  	v1 =	vld [tilespmem:s6+$0x1B200];
	_ =	sdelay $0x1  }
0x4f: {  	v2 =	vld [tilespmem:s6+$0x1AE00];
	_ =	sdelay $0x1  }
0x50: {  	v3 =	vld [tilespmem:s6+$0x1AA00]  }
0x51: {  	v1 =	vmul.f32 $3.200000000e+01, v1;
	_ =	sdelay $0x1  }
0x52: {  	v2 =	vmul.f32 $3.200000000e+01, v2;
	v4 =	vtrunc.f32 v1  }
0x53: {  	v4 =	vcvt.f32.s32 v4  }
0x54: {  	v3 =	vmul.f32 $3.200000000e+01, v3;
	v5 =	vtrunc.f32 v2  }
0x55: {  	v5 =	vcvt.f32.s32 v5;
	v6 =	vmul.u32 $0x21, v4  }
0x56: {  	v7 =	vtrunc.f32 v3  }
0x57: {  	v7 =	vcvt.f32.s32 v7;
	v6 =	vadd.s32 v5, v6  }
0x58: {  	v6 =	vmul.u32 $0x21, v6  }
0x59: {  	v8 =	vadd.s32 v7, v0  }
0x5a: {  	v6 =	vadd.s32 v6, v8  }
0x5b: {  	v7 =	vcvt.s32.f32 v7;
	v8 =	vadd.s32 $0x1, v6  }
0x5c: {  	v4 =	vcvt.s32.f32 v4  }
0x5d: {  	v5 =	vcvt.s32.f32 v5;
	v3 =	vsub.f32 v3, v7;
	v7 =	vadd.s32 $0x2, v6  }
0x5e: {  	v4 =	vsub.f32 v1, v4  }
0x5f: {  	v5 =	vsub.f32 v2, v5;
	v9 =	vld.idx.msk [tilespmem:v6+s4+$0x0], $0xffff  }
0x60: {  	v13 =	vsub.f32 $1.000000000e+00, v4;
	v11 =	vld.idx.msk [tilespmem:v8+s4+$0x0], $0xffff  }
0x61: {  	v10 =	vsub.f32 $1.000000000e+00, v3;
	v2 =	vmul.f32 v4, v5;
	v15 =	vadd.s32 $0x3, v6;
	v14 =	vld.idx.msk [tilespmem:v8+s24+$0x0], $0xffff  }
0x62: {  	v12 =	vsub.f32 $1.000000000e+00, v5;
	v5 =	vmul.f32 v13, v5;
	v16 =	vld.idx.msk [tilespmem:v7+s24+$0x0], $0xffff  }
0x63: {  	v1 =	vmul.f32 v2, v10;
	v2 =	vmul.f32 v2, v3;
	v17 =	vld.idx.msk [tilespmem:v8+s25+$0x0], $0xffff  }
0x64: {  	v18 =	vmul.f32 v13, v12;
	v4 =	vmul.f32 v12, v4;
	v13 =	vld.idx.msk [tilespmem:v7+s25+$0x0], $0xffff  }
0x65: {  	v21 =	vmul.f32 v5, v10;
	v22 =	vmul.f32 v5, v3;
	v12 =	vld.idx.msk [tilespmem:v7+s26+$0x0], $0xffff  }
0x66: {  	v19 =	vmul.f32 v18, v10;
	v18 =	vmul.f32 v18, v3;
	v20 =	vld.idx.msk [tilespmem:v15+s26+$0x0], $0xffff  }
0x67: {  	v10 =	vmul.f32 v4, v10;
	v3 =	vmul.f32 v4, v3  }
0x68: {  	v4 =	vmul.f32 v19, v9;
	v5 =	vmul.f32 v18, v11  }
0x69: {  	v9 =	vmul.f32 v21, v14;
	v11 =	vmul.f32 v22, v16  }
0x6a: {  	v14 =	vmul.f32 v10, v17;
	v13 =	vmul.f32 v3, v13  }
0x6b: {  	v12 =	vmul.f32 v12, v1;
	v16 =	vmul.f32 v20, v2  }
0x6c: {  	v4 =	vadd.f32 v5, v4;
	v5 =	vadd.f32 v11, v9  }
0x6d: {  	s5 =	simm.s32 $0x10;
	s7 =	simm.s32 $0x20;
	v9 =	vadd.f32 v13, v14;
	v11 =	vadd.f32 v16, v12  }
0x6e: {  	s8 =	sand.u32 $0x300, s7;
	s2 =	sand.u32 $0x70, s5  }
0x6f: {  	s5 =	sor.u32 s2, s8;
	v4 =	vadd.f32 v5, v4;
	v5 =	vadd.f32 v11, v9  }
0x70: {  	v24 =	vld [tilespmem:s5+$0x1AA00]  }
0x71: {  	v9 =	vld [tilespmem:s6+$0x1AE80];
	v4 =	vadd.f32 v5, v4  }
0x72: {  	v5 =	vld [tilespmem:s6+$0x1AA80]  }
0x73: {  	[tilespmem:s6+$0x1C200] =	vst v4;
	v4 =	vld [tilespmem:s6+$0x1B280]  }
0x74: {  	v8 =	vld.idx.msk [tilespmem:v8+s28+$0x0], $0xffff  }
0x75: {  	v11 =	vld.idx.msk [tilespmem:v7+s28+$0x0], $0xffff  }
0x76: {  	v13 =	vadd.s32 $0x4, v6;
	v12 =	vld.idx.msk [tilespmem:v7+s29+$0x0], $0xffff  }
0x77: {  	v14 =	vld.idx.msk [tilespmem:v15+s29+$0x0], $0xffff  }
0x78: {  	v16 =	vld.idx.msk [tilespmem:v7+s30+$0x0], $0xffff  }
0x79: {  	v17 =	vld.idx.msk [tilespmem:v15+s30+$0x0], $0xffff  }
0x7a: {  	v20 =	vld.idx.msk [tilespmem:v15+s31+$0x0], $0xffff  }
0x7b: {  	v23 =	vld.idx.msk [tilespmem:v13+s31+$0x0], $0xffff;
	v9 =	vmul.f32 $3.200000000e+01, v9  }
0x7c: {  	v25 =	vld [tilespmem:s5+$0x1AE00];
	v5 =	vmul.f32 $3.200000000e+01, v5;
	v4 =	vmul.f32 $3.200000000e+01, v4  }
0x7d: {  	v26 =	vld [tilespmem:s5+$0x1B200];
	v8 =	vmul.f32 v8, v19;
	v11 =	vmul.f32 v11, v18  }
0x7e: {  	v12 =	vmul.f32 v12, v21;
	v14 =	vmul.f32 v14, v22  }
0x7f: {  	v16 =	vmul.f32 v16, v10;
	v17 =	vmul.f32 v17, v3  }
0x80: {  	v20 =	vmul.f32 v20, v1;
	v23 =	vmul.f32 v23, v2  }
0x81: {  	v8 =	vadd.f32 v11, v8;
	v11 =	vadd.f32 v14, v12;
	v12 =	vmul.f32 $3.200000000e+01, v24  }
0x82: {  	v14 =	vadd.f32 v17, v16;
	v16 =	vmul.f32 $3.200000000e+01, v25;
	v17 =	vmul.f32 $3.200000000e+01, v26  }
0x83: {  	v20 =	vadd.f32 v23, v20;
	v23 =	vtrunc.f32 v5;
	v24 =	vtrunc.f32 v9  }
0x84: {  	v23 =	vcvt.f32.s32 v23;
	v24 =	vcvt.f32.s32 v24;
	v8 =	vadd.f32 v11, v8  }
0x85: {  	v11 =	vtrunc.f32 v4;
	v25 =	vtrunc.f32 v12;
	v14 =	vadd.f32 v20, v14  }
0x86: {  	v20 =	vtrunc.f32 v16;
	v26 =	vtrunc.f32 v17  }
0x87: {  	v11 =	vcvt.f32.s32 v11;
	v20 =	vcvt.f32.s32 v20;
	v8 =	vadd.f32 v14, v8  }
0x88: {  	v6 =	vadd.s32 $0x5, v6;
	v14 =	vcvt.f32.s32 v25;
	v25 =	vcvt.f32.s32 v26  }
0x89: {  	v26 =	vcvt.s32.f32 v24;
	v27 =	vcvt.s32.f32 v11;
	[tilespmem:s6+$0x1C600] =	vst v8  }
0x8a: {  	v11 =	vmul.u32 $0x21, v11;
	v29 =	vcvt.s32.f32 v20;
	v8 =	vcvt.s32.f32 v23;
	v7 =	vld.idx.msk [tilespmem:v7+s1+$0x0], $0xffff  }
0x8b: {  	v28 =	vcvt.s32.f32 v14;
	v23 =	vadd.s32 v23, v0;
	v31 =	vcvt.s32.f32 v25;
	v30 =	vld.idx.msk [tilespmem:v15+s1+$0x0], $0xffff  }
0x8c: {  	v25 =	vmul.u32 $0x21, v25;
	v32 =	vld.idx.msk [tilespmem:v15+s0+$0x0], $0xffff;
	v4 =	vsub.f32 v4, v27;
	v16 =	vsub.f32 v16, v29  }
0x8d: {  	v14 =	vadd.s32 v14, v0;
	v6 =	vld.idx.msk [tilespmem:v6+s17+$0x0], $0xffff;
	v33 =	vsub.f32 v5, v8;
	v8 =	vsub.f32 v9, v26  }
0x8e: {  	v12 =	vsub.f32 v12, v28;
	v5 =	vadd.s32 v24, v11;
	v11 =	vld.idx.msk [tilespmem:v15+s16+$0x0], $0xffff;
	v15 =	vadd.s32 v20, v25  }
0x8f: {  	v9 =	vld.idx.msk [tilespmem:v13+s0+$0x0], $0xffff;
	v17 =	vsub.f32 v17, v31;
	v15 =	vmul.u32 $0x21, v15;
	v28 =	vsub.f32 $1.000000000e+00, v4  }
0x90: {  	v20 =	vld.idx.msk [tilespmem:v13+s16+$0x0], $0xffff;
	v24 =	vmul.u32 $0x21, v5;
	v25 =	vsub.f32 $1.000000000e+00, v33;
	v26 =	vsub.f32 $1.000000000e+00, v8  }
0x91: {  	v13 =	vld.idx.msk [tilespmem:v13+s17+$0x0], $0xffff;
	v27 =	vmul.f32 v4, v8;
	v29 =	vsub.f32 $1.000000000e+00, v12;
	v5 =	vadd.s32 v15, v14  }
0x92: {  	v31 =	vmul.f32 v17, v16;
	v34 =	vadd.s32 $0x1, v5;
	v7 =	vmul.f32 v7, v19  }
0x93: {  	v14 =	vmul.f32 v30, v18;
	v18 =	vsub.f32 $1.000000000e+00, v16;
	v15 =	vmul.f32 v32, v21  }
0x94: {  	v19 =	vsub.f32 $1.000000000e+00, v17;
	v2 =	vmul.f32 v6, v2;
	v9 =	vmul.f32 v9, v22  }
0x95: {  	v22 =	vadd.s32 $0x2, v5;
	v10 =	vmul.f32 v11, v10;
	v11 =	vmul.f32 v20, v3  }
0x96: {  	v13 =	vmul.f32 v13, v1;
	v1 =	vmul.f32 v27, v25;
	v3 =	vadd.s32 v24, v23  }
0x97: {  	v23 =	vmul.f32 v28, v26;
	v6 =	vadd.f32 v14, v7;
	v7 =	vadd.f32 v9, v15;
	v30 =	vld.idx.msk [tilespmem:v5+s4+$0x0], $0xffff  }
0x98: {  	v24 =	vmul.f32 v28, v8;
	v10 =	vadd.f32 v11, v10;
	v11 =	vadd.f32 v2, v13;
	v9 =	vld.idx.msk [tilespmem:v34+s4+$0x0], $0xffff  }
0x99: {  	v26 =	vmul.f32 v26, v4;
	v20 =	vmul.f32 v19, v18;
	v15 =	vadd.s32 $0x3, v5;
	v14 =	vld.idx.msk [tilespmem:v34+s24+$0x0], $0xffff  }
0x9a: {  	v21 =	vmul.f32 v19, v16;
	v13 =	vadd.f32 v7, v6;
	v10 =	vadd.f32 v11, v10;
	v11 =	vld.idx.msk [tilespmem:v34+s25+$0x0], $0xffff  }
0x9b: {  	v2 =	vmul.f32 v27, v33;
	v27 =	vadd.s32 $0x1, v3;
	v19 =	vmul.f32 v20, v29;
	v8 =	vld.idx.msk [tilespmem:v22+s24+$0x0], $0xffff  }
0x9c: {  	v16 =	vmul.f32 v20, v12;
	v6 =	vmul.f32 v31, v29;
	v28 =	vld.idx.msk [tilespmem:v22+s25+$0x0], $0xffff;
	v10 =	vadd.f32 v10, v13  }
0x9d: {  	v7 =	vmul.f32 v31, v12;
	v31 =	vmul.f32 v18, v17;
	v60 =	vld.idx.msk [tilespmem:v22+s26+$0x0], $0xffff  }
0x9e: {  	v17 =	vmul.f32 v21, v29;
	v18 =	vmul.f32 v21, v12;
	v13 =	vadd.s32 $0x2, v3;
	v35 =	vld.idx.msk [tilespmem:v15+s26+$0x0], $0xffff;
	[tilespmem:s6+$0x1CA00] =	vst v10  }
0x9f: {  	v20 =	vmul.f32 v31, v29;
	v21 =	vmul.f32 v31, v12;
	v29 =	vld.idx.msk [tilespmem:v3+s4+$0x0], $0xffff  }
0xa0: {  	v10 =	vmul.f32 v19, v30;
	v9 =	vmul.f32 v16, v9;
	v30 =	vld.idx.msk [tilespmem:v27+s4+$0x0], $0xffff  }
0xa1: {  	v12 =	vmul.f32 v17, v14;
	v31 =	vld.idx.msk [tilespmem:v27+s24+$0x0], $0xffff;
	v14 =	vadd.s32 $0x3, v3;
	v11 =	vmul.f32 v20, v11  }
0xa2: {  	v37 =	vld.idx.msk [tilespmem:v27+s25+$0x0], $0xffff;
	v8 =	vmul.f32 v18, v8;
	v28 =	vmul.f32 v21, v28  }
0xa3: {  	v32 =	vmul.f32 v60, v6;
	v36 =	vld.idx.msk [tilespmem:v13+s24+$0x0], $0xffff;
	v35 =	vmul.f32 v35, v7  }
0xa4: {  	v4 =	vmul.f32 v23, v25;
	v10 =	vadd.f32 v9, v10;
	v38 =	vld.idx.msk [tilespmem:v13+s25+$0x0], $0xffff;
	v12 =	vadd.f32 v8, v12  }
0xa5: {  	v28 =	vadd.f32 v28, v11;
	v8 =	vmul.f32 v23, v33;
	v23 =	vld.idx.msk [tilespmem:v13+s26+$0x0], $0xffff;
	v32 =	vadd.f32 v35, v32  }
0xa6: {  	v9 =	vmul.f32 v24, v25;
	v11 =	vmul.f32 v24, v33;
	v61 =	vld.idx.msk [tilespmem:v14+s26+$0x0], $0xffff;
	v24 =	vadd.f32 v12, v10  }
0xa7: {  	v10 =	vmul.f32 v26, v25;
	v12 =	vmul.f32 v26, v33;
	v28 =	vadd.f32 v32, v28  }
0xa8: {  	v25 =	vmul.f32 v4, v29;
	v26 =	vmul.f32 v8, v30  }
0xa9: {  	v30 =	vld [tilespmem:s5+$0x1AA80];
	v29 =	vmul.f32 v11, v36;
	v62 =	vmul.f32 v10, v37;
	v24 =	vadd.f32 v28, v24  }
0xaa: {  	v63 =	vmul.f32 v12, v38;
	v32 =	vld [tilespmem:s5+$0x1B280];
	v28 =	vmul.f32 v9, v31  }
0xab: {  	v23 =	vmul.f32 v23, v1;
	v31 =	vld [tilespmem:s5+$0x1AE80];
	[tilespmem:s5+$0x1C200] =	vst v24;
	v24 =	vmul.f32 v61, v2  }
0xac: {  	v25 =	vadd.f32 v26, v25;
	v26 =	vadd.f32 v29, v28;
	v33 =	vld.idx.msk [tilespmem:v34+s28+$0x0], $0xffff  }
0xad: {  	v28 =	vadd.f32 v63, v62;
	v34 =	vld.idx.msk [tilespmem:v22+s28+$0x0], $0xffff;
	v23 =	vadd.f32 v24, v23  }
0xae: {  	v35 =	vld.idx.msk [tilespmem:v22+s29+$0x0], $0xffff;
	v24 =	vadd.s32 $0x4, v5  }
0xaf: {  	v36 =	vld.idx.msk [tilespmem:v15+s29+$0x0], $0xffff;
	v25 =	vadd.f32 v26, v25;
	v23 =	vadd.f32 v23, v28  }
0xb0: {  	v37 =	vld.idx.msk [tilespmem:v22+s30+$0x0], $0xffff  }
0xb1: {  	v38 =	vld.idx.msk [tilespmem:v15+s30+$0x0], $0xffff;
	v23 =	vadd.f32 v23, v25  }
0xb2: {  	v39 =	vld.idx.msk [tilespmem:v15+s31+$0x0], $0xffff  }
0xb3: {  	v40 =	vld.idx.msk [tilespmem:v24+s31+$0x0], $0xffff;
	[tilespmem:s6+$0x1C280] =	vst v23  }
0xb4: {  	v27 =	vld.idx.msk [tilespmem:v27+s28+$0x0], $0xffff  }
0xb5: {  	v29 =	vld.idx.msk [tilespmem:v13+s28+$0x0], $0xffff  }
0xb6: {  	v23 =	vadd.s32 $0x4, v3;
	v26 =	vld.idx.msk [tilespmem:v13+s29+$0x0], $0xffff  }
0xb7: {  	v28 =	vld.idx.msk [tilespmem:v14+s29+$0x0], $0xffff  }
0xb8: {  	s8 =	simm.s32 $0x20;
	v25 =	vmul.f32 $3.200000000e+01, v30;
	v30 =	vld.idx.msk [tilespmem:v13+s30+$0x0], $0xffff  }
.LBB2_3:
0xb9: {  	p0 =	sne.s32 s8, $0x1F0;
	v31 =	vmul.f32 $3.200000000e+01, v31;
	v32 =	vmul.f32 $3.200000000e+01, v32;
	v41 =	vld.idx.msk [tilespmem:v14+s30+$0x0], $0xffff  }
0xba: {  	v33 =	vmul.f32 v33, v19;
	v34 =	vmul.f32 v34, v16;
	s7 =	sadd.s32 $0x20, s7;
	v42 =	vld.idx.msk [tilespmem:v14+s31+$0x0], $0xffff  }
0xbb: {  	s2 =	sand.u32 $0x70, s8;
	v35 =	vmul.f32 v35, v17;
	v36 =	vmul.f32 v36, v18;
	s3 =	sand.u32 $0x300, s7;
	v43 =	vld.idx.msk [tilespmem:v23+s31+$0x0], $0xffff  }
0xbc: {  	v37 =	vmul.f32 v37, v20;
	v38 =	vmul.f32 v38, v21;
	s2 =	sor.u32 s2, s3  }
0xbd: {  	v39 =	vmul.f32 v39, v6;
	v40 =	vmul.f32 v40, v7;
	v44 =	vld [tilespmem:s2+$0x1AA00]  }
0xbe: {  	v27 =	vmul.f32 v27, v4;
	v29 =	vmul.f32 v29, v8;
	v33 =	vadd.f32 v34, v33;
	v45 =	vld [tilespmem:s2+$0x1AE00]  }
0xbf: {  	v35 =	vadd.f32 v36, v35;
	v26 =	vmul.f32 v26, v9;
	v28 =	vmul.f32 v28, v11;
	v34 =	vld [tilespmem:s2+$0x1B200]  }
0xc0: {  	v36 =	vadd.f32 v38, v37;
	v30 =	vmul.f32 v30, v10;
	v37 =	vmul.f32 v41, v12  }
0xc1: {  	v38 =	vadd.f32 v40, v39;
	v39 =	vmul.f32 v42, v1;
	v40 =	vmul.f32 v43, v2  }
0xc2: {  	v27 =	vadd.f32 v29, v27;
	v26 =	vadd.f32 v28, v26;
	v41 =	vmul.f32 $3.200000000e+01, v44  }
0xc3: {  	v29 =	vadd.f32 v37, v30;
	v30 =	vadd.f32 v40, v39;
	v28 =	vmul.f32 $3.200000000e+01, v45  }
0xc4: {  	v33 =	vadd.f32 v35, v33;
	v35 =	vadd.f32 v38, v36;
	v34 =	vmul.f32 $3.200000000e+01, v34  }
0xc5: {  	v36 =	vtrunc.f32 v25;
	v26 =	vadd.f32 v26, v27;
	v27 =	vadd.f32 v30, v29  }
0xc6: {  	v29 =	vadd.f32 v35, v33;
	v30 =	vtrunc.f32 v31;
	v33 =	vtrunc.f32 v32  }
0xc7: {  	v35 =	vtrunc.f32 v41;
	v37 =	vtrunc.f32 v28;
	v26 =	vadd.f32 v27, v26  }
0xc8: {  	v27 =	vtrunc.f32 v34;
	[tilespmem:s5+$0x1C600] =	vst v29;
	v29 =	vcvt.f32.s32 v36  }
0xc9: {  	v30 =	vcvt.f32.s32 v30;
	v33 =	vcvt.f32.s32 v33;
	v22 =	vld.idx.msk [tilespmem:v22+s1+$0x0], $0xffff;
	[tilespmem:s6+$0x1C680] =	vst v26  }
0xca: {  	v26 =	vcvt.f32.s32 v35;
	v35 =	vcvt.f32.s32 v37;
	v13 =	vld.idx.msk [tilespmem:v13+s1+$0x0], $0xffff  }
0xcb: {  	v27 =	vcvt.f32.s32 v27;
	v36 =	vcvt.s32.f32 v29;
	v37 =	vld.idx.msk [tilespmem:v14+s1+$0x0], $0xffff  }
0xcc: {  	v3 =	vadd.s32 $0x5, v3;
	v38 =	vcvt.s32.f32 v30;
	v39 =	vcvt.s32.f32 v33;
	v40 =	vld.idx.msk [tilespmem:v14+s0+$0x0], $0xffff  }
0xcd: {  	v33 =	vmul.u32 $0x21, v33;
	v29 =	vadd.s32 v29, v0;
	v42 =	vcvt.s32.f32 v26;
	v43 =	vld.idx.msk [tilespmem:v23+s0+$0x0], $0xffff  }
0xce: {  	v45 =	vcvt.s32.f32 v27;
	v44 =	vcvt.s32.f32 v35;
	v26 =	vadd.s32 v26, v0;
	v14 =	vld.idx.msk [tilespmem:v14+s16+$0x0], $0xffff  }
0xcf: {  	v27 =	vmul.u32 $0x21, v27;
	v31 =	vsub.f32 v31, v38;
	v25 =	vsub.f32 v25, v36;
	v36 =	vld.idx.msk [tilespmem:v23+s16+$0x0], $0xffff  }
0xd0: {  	v32 =	vsub.f32 v32, v39;
	v30 =	vadd.s32 v30, v33;
	v38 =	vsub.f32 v41, v42;
	v33 =	vld.idx.msk [tilespmem:v23+s17+$0x0], $0xffff  }
0xd1: {  	v34 =	vsub.f32 v34, v45;
	v28 =	vsub.f32 v28, v44;
	v23 =	vadd.s32 v35, v27;
	v3 =	vld.idx.msk [tilespmem:v3+s17+$0x0], $0xffff  }
0xd2: {  	v30 =	vmul.u32 $0x21, v30;
	v27 =	vmul.u32 $0x21, v23;
	v23 =	vsub.f32 $1.000000000e+00, v25;
	v35 =	vld.idx.msk [tilespmem:v15+s1+$0x0], $0xffff  }
0xd3: {  	v5 =	vadd.s32 $0x5, v5;
	v41 =	vsub.f32 $1.000000000e+00, v31;
	v42 =	vmul.f32 v32, v31;
	v39 =	vld.idx.msk [tilespmem:v15+s0+$0x0], $0xffff  }
0xd4: {  	v45 =	vsub.f32 $1.000000000e+00, v32;
	v4 =	vmul.f32 v13, v4;
	v8 =	vmul.f32 v37, v8;
	v44 =	vld.idx.msk [tilespmem:v24+s0+$0x0], $0xffff  }
0xd5: {  	v37 =	vsub.f32 $1.000000000e+00, v38;
	v9 =	vmul.f32 v40, v9;
	v11 =	vmul.f32 v43, v11;
	v13 =	vld.idx.msk [tilespmem:v15+s16+$0x0], $0xffff  }
0xd6: {  	v40 =	vsub.f32 $1.000000000e+00, v28;
	v10 =	vmul.f32 v14, v10;
	v12 =	vmul.f32 v36, v12;
	v15 =	vld.idx.msk [tilespmem:v24+s16+$0x0], $0xffff  }
0xd7: {  	v14 =	vsub.f32 $1.000000000e+00, v34;
	v1 =	vmul.f32 v33, v1;
	v2 =	vmul.f32 v3, v2;
	v24 =	vld.idx.msk [tilespmem:v24+s17+$0x0], $0xffff  }
0xd8: {  	v4 =	vadd.f32 v8, v4;
	v8 =	vadd.f32 v11, v9;
	v33 =	vmul.f32 v34, v28;
	v3 =	vld.idx.msk [tilespmem:v5+s17+$0x0], $0xffff  }
0xd9: {  	v9 =	vadd.f32 v12, v10;
	v5 =	vadd.s32 v27, v26;
	v2 =	vadd.f32 v2, v1  }
0xda: {  	v10 =	vmul.f32 v22, v19;
	v1 =	vmul.f32 v42, v23;
	v26 =	vadd.s32 $0x1, v5  }
0xdb: {  	v4 =	vadd.f32 v8, v4;
	v11 =	vmul.f32 v35, v16;
	v2 =	vadd.f32 v2, v9  }
0xdc: {  	v8 =	vmul.f32 v39, v17;
	v22 =	vadd.s32 $0x2, v5;
	v9 =	vmul.f32 v44, v18  }
0xdd: {  	v12 =	vmul.f32 v13, v20;
	v13 =	vmul.f32 v15, v21;
	v2 =	vadd.f32 v2, v4  }
0xde: {  	v4 =	vmul.f32 v24, v6;
	v6 =	vmul.f32 v3, v7;
	v3 =	vadd.s32 v30, v29  }
0xdf: {  	v8 =	vadd.f32 v9, v8;
	v7 =	vadd.f32 v11, v10;
	v24 =	vld.idx.msk [tilespmem:v5+s4+$0x0], $0xffff;
	[tilespmem:s6+$0x1CA80] =	vst v2;
	s6 =	smov.u32 s5;
	s5 =	smov.u32 s2  }
0xe0: {  	v10 =	vadd.f32 v13, v12;
	v4 =	vadd.f32 v6, v4;
	v2 =	vmul.f32 v42, v25;
	v9 =	vld.idx.msk [tilespmem:v26+s4+$0x0], $0xffff  }
0xe1: {  	v27 =	vmul.f32 v45, v31;
	v15 =	vadd.s32 $0x3, v5;
	v12 =	vmul.f32 v45, v41;
	v11 =	vld.idx.msk [tilespmem:v26+s24+$0x0], $0xffff  }
0xe2: {  	v30 =	vmul.f32 v41, v32;
	v8 =	vadd.f32 v8, v7;
	v4 =	vadd.f32 v4, v10;
	v29 =	vld.idx.msk [tilespmem:v22+s24+$0x0], $0xffff  }
0xe3: {  	v41 =	vadd.s32 $0x1, v3;
	v6 =	vmul.f32 v33, v37;
	v7 =	vmul.f32 v33, v38;
	v10 =	vld.idx.msk [tilespmem:v26+s25+$0x0], $0xffff  }
0xe4: {  	v16 =	vmul.f32 v14, v40;
	v14 =	vmul.f32 v14, v28;
	v8 =	vadd.f32 v4, v8;
	v28 =	vld.idx.msk [tilespmem:v22+s25+$0x0], $0xffff  }
0xe5: {  	v21 =	vmul.f32 v40, v34;
	v13 =	vadd.s32 $0x2, v3;
	v4 =	vmul.f32 v12, v23;
	v31 =	vld.idx.msk [tilespmem:v22+s26+$0x0], $0xffff  }
0xe6: {  	v19 =	vmul.f32 v16, v37;
	v16 =	vmul.f32 v16, v38;
	v32 =	vld.idx.msk [tilespmem:v15+s26+$0x0], $0xffff;
	[tilespmem:s6+$0x1CA00] =	vst v8  }
0xe7: {  	v17 =	vmul.f32 v14, v37;
	v18 =	vmul.f32 v14, v38;
	v33 =	vld.idx.msk [tilespmem:v3+s4+$0x0], $0xffff  }
0xe8: {  	v20 =	vmul.f32 v21, v37;
	v21 =	vmul.f32 v21, v38;
	v34 =	vld.idx.msk [tilespmem:v41+s4+$0x0], $0xffff  }
0xe9: {  	v14 =	vadd.s32 $0x3, v3;
	v9 =	vmul.f32 v16, v9;
	v8 =	vmul.f32 v19, v24;
	v24 =	vld.idx.msk [tilespmem:v41+s24+$0x0], $0xffff  }
0xea: {  	v11 =	vmul.f32 v17, v11;
	v29 =	vmul.f32 v18, v29;
	v35 =	vld.idx.msk [tilespmem:v13+s24+$0x0], $0xffff  }
0xeb: {  	v10 =	vmul.f32 v20, v10;
	v28 =	vmul.f32 v21, v28;
	v36 =	vld.idx.msk [tilespmem:v41+s25+$0x0], $0xffff  }
0xec: {  	v31 =	vmul.f32 v31, v6;
	v32 =	vmul.f32 v32, v7;
	v37 =	vld.idx.msk [tilespmem:v13+s25+$0x0], $0xffff  }
0xed: {  	v38 =	vadd.f32 v9, v8;
	v8 =	vmul.f32 v12, v25;
	v29 =	vadd.f32 v29, v11;
	v39 =	vld.idx.msk [tilespmem:v13+s26+$0x0], $0xffff  }
0xee: {  	v9 =	vmul.f32 v27, v23;
	v12 =	vadd.f32 v28, v10;
	v28 =	vadd.f32 v32, v31;
	v40 =	vld.idx.msk [tilespmem:v14+s26+$0x0], $0xffff  }
0xef: {  	v11 =	vmul.f32 v27, v25;
	v10 =	vmul.f32 v30, v23  }
0xf0: {  	v23 =	vadd.f32 v29, v38;
	v27 =	vadd.f32 v28, v12;
	v12 =	vmul.f32 v30, v25  }
0xf1: {  	v25 =	vmul.f32 v4, v33;
	v28 =	vmul.f32 v8, v34  }
0xf2: {  	v24 =	vmul.f32 v9, v24;
	v23 =	vadd.f32 v27, v23;
	v27 =	vmul.f32 v11, v35;
	v30 =	vld [tilespmem:s5+$0x1AA80]  }
0xf3: {  	v29 =	vmul.f32 v10, v36;
	v35 =	vmul.f32 v12, v37;
	v31 =	vld [tilespmem:s5+$0x1AE80]  }
0xf4: {  	v36 =	vmul.f32 v40, v2;
	[tilespmem:s5+$0x1C200] =	vst v23;
	v32 =	vld [tilespmem:s5+$0x1B280];
	v23 =	vmul.f32 v39, v1  }
0xf5: {  	v25 =	vadd.f32 v28, v25;
	v33 =	vld.idx.msk [tilespmem:v26+s28+$0x0], $0xffff;
	v26 =	vadd.f32 v27, v24  }
0xf6: {  	v27 =	vadd.f32 v35, v29;
	v34 =	vld.idx.msk [tilespmem:v22+s28+$0x0], $0xffff;
	v23 =	vadd.f32 v36, v23  }
0xf7: {  	v24 =	vadd.s32 $0x4, v5;
	v35 =	vld.idx.msk [tilespmem:v22+s29+$0x0], $0xffff  }
0xf8: {  	v25 =	vadd.f32 v26, v25;
	v36 =	vld.idx.msk [tilespmem:v15+s29+$0x0], $0xffff;
	v23 =	vadd.f32 v23, v27  }
0xf9: {  	v37 =	vld.idx.msk [tilespmem:v22+s30+$0x0], $0xffff  }
0xfa: {  	v38 =	vld.idx.msk [tilespmem:v15+s30+$0x0], $0xffff;
	v23 =	vadd.f32 v23, v25  }
0xfb: {  	v39 =	vld.idx.msk [tilespmem:v15+s31+$0x0], $0xffff  }
0xfc: {  	v40 =	vld.idx.msk [tilespmem:v24+s31+$0x0], $0xffff;
	[tilespmem:s6+$0x1C280] =	vst v23  }
.Ltmp0:
0xfd: {  	v27 =	vld.idx.msk [tilespmem:v41+s28+$0x0], $0xffff;
	(pc) =	sbr.rel @p0 .LBB2_3-.Ltmp0, $4  }
0xfe: {  	v29 =	vld.idx.msk [tilespmem:v13+s28+$0x0], $0xffff  }
0xff: {  	v23 =	vadd.s32 $0x4, v3;
	v26 =	vld.idx.msk [tilespmem:v13+s29+$0x0], $0xffff  }
0x100: {  	v28 =	vld.idx.msk [tilespmem:v14+s29+$0x0], $0xffff  }
0x101: {  	s8 =	sadd.s32 $0x10, s8;
	v25 =	vmul.f32 $3.200000000e+01, v30;
	v30 =	vld.idx.msk [tilespmem:v13+s30+$0x0], $0xffff  }
0x102: {  	v33 =	vmul.f32 v33, v19;
	v34 =	vmul.f32 v34, v16  }
0x103: {  	v35 =	vmul.f32 v35, v17;
	v36 =	vmul.f32 v36, v18  }
0x104: {  	v37 =	vmul.f32 v37, v20;
	v38 =	vmul.f32 v38, v21  }
0x105: {  	v39 =	vmul.f32 v39, v6;
	v40 =	vmul.f32 v40, v7  }
0x106: {  	v33 =	vadd.f32 v34, v33;
	v54 =	vadd.f32 v36, v35  }
0x107: {  	v55 =	vadd.f32 v38, v37;
	v56 =	vadd.f32 v40, v39;
	_ =	sdelay $0x1  }
0x108: {  	v33 =	vadd.f32 v54, v33;
	v57 =	vadd.f32 v56, v55;
	_ =	sdelay $0x1  }
0x109: {  	v33 =	vadd.f32 v57, v33;
	_ =	sdelay $0x1  }
0x10a: {  	[tilespmem:s5+$0x1C600] =	vst v33  }
0x10b: {  	v22 =	vld.idx.msk [tilespmem:v22+s1+$0x0], $0xffff  }
0x10c: {  	v33 =	vld.idx.msk [tilespmem:v15+s1+$0x0], $0xffff  }
0x10d: {  	v5 =	vadd.s32 $0x5, v5;
	v58 =	vld.idx.msk [tilespmem:v15+s0+$0x0], $0xffff  }
0x10e: {  	v59 =	vld.idx.msk [tilespmem:v24+s0+$0x0], $0xffff  }
0x10f: {  	v31 =	vmul.f32 $3.200000000e+01, v31;
	v15 =	vld.idx.msk [tilespmem:v15+s16+$0x0], $0xffff  }
0x110: {  	v32 =	vmul.f32 $3.200000000e+01, v32;
	v60 =	vld.idx.msk [tilespmem:v24+s16+$0x0], $0xffff  }
0x111: {  	v61 =	vtrunc.f32 v25;
	v62 =	vtrunc.f32 v31;
	v24 =	vld.idx.msk [tilespmem:v24+s17+$0x0], $0xffff  }
0x112: {  	v63 =	vtrunc.f32 v32;
	v37 =	vcvt.f32.s32 v61;
	v5 =	vld.idx.msk [tilespmem:v5+s17+$0x0], $0xffff  }
0x113: {  	v38 =	vcvt.f32.s32 v62;
	v39 =	vcvt.f32.s32 v63  }
0x114: {  	v19 =	vmul.f32 v22, v19;
	v16 =	vmul.f32 v33, v16  }
0x115: {  	v17 =	vmul.f32 v58, v17;
	v18 =	vmul.f32 v59, v18  }
0x116: {  	v22 =	vmul.u32 $0x21, v39;
	v15 =	vmul.f32 v15, v20;
	v20 =	vmul.f32 v60, v21  }
0x117: {  	v6 =	vmul.f32 v24, v6;
	v5 =	vmul.f32 v5, v7  }
0x118: {  	v7 =	vadd.s32 v38, v22;
	v16 =	vadd.f32 v16, v19;
	v17 =	vadd.f32 v18, v17  }
0x119: {  	v15 =	vadd.f32 v20, v15;
	v5 =	vadd.f32 v5, v6;
	v7 =	vmul.u32 $0x21, v7  }
0x11a: {  	v6 =	vadd.s32 v37, v0  }
0x11b: {  	v5 =	vadd.f32 v5, v15;
	v6 =	vadd.s32 v7, v6;
	v7 =	vadd.f32 v17, v16  }
0x11c: {  	v16 =	vadd.s32 $0x1, v6  }
0x11d: {  	v18 =	vcvt.s32.f32 v39;
	v15 =	vcvt.s32.f32 v37;
	v5 =	vadd.f32 v5, v7  }
0x11e: {  	v17 =	vcvt.s32.f32 v38  }
0x11f: {  	v18 =	vsub.f32 v32, v18;
	v7 =	vsub.f32 v25, v15;
	v15 =	vadd.s32 $0x2, v6;
	[tilespmem:s5+$0x1CA00] =	vst v5  }
0x120: {  	v17 =	vsub.f32 v31, v17;
	v5 =	vld.idx.msk [tilespmem:v6+s4+$0x0], $0xffff  }
0x121: {  	v24 =	vsub.f32 $1.000000000e+00, v18;
	v21 =	vld.idx.msk [tilespmem:v16+s4+$0x0], $0xffff  }
0x122: {  	v31 =	vadd.s32 $0x3, v6;
	v19 =	vsub.f32 $1.000000000e+00, v7;
	v20 =	vmul.f32 v18, v17;
	v25 =	vld.idx.msk [tilespmem:v16+s24+$0x0], $0xffff  }
0x123: {  	v22 =	vsub.f32 $1.000000000e+00, v17;
	v17 =	vmul.f32 v24, v17;
	v43 =	vld.idx.msk [tilespmem:v16+s25+$0x0], $0xffff  }
0x124: {  	v40 =	vmul.f32 v20, v19;
	v20 =	vmul.f32 v20, v7;
	v41 =	vld.idx.msk [tilespmem:v15+s24+$0x0], $0xffff  }
0x125: {  	v42 =	vmul.f32 v24, v22;
	v18 =	vmul.f32 v22, v18;
	v22 =	vld.idx.msk [tilespmem:v15+s25+$0x0], $0xffff  }
0x126: {  	v45 =	vmul.f32 v17, v19;
	v17 =	vmul.f32 v17, v7;
	v44 =	vld.idx.msk [tilespmem:v15+s26+$0x0], $0xffff  }
0x127: {  	v46 =	vld.idx.msk [tilespmem:v31+s26+$0x0], $0xffff;
	v24 =	vmul.f32 v42, v19;
	v34 =	vmul.f32 v42, v7  }
0x128: {  	v19 =	vmul.f32 v18, v19;
	v7 =	vmul.f32 v18, v7  }
0x129: {  	v5 =	vmul.f32 v24, v5;
	v18 =	vmul.f32 v34, v21  }
0x12a: {  	v21 =	vmul.f32 v45, v25;
	v47 =	vmul.f32 v19, v43  }
0x12b: {  	v25 =	vmul.f32 v17, v41;
	v22 =	vmul.f32 v7, v22  }
0x12c: {  	v48 =	vmul.f32 v44, v40;
	v49 =	vmul.f32 v46, v20  }
0x12d: {  	v5 =	vadd.f32 v18, v5;
	v18 =	vadd.f32 v25, v21  }
0x12e: {  	v21 =	vadd.f32 v22, v47;
	v22 =	vadd.f32 v49, v48;
	_ =	sdelay $0x1  }
0x12f: {  	v5 =	vadd.f32 v18, v5;
	v18 =	vadd.f32 v22, v21;
	_ =	sdelay $0x1  }
0x130: {  	v21 =	vld.idx.msk [tilespmem:v14+s30+$0x0], $0xffff;
	v5 =	vadd.f32 v18, v5  }
0x131: {  	v22 =	vld.idx.msk [tilespmem:v23+s31+$0x0], $0xffff  }
0x132: {  	v18 =	vld.idx.msk [tilespmem:v14+s31+$0x0], $0xffff;
	[tilespmem:s5+$0x1C280] =	vst v5  }
0x133: {  	v5 =	vld.idx.msk [tilespmem:v16+s28+$0x0], $0xffff  }
0x134: {  	v26 =	vmul.f32 v26, v9;
	v50 =	vadd.s32 $0x4, v6;
	v16 =	vmul.f32 v27, v4;
	v27 =	vld.idx.msk [tilespmem:v15+s28+$0x0], $0xffff  }
0x135: {  	v28 =	vmul.f32 v28, v11;
	v25 =	vmul.f32 v29, v8;
	v29 =	vld.idx.msk [tilespmem:v15+s29+$0x0], $0xffff  }
0x136: {  	v30 =	vmul.f32 v30, v10;
	v21 =	vmul.f32 v21, v12;
	v51 =	vld.idx.msk [tilespmem:v31+s29+$0x0], $0xffff  }
0x137: {  	v22 =	vmul.f32 v22, v2;
	v52 =	vld.idx.msk [tilespmem:v15+s30+$0x0], $0xffff;
	v18 =	vmul.f32 v18, v1  }
0x138: {  	v16 =	vadd.f32 v25, v16;
	v25 =	vadd.f32 v28, v26;
	v26 =	vld.idx.msk [tilespmem:v31+s30+$0x0], $0xffff  }
0x139: {  	v21 =	vadd.f32 v21, v30;
	v28 =	vld.idx.msk [tilespmem:v50+s31+$0x0], $0xffff;
	v18 =	vadd.f32 v22, v18  }
0x13a: {  	v22 =	vld.idx.msk [tilespmem:v31+s31+$0x0], $0xffff  }
0x13b: {  	v16 =	vadd.f32 v25, v16;
	v18 =	vadd.f32 v18, v21  }
0x13c: {  	v5 =	vmul.f32 v5, v24;
	v25 =	vmul.f32 v51, v17  }
0x13d: {  	v21 =	vmul.f32 v27, v34;
	v27 =	vmul.f32 v52, v19;
	v16 =	vadd.f32 v18, v16  }
0x13e: {  	v3 =	vadd.s32 $0x5, v3;
	v26 =	vmul.f32 v26, v7;
	v18 =	vmul.f32 v29, v45  }
0x13f: {  	[tilespmem:s6+$0x1C680] =	vst v16;
	v16 =	vmul.f32 v22, v40;
	v22 =	vmul.f32 v28, v20  }
0x140: {  	v5 =	vadd.f32 v21, v5;
	v18 =	vadd.f32 v25, v18;
	v13 =	vld.idx.msk [tilespmem:v13+s1+$0x0], $0xffff  }
0x141: {  	v25 =	vadd.f32 v26, v27;
	v21 =	vld.idx.msk [tilespmem:v14+s1+$0x0], $0xffff;
	v16 =	vadd.f32 v22, v16  }
0x142: {  	v26 =	vld.idx.msk [tilespmem:v23+s0+$0x0], $0xffff  }
0x143: {  	v3 =	vld.idx.msk [tilespmem:v3+s17+$0x0], $0xffff;
	v5 =	vadd.f32 v18, v5;
	v16 =	vadd.f32 v16, v25  }
0x144: {  	v22 =	vld.idx.msk [tilespmem:v14+s0+$0x0], $0xffff  }
0x145: {  	v14 =	vld.idx.msk [tilespmem:v14+s16+$0x0], $0xffff;
	v5 =	vadd.f32 v16, v5  }
0x146: {  	v18 =	vld.idx.msk [tilespmem:v23+s16+$0x0], $0xffff  }
0x147: {  	v16 =	vld.idx.msk [tilespmem:v23+s17+$0x0], $0xffff;
	[tilespmem:s5+$0x1C680] =	vst v5  }
0x148: {  	v5 =	vld.idx.msk [tilespmem:v15+s1+$0x0], $0xffff  }
0x149: {  	v15 =	vld.idx.msk [tilespmem:v31+s1+$0x0], $0xffff  }
0x14a: {  	v6 =	vadd.s32 $0x5, v6;
	v23 =	vld.idx.msk [tilespmem:v31+s0+$0x0], $0xffff  }
0x14b: {  	v25 =	vld.idx.msk [tilespmem:v50+s0+$0x0], $0xffff  }
0x14c: {  	v27 =	vld.idx.msk [tilespmem:v31+s16+$0x0], $0xffff  }
0x14d: {  	v4 =	vmul.f32 v13, v4;
	v8 =	vmul.f32 v21, v8;
	v13 =	vld.idx.msk [tilespmem:v50+s16+$0x0], $0xffff  }
0x14e: {  	v11 =	vmul.f32 v26, v11;
	v2 =	vmul.f32 v3, v2;
	v21 =	vld.idx.msk [tilespmem:v50+s17+$0x0], $0xffff  }
0x14f: {  	v9 =	vmul.f32 v22, v9;
	v10 =	vmul.f32 v14, v10;
	v6 =	vld.idx.msk [tilespmem:v6+s17+$0x0], $0xffff  }
0x150: {  	v12 =	vmul.f32 v18, v12;
	v1 =	vmul.f32 v16, v1  }
0x151: {  	v3 =	vadd.f32 v8, v4;
	v4 =	vmul.f32 v5, v24;
	v5 =	vmul.f32 v15, v34  }
0x152: {  	v8 =	vadd.f32 v11, v9;
	v9 =	vmul.f32 v23, v45;
	v11 =	vmul.f32 v25, v17  }
0x153: {  	v10 =	vadd.f32 v12, v10;
	v12 =	vmul.f32 v27, v19;
	v7 =	vmul.f32 v13, v7  }
0x154: {  	v1 =	vadd.f32 v2, v1;
	v2 =	vmul.f32 v21, v40;
	v6 =	vmul.f32 v6, v20  }
0x155: {  	v4 =	vadd.f32 v5, v4;
	v5 =	vadd.f32 v11, v9  }
0x156: {  	v7 =	vadd.f32 v7, v12;
	v2 =	vadd.f32 v6, v2  }
0x157: {  	v3 =	vadd.f32 v8, v3;
	v1 =	vadd.f32 v1, v10  }
0x158: {  	v4 =	vadd.f32 v5, v4;
	v2 =	vadd.f32 v2, v7  }
0x159: {  	v1 =	vadd.f32 v1, v3  }
0x15a: {  	s2 =	sor.u32 s10, s13;
	v2 =	vadd.f32 v2, v4  }
0x15b: {  	s2 =	sshrl.u32 s2, $0x3;
	[tilespmem:s6+$0x1CA80] =	vst v1  }
0x15c: {  	s3 =	simm.s32 $0x1C200;
	s2 =	sadd.s32 s21, s2;
	[tilespmem:s5+$0x1CA80] =	vst v2;
	s5 =	sor.u32 s10, s12  }
0x15d: {  	[hbm4b:s2+s14] =	stream.strided.scatter [tilespmem:s3], [sflag:$0x3], $0x400, s15, s14, $0x38;
	[tilespmem:$0x1DA00] =	vst v63  }
0x15e: {  	s2 =	sshrl.u32 s5, $0x3  }
0x15f: {  	s7 =	sor.u32 s10, s19;
	s6 =	simm.s32 $0x1C600;
	s2 =	sadd.s32 s21, s2  }
0x160: {  	[hbm4b:s2+s14] =	stream.strided.scatter [tilespmem:s6], [sflag:$0x3], $0x400, s15, s14, $0x38;
	[tilespmem:$0x1DA00] =	vst v63  }
0x161: {  	s2 =	sshrl.u32 s7, $0x3  }
0x162: {  	s8 =	simm.s32 $0x1CA00;
	p0 =	seq.s32 s20, $0x1F;
	s2 =	sadd.s32 s21, s2  }
0x163: {  	[hbm4b:s2+s14] =	stream.strided.scatter [tilespmem:s8], [sflag:$0x3], $0x400, s15, s14, $0x38;
	[tilespmem:$0x1DA00] =	vst v63  }
0x164: {  	s2 =	sadd.s32 @!p0 $0x4, s9  }
0x165: {  	s3 =	sshll.u32 @!p0 s2, $0x9  }
0x166: {  	s2 =	sshll.u32 @!p0 s2, $0x7;
	s3 =	sand.u32 @!p0 $0x7FFFF000, s3  }
0x167: {  	s2 =	sand.u32 @!p0 $0x200, s2;
	s5 =	sadd.s32 @!p0 s22, s3  }
0x168: {  	s5 =	sor.u32 @!p0 s2, s5  }
0x169: {  	s6 =	simm.s32 @!p0 $0x100;
	s9 =	rddreg [dreg:$0x0];
	s5 =	sshrl.u32 @!p0 s5, $0x3  }
0x16a: {  	s7 =	simm.s32 @!p0 $0x400;
	s8 =	simm.s32 @!p0 $0x1AA00;
	s5 =	sadd.s32 @!p0 s9, s5  }
0x16b: {  	[tilespmem:s8], [sflag:$0x1] =	stream.strided.gather @!p0 [hbm4b:s5+s6], $0x400, s7, s6, $0x38;
	[tilespmem:$0x1DA00] =	vst v63  }
0x16c: {  	s5 =	sadd.s32 @!p0 s18, s3  }
0x16d: {  	s5 =	sor.u32 @!p0 s2, s5  }
0x16e: {  	s5 =	sshrl.u32 @!p0 s5, $0x3  }
0x16f: {  	s8 =	simm.s32 @!p0 $0x1AE00;
	s5 =	sadd.s32 @!p0 s9, s5  }
0x170: {  	[tilespmem:s8], [sflag:$0x1] =	stream.strided.gather @!p0 [hbm4b:s5+s6], $0x400, s7, s6, $0x38;
	[tilespmem:$0x1DA00] =	vst v63  }
0x171: {  	s5 =	rddreg [dreg:$0x5]  }
0x172: {  	s3 =	sadd.s32 @!p0 s5, s3  }
0x173: {  	s2 =	sor.u32 @!p0 s2, s3  }
0x174: {  	s2 =	sshrl.u32 @!p0 s2, $0x3  }
0x175: {  	s3 =	simm.s32 @!p0 $0x1B200;
	s2 =	sadd.s32 @!p0 s9, s2  }
0x176: {  	[tilespmem:s3], [sflag:$0x1] =	stream.strided.gather @!p0 [hbm4b:s2+s6], $0x400, s7, s6, $0x38;
	[tilespmem:$0x1DA00] =	vst v63  }
0x177: {  	_ =	swait.ge [sflag:s11], $0x400  }
0x178: {  	[sflag:s11] =	ssyncset.done $0x0  }
0x179: {  	[sflag:s11] =	ssyncadd.s32 $0xFFFFFC00  }
0x17a: {  	_ =	swait.ge [sflag:s11], $0x400  }
0x17b: {  	[sflag:s11] =	ssyncset.done $0x0  }
0x17c: {  	[sflag:s11] =	ssyncadd.s32 $0xFFFFFC00  }
0x17d: {  	s10 =	simm.s32 $0x0;
	_ =	swait.ge [sflag:s11], $0x400  }
0x17e: {  	s13 =	sand.u32 $0x70, s10;
	s2 =	sand.u32 $0x300, s10;
	[sflag:s11] =	ssyncset.done $0x0  }
0x17f: {  	s6 =	sor.u32 s13, s2;
	[sflag:s11] =	ssyncadd.s32 $0xFFFFFC00  }
0x180: {  	v1 =	vld [tilespmem:s6+$0x1BE00];
	_ =	sdelay $0x1  }
0x181: {  	v2 =	vld [tilespmem:s6+$0x1BA00];
	_ =	sdelay $0x1  }
0x182: {  	v3 =	vld [tilespmem:s6+$0x1B600]  }
0x183: {  	v1 =	vmul.f32 $3.200000000e+01, v1;
	_ =	sdelay $0x1  }
0x184: {  	v2 =	vmul.f32 $3.200000000e+01, v2;
	v4 =	vtrunc.f32 v1  }
0x185: {  	v4 =	vcvt.f32.s32 v4  }
0x186: {  	v3 =	vmul.f32 $3.200000000e+01, v3;
	v5 =	vtrunc.f32 v2  }
0x187: {  	v5 =	vcvt.f32.s32 v5;
	v6 =	vmul.u32 $0x21, v4  }
0x188: {  	v7 =	vtrunc.f32 v3  }
0x189: {  	v7 =	vcvt.f32.s32 v7;
	v6 =	vadd.s32 v5, v6  }
0x18a: {  	v6 =	vmul.u32 $0x21, v6  }
0x18b: {  	v8 =	vadd.s32 v7, v0  }
0x18c: {  	v6 =	vadd.s32 v6, v8  }
0x18d: {  	v7 =	vcvt.s32.f32 v7;
	v8 =	vadd.s32 $0x1, v6  }
0x18e: {  	v4 =	vcvt.s32.f32 v4  }
0x18f: {  	v5 =	vcvt.s32.f32 v5;
	v3 =	vsub.f32 v3, v7;
	v7 =	vadd.s32 $0x2, v6  }
0x190: {  	v4 =	vsub.f32 v1, v4  }
0x191: {  	v5 =	vsub.f32 v2, v5;
	v9 =	vld.idx.msk [tilespmem:v6+s4+$0x0], $0xffff  }
0x192: {  	v13 =	vsub.f32 $1.000000000e+00, v4;
	v11 =	vld.idx.msk [tilespmem:v8+s4+$0x0], $0xffff  }
0x193: {  	v10 =	vsub.f32 $1.000000000e+00, v3;
	v2 =	vmul.f32 v4, v5;
	v15 =	vadd.s32 $0x3, v6;
	v14 =	vld.idx.msk [tilespmem:v8+s24+$0x0], $0xffff  }
0x194: {  	v12 =	vsub.f32 $1.000000000e+00, v5;
	v5 =	vmul.f32 v13, v5;
	v16 =	vld.idx.msk [tilespmem:v7+s24+$0x0], $0xffff  }
0x195: {  	v1 =	vmul.f32 v2, v10;
	v2 =	vmul.f32 v2, v3;
	v17 =	vld.idx.msk [tilespmem:v8+s25+$0x0], $0xffff  }
0x196: {  	v18 =	vmul.f32 v13, v12;
	v4 =	vmul.f32 v12, v4;
	v13 =	vld.idx.msk [tilespmem:v7+s25+$0x0], $0xffff  }
0x197: {  	v21 =	vmul.f32 v5, v10;
	v22 =	vmul.f32 v5, v3;
	v12 =	vld.idx.msk [tilespmem:v7+s26+$0x0], $0xffff  }
0x198: {  	v19 =	vmul.f32 v18, v10;
	v18 =	vmul.f32 v18, v3;
	v20 =	vld.idx.msk [tilespmem:v15+s26+$0x0], $0xffff  }
0x199: {  	v10 =	vmul.f32 v4, v10;
	v3 =	vmul.f32 v4, v3  }
0x19a: {  	v4 =	vmul.f32 v19, v9;
	v5 =	vmul.f32 v18, v11  }
0x19b: {  	v9 =	vmul.f32 v21, v14;
	v11 =	vmul.f32 v22, v16  }
0x19c: {  	v14 =	vmul.f32 v10, v17;
	v13 =	vmul.f32 v3, v13  }
0x19d: {  	v12 =	vmul.f32 v12, v1;
	v16 =	vmul.f32 v20, v2  }
0x19e: {  	v4 =	vadd.f32 v5, v4;
	v5 =	vadd.f32 v11, v9  }
0x19f: {  	s19 =	smov.u32 s18;
	s18 =	simm.s32 $0x10;
	s7 =	simm.s32 $0x20;
	v9 =	vadd.f32 v13, v14;
	v11 =	vadd.f32 v16, v12  }
0x1a0: {  	s12 =	smov.u32 s22;
	s2 =	sand.u32 $0x70, s18;
	s22 =	sand.u32 $0x300, s7  }
0x1a1: {  	s5 =	sor.u32 s2, s22;
	v4 =	vadd.f32 v5, v4;
	v5 =	vadd.f32 v11, v9  }
0x1a2: {  	v24 =	vld [tilespmem:s5+$0x1B600]  }
0x1a3: {  	v9 =	vld [tilespmem:s6+$0x1BA80];
	v4 =	vadd.f32 v5, v4  }
0x1a4: {  	v5 =	vld [tilespmem:s6+$0x1B680]  }
0x1a5: {  	[tilespmem:s6+$0x1CE00] =	vst v4;
	v4 =	vld [tilespmem:s6+$0x1BE80]  }
0x1a6: {  	v8 =	vld.idx.msk [tilespmem:v8+s28+$0x0], $0xffff  }
0x1a7: {  	v11 =	vld.idx.msk [tilespmem:v7+s28+$0x0], $0xffff  }
0x1a8: {  	v13 =	vadd.s32 $0x4, v6;
	v12 =	vld.idx.msk [tilespmem:v7+s29+$0x0], $0xffff  }
0x1a9: {  	v14 =	vld.idx.msk [tilespmem:v15+s29+$0x0], $0xffff  }
0x1aa: {  	v16 =	vld.idx.msk [tilespmem:v7+s30+$0x0], $0xffff  }
0x1ab: {  	v17 =	vld.idx.msk [tilespmem:v15+s30+$0x0], $0xffff  }
0x1ac: {  	v20 =	vld.idx.msk [tilespmem:v15+s31+$0x0], $0xffff  }
0x1ad: {  	v23 =	vld.idx.msk [tilespmem:v13+s31+$0x0], $0xffff;
	v9 =	vmul.f32 $3.200000000e+01, v9  }
0x1ae: {  	v25 =	vld [tilespmem:s5+$0x1BA00];
	v5 =	vmul.f32 $3.200000000e+01, v5;
	v4 =	vmul.f32 $3.200000000e+01, v4  }
0x1af: {  	v26 =	vld [tilespmem:s5+$0x1BE00];
	v8 =	vmul.f32 v8, v19;
	v11 =	vmul.f32 v11, v18  }
0x1b0: {  	v12 =	vmul.f32 v12, v21;
	v14 =	vmul.f32 v14, v22  }
0x1b1: {  	v16 =	vmul.f32 v16, v10;
	v17 =	vmul.f32 v17, v3  }
0x1b2: {  	v20 =	vmul.f32 v20, v1;
	v23 =	vmul.f32 v23, v2  }
0x1b3: {  	v8 =	vadd.f32 v11, v8;
	v11 =	vadd.f32 v14, v12;
	v12 =	vmul.f32 $3.200000000e+01, v24  }
0x1b4: {  	v14 =	vadd.f32 v17, v16;
	v16 =	vmul.f32 $3.200000000e+01, v25;
	v17 =	vmul.f32 $3.200000000e+01, v26  }
0x1b5: {  	v20 =	vadd.f32 v23, v20;
	v23 =	vtrunc.f32 v5;
	v24 =	vtrunc.f32 v9  }
0x1b6: {  	v23 =	vcvt.f32.s32 v23;
	v24 =	vcvt.f32.s32 v24;
	v8 =	vadd.f32 v11, v8  }
0x1b7: {  	v11 =	vtrunc.f32 v4;
	v25 =	vtrunc.f32 v12;
	v14 =	vadd.f32 v20, v14  }
0x1b8: {  	v20 =	vtrunc.f32 v16;
	v26 =	vtrunc.f32 v17  }
0x1b9: {  	v11 =	vcvt.f32.s32 v11;
	v20 =	vcvt.f32.s32 v20;
	v8 =	vadd.f32 v14, v8  }
0x1ba: {  	v6 =	vadd.s32 $0x5, v6;
	v14 =	vcvt.f32.s32 v25;
	v25 =	vcvt.f32.s32 v26  }
0x1bb: {  	v26 =	vcvt.s32.f32 v24;
	v27 =	vcvt.s32.f32 v11;
	[tilespmem:s6+$0x1D200] =	vst v8  }
0x1bc: {  	v11 =	vmul.u32 $0x21, v11;
	v29 =	vcvt.s32.f32 v20;
	v8 =	vcvt.s32.f32 v23;
	v7 =	vld.idx.msk [tilespmem:v7+s1+$0x0], $0xffff  }
0x1bd: {  	v28 =	vcvt.s32.f32 v14;
	v23 =	vadd.s32 v23, v0;
	v31 =	vcvt.s32.f32 v25;
	v30 =	vld.idx.msk [tilespmem:v15+s1+$0x0], $0xffff  }
0x1be: {  	v25 =	vmul.u32 $0x21, v25;
	v53 =	vld.idx.msk [tilespmem:v15+s0+$0x0], $0xffff;
	v4 =	vsub.f32 v4, v27;
	v16 =	vsub.f32 v16, v29  }
0x1bf: {  	v14 =	vadd.s32 v14, v0;
	v6 =	vld.idx.msk [tilespmem:v6+s17+$0x0], $0xffff;
	v54 =	vsub.f32 v5, v8;
	v8 =	vsub.f32 v9, v26  }
0x1c0: {  	v12 =	vsub.f32 v12, v28;
	v5 =	vadd.s32 v24, v11;
	v11 =	vld.idx.msk [tilespmem:v15+s16+$0x0], $0xffff;
	v15 =	vadd.s32 v20, v25  }
0x1c1: {  	v9 =	vld.idx.msk [tilespmem:v13+s0+$0x0], $0xffff;
	v17 =	vsub.f32 v17, v31;
	v15 =	vmul.u32 $0x21, v15;
	v28 =	vsub.f32 $1.000000000e+00, v4  }
0x1c2: {  	v20 =	vld.idx.msk [tilespmem:v13+s16+$0x0], $0xffff;
	v24 =	vmul.u32 $0x21, v5;
	v25 =	vsub.f32 $1.000000000e+00, v54;
	v26 =	vsub.f32 $1.000000000e+00, v8  }
0x1c3: {  	v13 =	vld.idx.msk [tilespmem:v13+s17+$0x0], $0xffff;
	v27 =	vmul.f32 v4, v8;
	v29 =	vsub.f32 $1.000000000e+00, v12;
	v5 =	vadd.s32 v15, v14  }
0x1c4: {  	v31 =	vmul.f32 v17, v16;
	v55 =	vadd.s32 $0x1, v5;
	v7 =	vmul.f32 v7, v19  }
0x1c5: {  	v14 =	vmul.f32 v30, v18;
	v18 =	vsub.f32 $1.000000000e+00, v16;
	v15 =	vmul.f32 v53, v21  }
0x1c6: {  	v19 =	vsub.f32 $1.000000000e+00, v17;
	v2 =	vmul.f32 v6, v2;
	v9 =	vmul.f32 v9, v22  }
0x1c7: {  	v22 =	vadd.s32 $0x2, v5;
	v10 =	vmul.f32 v11, v10;
	v11 =	vmul.f32 v20, v3  }
0x1c8: {  	v13 =	vmul.f32 v13, v1;
	v1 =	vmul.f32 v27, v25;
	v3 =	vadd.s32 v24, v23  }
0x1c9: {  	v23 =	vmul.f32 v28, v26;
	v6 =	vadd.f32 v14, v7;
	v7 =	vadd.f32 v9, v15;
	v30 =	vld.idx.msk [tilespmem:v5+s4+$0x0], $0xffff  }
0x1ca: {  	v24 =	vmul.f32 v28, v8;
	v10 =	vadd.f32 v11, v10;
	v11 =	vadd.f32 v2, v13;
	v9 =	vld.idx.msk [tilespmem:v55+s4+$0x0], $0xffff  }
0x1cb: {  	v26 =	vmul.f32 v26, v4;
	v20 =	vmul.f32 v19, v18;
	v15 =	vadd.s32 $0x3, v5;
	v14 =	vld.idx.msk [tilespmem:v55+s24+$0x0], $0xffff  }
0x1cc: {  	v21 =	vmul.f32 v19, v16;
	v13 =	vadd.f32 v7, v6;
	v10 =	vadd.f32 v11, v10;
	v11 =	vld.idx.msk [tilespmem:v55+s25+$0x0], $0xffff  }
0x1cd: {  	v2 =	vmul.f32 v27, v54;
	v27 =	vadd.s32 $0x1, v3;
	v19 =	vmul.f32 v20, v29;
	v8 =	vld.idx.msk [tilespmem:v22+s24+$0x0], $0xffff  }
0x1ce: {  	v16 =	vmul.f32 v20, v12;
	v6 =	vmul.f32 v31, v29;
	v28 =	vld.idx.msk [tilespmem:v22+s25+$0x0], $0xffff;
	v10 =	vadd.f32 v10, v13  }
0x1cf: {  	v7 =	vmul.f32 v31, v12;
	v31 =	vmul.f32 v18, v17;
	v56 =	vld.idx.msk [tilespmem:v22+s26+$0x0], $0xffff  }
0x1d0: {  	v17 =	vmul.f32 v21, v29;
	v18 =	vmul.f32 v21, v12;
	v13 =	vadd.s32 $0x2, v3;
	v57 =	vld.idx.msk [tilespmem:v15+s26+$0x0], $0xffff;
	[tilespmem:s6+$0x1D600] =	vst v10  }
0x1d1: {  	v20 =	vmul.f32 v31, v29;
	v21 =	vmul.f32 v31, v12;
	v29 =	vld.idx.msk [tilespmem:v3+s4+$0x0], $0xffff  }
0x1d2: {  	v10 =	vmul.f32 v19, v30;
	v9 =	vmul.f32 v16, v9;
	v30 =	vld.idx.msk [tilespmem:v27+s4+$0x0], $0xffff  }
0x1d3: {  	v12 =	vmul.f32 v17, v14;
	v31 =	vld.idx.msk [tilespmem:v27+s24+$0x0], $0xffff;
	v14 =	vadd.s32 $0x3, v3;
	v11 =	vmul.f32 v20, v11  }
0x1d4: {  	v59 =	vld.idx.msk [tilespmem:v27+s25+$0x0], $0xffff;
	v8 =	vmul.f32 v18, v8;
	v28 =	vmul.f32 v21, v28  }
0x1d5: {  	v32 =	vmul.f32 v56, v6;
	v58 =	vld.idx.msk [tilespmem:v13+s24+$0x0], $0xffff;
	v35 =	vmul.f32 v57, v7  }
0x1d6: {  	v4 =	vmul.f32 v23, v25;
	v10 =	vadd.f32 v9, v10;
	v60 =	vld.idx.msk [tilespmem:v13+s25+$0x0], $0xffff;
	v12 =	vadd.f32 v8, v12  }
0x1d7: {  	v28 =	vadd.f32 v28, v11;
	v8 =	vmul.f32 v23, v54;
	v23 =	vld.idx.msk [tilespmem:v13+s26+$0x0], $0xffff;
	v32 =	vadd.f32 v35, v32  }
0x1d8: {  	v9 =	vmul.f32 v24, v25;
	v11 =	vmul.f32 v24, v54;
	v61 =	vld.idx.msk [tilespmem:v14+s26+$0x0], $0xffff;
	v24 =	vadd.f32 v12, v10  }
0x1d9: {  	v10 =	vmul.f32 v26, v25;
	v12 =	vmul.f32 v26, v54;
	v28 =	vadd.f32 v32, v28  }
0x1da: {  	v25 =	vmul.f32 v4, v29;
	v26 =	vmul.f32 v8, v30  }
0x1db: {  	v30 =	vld [tilespmem:s5+$0x1B680];
	v29 =	vmul.f32 v11, v58;
	v62 =	vmul.f32 v10, v59;
	v24 =	vadd.f32 v28, v24  }
0x1dc: {  	v63 =	vmul.f32 v12, v60;
	v32 =	vld [tilespmem:s5+$0x1BE80];
	v28 =	vmul.f32 v9, v31  }
0x1dd: {  	v23 =	vmul.f32 v23, v1;
	v31 =	vld [tilespmem:s5+$0x1BA80];
	[tilespmem:s5+$0x1CE00] =	vst v24;
	v24 =	vmul.f32 v61, v2  }
0x1de: {  	v25 =	vadd.f32 v26, v25;
	v26 =	vadd.f32 v29, v28;
	v33 =	vld.idx.msk [tilespmem:v55+s28+$0x0], $0xffff  }
0x1df: {  	v28 =	vadd.f32 v63, v62;
	v34 =	vld.idx.msk [tilespmem:v22+s28+$0x0], $0xffff;
	v23 =	vadd.f32 v24, v23  }
0x1e0: {  	v35 =	vld.idx.msk [tilespmem:v22+s29+$0x0], $0xffff;
	v24 =	vadd.s32 $0x4, v5  }
0x1e1: {  	v36 =	vld.idx.msk [tilespmem:v15+s29+$0x0], $0xffff;
	v25 =	vadd.f32 v26, v25;
	v23 =	vadd.f32 v23, v28  }
0x1e2: {  	v37 =	vld.idx.msk [tilespmem:v22+s30+$0x0], $0xffff  }
0x1e3: {  	v38 =	vld.idx.msk [tilespmem:v15+s30+$0x0], $0xffff;
	v23 =	vadd.f32 v23, v25  }
0x1e4: {  	v39 =	vld.idx.msk [tilespmem:v15+s31+$0x0], $0xffff  }
0x1e5: {  	v40 =	vld.idx.msk [tilespmem:v24+s31+$0x0], $0xffff;
	[tilespmem:s6+$0x1CE80] =	vst v23  }
0x1e6: {  	v27 =	vld.idx.msk [tilespmem:v27+s28+$0x0], $0xffff  }
0x1e7: {  	v29 =	vld.idx.msk [tilespmem:v13+s28+$0x0], $0xffff  }
0x1e8: {  	v23 =	vadd.s32 $0x4, v3;
	v26 =	vld.idx.msk [tilespmem:v13+s29+$0x0], $0xffff  }
0x1e9: {  	v28 =	vld.idx.msk [tilespmem:v14+s29+$0x0], $0xffff  }
0x1ea: {  	s8 =	simm.s32 $0x20;
	v25 =	vmul.f32 $3.200000000e+01, v30;
	v30 =	vld.idx.msk [tilespmem:v13+s30+$0x0], $0xffff  }
.LBB2_5:
0x1eb: {  	p0 =	sne.s32 s8, $0x1F0;
	v31 =	vmul.f32 $3.200000000e+01, v31;
	v32 =	vmul.f32 $3.200000000e+01, v32;
	v41 =	vld.idx.msk [tilespmem:v14+s30+$0x0], $0xffff  }
0x1ec: {  	v33 =	vmul.f32 v33, v19;
	v34 =	vmul.f32 v34, v16;
	s7 =	sadd.s32 $0x20, s7;
	v42 =	vld.idx.msk [tilespmem:v14+s31+$0x0], $0xffff  }
0x1ed: {  	s2 =	sand.u32 $0x70, s8;
	v35 =	vmul.f32 v35, v17;
	v36 =	vmul.f32 v36, v18;
	s3 =	sand.u32 $0x300, s7;
	v43 =	vld.idx.msk [tilespmem:v23+s31+$0x0], $0xffff  }
0x1ee: {  	v37 =	vmul.f32 v37, v20;
	v38 =	vmul.f32 v38, v21;
	s2 =	sor.u32 s2, s3  }
0x1ef: {  	v39 =	vmul.f32 v39, v6;
	v40 =	vmul.f32 v40, v7;
	v44 =	vld [tilespmem:s2+$0x1B600]  }
0x1f0: {  	v27 =	vmul.f32 v27, v4;
	v29 =	vmul.f32 v29, v8;
	v33 =	vadd.f32 v34, v33;
	v45 =	vld [tilespmem:s2+$0x1BA00]  }
0x1f1: {  	v35 =	vadd.f32 v36, v35;
	v26 =	vmul.f32 v26, v9;
	v28 =	vmul.f32 v28, v11;
	v34 =	vld [tilespmem:s2+$0x1BE00]  }
0x1f2: {  	v36 =	vadd.f32 v38, v37;
	v30 =	vmul.f32 v30, v10;
	v37 =	vmul.f32 v41, v12  }
0x1f3: {  	v38 =	vadd.f32 v40, v39;
	v39 =	vmul.f32 v42, v1;
	v40 =	vmul.f32 v43, v2  }
0x1f4: {  	v27 =	vadd.f32 v29, v27;
	v26 =	vadd.f32 v28, v26;
	v41 =	vmul.f32 $3.200000000e+01, v44  }
0x1f5: {  	v29 =	vadd.f32 v37, v30;
	v30 =	vadd.f32 v40, v39;
	v28 =	vmul.f32 $3.200000000e+01, v45  }
0x1f6: {  	v33 =	vadd.f32 v35, v33;
	v35 =	vadd.f32 v38, v36;
	v34 =	vmul.f32 $3.200000000e+01, v34  }
0x1f7: {  	v36 =	vtrunc.f32 v25;
	v26 =	vadd.f32 v26, v27;
	v27 =	vadd.f32 v30, v29  }
0x1f8: {  	v29 =	vadd.f32 v35, v33;
	v30 =	vtrunc.f32 v31;
	v33 =	vtrunc.f32 v32  }
0x1f9: {  	v35 =	vtrunc.f32 v41;
	v37 =	vtrunc.f32 v28;
	v26 =	vadd.f32 v27, v26  }
0x1fa: {  	v27 =	vtrunc.f32 v34;
	[tilespmem:s5+$0x1D200] =	vst v29;
	v29 =	vcvt.f32.s32 v36  }
0x1fb: {  	v30 =	vcvt.f32.s32 v30;
	v33 =	vcvt.f32.s32 v33;
	v22 =	vld.idx.msk [tilespmem:v22+s1+$0x0], $0xffff;
	[tilespmem:s6+$0x1D280] =	vst v26  }
0x1fc: {  	v26 =	vcvt.f32.s32 v35;
	v35 =	vcvt.f32.s32 v37;
	v13 =	vld.idx.msk [tilespmem:v13+s1+$0x0], $0xffff  }
0x1fd: {  	v27 =	vcvt.f32.s32 v27;
	v36 =	vcvt.s32.f32 v29;
	v37 =	vld.idx.msk [tilespmem:v14+s1+$0x0], $0xffff  }
0x1fe: {  	v3 =	vadd.s32 $0x5, v3;
	v38 =	vcvt.s32.f32 v30;
	v39 =	vcvt.s32.f32 v33;
	v40 =	vld.idx.msk [tilespmem:v14+s0+$0x0], $0xffff  }
0x1ff: {  	v33 =	vmul.u32 $0x21, v33;
	v29 =	vadd.s32 v29, v0;
	v42 =	vcvt.s32.f32 v26;
	v43 =	vld.idx.msk [tilespmem:v23+s0+$0x0], $0xffff  }
0x200: {  	v45 =	vcvt.s32.f32 v27;
	v44 =	vcvt.s32.f32 v35;
	v26 =	vadd.s32 v26, v0;
	v14 =	vld.idx.msk [tilespmem:v14+s16+$0x0], $0xffff  }
0x201: {  	v27 =	vmul.u32 $0x21, v27;
	v31 =	vsub.f32 v31, v38;
	v25 =	vsub.f32 v25, v36;
	v36 =	vld.idx.msk [tilespmem:v23+s16+$0x0], $0xffff  }
0x202: {  	v32 =	vsub.f32 v32, v39;
	v30 =	vadd.s32 v30, v33;
	v38 =	vsub.f32 v41, v42;
	v33 =	vld.idx.msk [tilespmem:v23+s17+$0x0], $0xffff  }
0x203: {  	v34 =	vsub.f32 v34, v45;
	v28 =	vsub.f32 v28, v44;
	v23 =	vadd.s32 v35, v27;
	v3 =	vld.idx.msk [tilespmem:v3+s17+$0x0], $0xffff  }
0x204: {  	v30 =	vmul.u32 $0x21, v30;
	v27 =	vmul.u32 $0x21, v23;
	v23 =	vsub.f32 $1.000000000e+00, v25;
	v35 =	vld.idx.msk [tilespmem:v15+s1+$0x0], $0xffff  }
0x205: {  	v5 =	vadd.s32 $0x5, v5;
	v41 =	vsub.f32 $1.000000000e+00, v31;
	v42 =	vmul.f32 v32, v31;
	v39 =	vld.idx.msk [tilespmem:v15+s0+$0x0], $0xffff  }
0x206: {  	v45 =	vsub.f32 $1.000000000e+00, v32;
	v4 =	vmul.f32 v13, v4;
	v8 =	vmul.f32 v37, v8;
	v44 =	vld.idx.msk [tilespmem:v24+s0+$0x0], $0xffff  }
0x207: {  	v37 =	vsub.f32 $1.000000000e+00, v38;
	v9 =	vmul.f32 v40, v9;
	v11 =	vmul.f32 v43, v11;
	v13 =	vld.idx.msk [tilespmem:v15+s16+$0x0], $0xffff  }
0x208: {  	v40 =	vsub.f32 $1.000000000e+00, v28;
	v10 =	vmul.f32 v14, v10;
	v12 =	vmul.f32 v36, v12;
	v15 =	vld.idx.msk [tilespmem:v24+s16+$0x0], $0xffff  }
0x209: {  	v14 =	vsub.f32 $1.000000000e+00, v34;
	v1 =	vmul.f32 v33, v1;
	v2 =	vmul.f32 v3, v2;
	v24 =	vld.idx.msk [tilespmem:v24+s17+$0x0], $0xffff  }
0x20a: {  	v4 =	vadd.f32 v8, v4;
	v8 =	vadd.f32 v11, v9;
	v33 =	vmul.f32 v34, v28;
	v3 =	vld.idx.msk [tilespmem:v5+s17+$0x0], $0xffff  }
0x20b: {  	v9 =	vadd.f32 v12, v10;
	v5 =	vadd.s32 v27, v26;
	v2 =	vadd.f32 v2, v1  }
0x20c: {  	v10 =	vmul.f32 v22, v19;
	v1 =	vmul.f32 v42, v23;
	v26 =	vadd.s32 $0x1, v5  }
0x20d: {  	v4 =	vadd.f32 v8, v4;
	v11 =	vmul.f32 v35, v16;
	v2 =	vadd.f32 v2, v9  }
0x20e: {  	v8 =	vmul.f32 v39, v17;
	v22 =	vadd.s32 $0x2, v5;
	v9 =	vmul.f32 v44, v18  }
0x20f: {  	v12 =	vmul.f32 v13, v20;
	v13 =	vmul.f32 v15, v21;
	v2 =	vadd.f32 v2, v4  }
0x210: {  	v4 =	vmul.f32 v24, v6;
	v6 =	vmul.f32 v3, v7;
	v3 =	vadd.s32 v30, v29  }
0x211: {  	v8 =	vadd.f32 v9, v8;
	v7 =	vadd.f32 v11, v10;
	v24 =	vld.idx.msk [tilespmem:v5+s4+$0x0], $0xffff;
	[tilespmem:s6+$0x1D680] =	vst v2;
	s6 =	smov.u32 s5;
	s5 =	smov.u32 s2  }
0x212: {  	v10 =	vadd.f32 v13, v12;
	v4 =	vadd.f32 v6, v4;
	v2 =	vmul.f32 v42, v25;
	v9 =	vld.idx.msk [tilespmem:v26+s4+$0x0], $0xffff  }
0x213: {  	v27 =	vmul.f32 v45, v31;
	v15 =	vadd.s32 $0x3, v5;
	v12 =	vmul.f32 v45, v41;
	v11 =	vld.idx.msk [tilespmem:v26+s24+$0x0], $0xffff  }
0x214: {  	v30 =	vmul.f32 v41, v32;
	v8 =	vadd.f32 v8, v7;
	v4 =	vadd.f32 v4, v10;
	v29 =	vld.idx.msk [tilespmem:v22+s24+$0x0], $0xffff  }
0x215: {  	v41 =	vadd.s32 $0x1, v3;
	v6 =	vmul.f32 v33, v37;
	v7 =	vmul.f32 v33, v38;
	v10 =	vld.idx.msk [tilespmem:v26+s25+$0x0], $0xffff  }
0x216: {  	v16 =	vmul.f32 v14, v40;
	v14 =	vmul.f32 v14, v28;
	v8 =	vadd.f32 v4, v8;
	v28 =	vld.idx.msk [tilespmem:v22+s25+$0x0], $0xffff  }
0x217: {  	v21 =	vmul.f32 v40, v34;
	v13 =	vadd.s32 $0x2, v3;
	v4 =	vmul.f32 v12, v23;
	v31 =	vld.idx.msk [tilespmem:v22+s26+$0x0], $0xffff  }
0x218: {  	v19 =	vmul.f32 v16, v37;
	v16 =	vmul.f32 v16, v38;
	v32 =	vld.idx.msk [tilespmem:v15+s26+$0x0], $0xffff;
	[tilespmem:s6+$0x1D600] =	vst v8  }
0x219: {  	v17 =	vmul.f32 v14, v37;
	v18 =	vmul.f32 v14, v38;
	v33 =	vld.idx.msk [tilespmem:v3+s4+$0x0], $0xffff  }
0x21a: {  	v20 =	vmul.f32 v21, v37;
	v21 =	vmul.f32 v21, v38;
	v34 =	vld.idx.msk [tilespmem:v41+s4+$0x0], $0xffff  }
0x21b: {  	v14 =	vadd.s32 $0x3, v3;
	v9 =	vmul.f32 v16, v9;
	v8 =	vmul.f32 v19, v24;
	v24 =	vld.idx.msk [tilespmem:v41+s24+$0x0], $0xffff  }
0x21c: {  	v11 =	vmul.f32 v17, v11;
	v29 =	vmul.f32 v18, v29;
	v35 =	vld.idx.msk [tilespmem:v13+s24+$0x0], $0xffff  }
0x21d: {  	v10 =	vmul.f32 v20, v10;
	v28 =	vmul.f32 v21, v28;
	v36 =	vld.idx.msk [tilespmem:v41+s25+$0x0], $0xffff  }
0x21e: {  	v31 =	vmul.f32 v31, v6;
	v32 =	vmul.f32 v32, v7;
	v37 =	vld.idx.msk [tilespmem:v13+s25+$0x0], $0xffff  }
0x21f: {  	v38 =	vadd.f32 v9, v8;
	v8 =	vmul.f32 v12, v25;
	v29 =	vadd.f32 v29, v11;
	v39 =	vld.idx.msk [tilespmem:v13+s26+$0x0], $0xffff  }
0x220: {  	v9 =	vmul.f32 v27, v23;
	v12 =	vadd.f32 v28, v10;
	v28 =	vadd.f32 v32, v31;
	v40 =	vld.idx.msk [tilespmem:v14+s26+$0x0], $0xffff  }
0x221: {  	v11 =	vmul.f32 v27, v25;
	v10 =	vmul.f32 v30, v23  }
0x222: {  	v23 =	vadd.f32 v29, v38;
	v27 =	vadd.f32 v28, v12;
	v12 =	vmul.f32 v30, v25  }
0x223: {  	v25 =	vmul.f32 v4, v33;
	v28 =	vmul.f32 v8, v34  }
0x224: {  	v24 =	vmul.f32 v9, v24;
	v23 =	vadd.f32 v27, v23;
	v27 =	vmul.f32 v11, v35;
	v30 =	vld [tilespmem:s5+$0x1B680]  }
0x225: {  	v29 =	vmul.f32 v10, v36;
	v35 =	vmul.f32 v12, v37;
	v31 =	vld [tilespmem:s5+$0x1BA80]  }
0x226: {  	v36 =	vmul.f32 v40, v2;
	[tilespmem:s5+$0x1CE00] =	vst v23;
	v32 =	vld [tilespmem:s5+$0x1BE80];
	v23 =	vmul.f32 v39, v1  }
0x227: {  	v25 =	vadd.f32 v28, v25;
	v33 =	vld.idx.msk [tilespmem:v26+s28+$0x0], $0xffff;
	v26 =	vadd.f32 v27, v24  }
0x228: {  	v27 =	vadd.f32 v35, v29;
	v34 =	vld.idx.msk [tilespmem:v22+s28+$0x0], $0xffff;
	v23 =	vadd.f32 v36, v23  }
0x229: {  	v24 =	vadd.s32 $0x4, v5;
	v35 =	vld.idx.msk [tilespmem:v22+s29+$0x0], $0xffff  }
0x22a: {  	v25 =	vadd.f32 v26, v25;
	v36 =	vld.idx.msk [tilespmem:v15+s29+$0x0], $0xffff;
	v23 =	vadd.f32 v23, v27  }
0x22b: {  	v37 =	vld.idx.msk [tilespmem:v22+s30+$0x0], $0xffff  }
0x22c: {  	v38 =	vld.idx.msk [tilespmem:v15+s30+$0x0], $0xffff;
	v23 =	vadd.f32 v23, v25  }
0x22d: {  	v39 =	vld.idx.msk [tilespmem:v15+s31+$0x0], $0xffff  }
0x22e: {  	v40 =	vld.idx.msk [tilespmem:v24+s31+$0x0], $0xffff;
	[tilespmem:s6+$0x1CE80] =	vst v23  }
.Ltmp1:
0x22f: {  	v27 =	vld.idx.msk [tilespmem:v41+s28+$0x0], $0xffff;
	(pc) =	sbr.rel @p0 .LBB2_5-.Ltmp1, $4  }
0x230: {  	v29 =	vld.idx.msk [tilespmem:v13+s28+$0x0], $0xffff  }
0x231: {  	v23 =	vadd.s32 $0x4, v3;
	v26 =	vld.idx.msk [tilespmem:v13+s29+$0x0], $0xffff  }
0x232: {  	v28 =	vld.idx.msk [tilespmem:v14+s29+$0x0], $0xffff  }
0x233: {  	s8 =	sadd.s32 $0x10, s8;
	v25 =	vmul.f32 $3.200000000e+01, v30;
	v30 =	vld.idx.msk [tilespmem:v13+s30+$0x0], $0xffff  }
0x234: {  	v33 =	vmul.f32 v33, v19;
	v34 =	vmul.f32 v34, v16  }
0x235: {  	v35 =	vmul.f32 v35, v17;
	v36 =	vmul.f32 v36, v18  }
0x236: {  	v37 =	vmul.f32 v37, v20;
	v38 =	vmul.f32 v38, v21  }
0x237: {  	v39 =	vmul.f32 v39, v6;
	v40 =	vmul.f32 v40, v7  }
0x238: {  	v33 =	vadd.f32 v34, v33;
	v50 =	vadd.f32 v36, v35  }
0x239: {  	v51 =	vadd.f32 v38, v37;
	v52 =	vadd.f32 v40, v39;
	_ =	sdelay $0x1  }
0x23a: {  	v33 =	vadd.f32 v50, v33;
	v53 =	vadd.f32 v52, v51;
	_ =	sdelay $0x1  }
0x23b: {  	v33 =	vadd.f32 v53, v33;
	_ =	sdelay $0x1  }
0x23c: {  	[tilespmem:s5+$0x1D200] =	vst v33  }
0x23d: {  	v22 =	vld.idx.msk [tilespmem:v22+s1+$0x0], $0xffff  }
0x23e: {  	v33 =	vld.idx.msk [tilespmem:v15+s1+$0x0], $0xffff  }
0x23f: {  	v5 =	vadd.s32 $0x5, v5;
	v54 =	vld.idx.msk [tilespmem:v15+s0+$0x0], $0xffff  }
0x240: {  	v55 =	vld.idx.msk [tilespmem:v24+s0+$0x0], $0xffff  }
0x241: {  	v31 =	vmul.f32 $3.200000000e+01, v31;
	v56 =	vld.idx.msk [tilespmem:v15+s16+$0x0], $0xffff  }
0x242: {  	v32 =	vmul.f32 $3.200000000e+01, v32;
	v57 =	vld.idx.msk [tilespmem:v24+s16+$0x0], $0xffff  }
0x243: {  	v58 =	vtrunc.f32 v25;
	v59 =	vtrunc.f32 v31;
	v60 =	vld.idx.msk [tilespmem:v24+s17+$0x0], $0xffff  }
0x244: {  	v61 =	vtrunc.f32 v32;
	v37 =	vcvt.f32.s32 v58;
	v5 =	vld.idx.msk [tilespmem:v5+s17+$0x0], $0xffff  }
0x245: {  	v38 =	vcvt.f32.s32 v59;
	v39 =	vcvt.f32.s32 v61  }
0x246: {  	v62 =	vmul.f32 v22, v19;
	v63 =	vmul.f32 v33, v16  }
0x247: {  	v33 =	vmul.f32 v54, v17;
	v34 =	vmul.f32 v55, v18  }
0x248: {  	v35 =	vmul.u32 $0x21, v39;
	v15 =	vmul.f32 v56, v20;
	v40 =	vmul.f32 v57, v21  }
0x249: {  	v41 =	vmul.f32 v60, v6;
	v5 =	vmul.f32 v5, v7  }
0x24a: {  	v42 =	vadd.s32 v38, v35;
	v16 =	vadd.f32 v63, v62;
	v17 =	vadd.f32 v34, v33  }
0x24b: {  	v7 =	vmul.u32 $0x21, v42;
	v15 =	vadd.f32 v40, v15;
	v5 =	vadd.f32 v5, v41  }
0x24c: {  	v43 =	vadd.s32 v37, v0  }
0x24d: {  	v6 =	vadd.s32 v7, v43;
	v44 =	vadd.f32 v17, v16;
	v5 =	vadd.f32 v5, v15  }
0x24e: {  	v16 =	vadd.s32 $0x1, v6  }
0x24f: {  	v47 =	vcvt.s32.f32 v39;
	v5 =	vadd.f32 v5, v44  }
0x250: {  	v45 =	vcvt.s32.f32 v37;
	v46 =	vcvt.s32.f32 v38;
	v15 =	vadd.s32 $0x2, v6  }
0x251: {  	v18 =	vsub.f32 v32, v47;
	[tilespmem:s5+$0x1D600] =	vst v5  }
0x252: {  	v48 =	vsub.f32 v25, v45;
	v17 =	vsub.f32 v31, v46;
	v5 =	vld.idx.msk [tilespmem:v6+s4+$0x0], $0xffff  }
0x253: {  	v53 =	vsub.f32 $1.000000000e+00, v18;
	v51 =	vld.idx.msk [tilespmem:v16+s4+$0x0], $0xffff  }
0x254: {  	v49 =	vsub.f32 $1.000000000e+00, v48;
	v31 =	vadd.s32 $0x3, v6;
	v50 =	vmul.f32 v18, v17;
	v54 =	vld.idx.msk [tilespmem:v16+s24+$0x0], $0xffff  }
0x255: {  	v52 =	vsub.f32 $1.000000000e+00, v17;
	v17 =	vmul.f32 v53, v17;
	v55 =	vld.idx.msk [tilespmem:v15+s24+$0x0], $0xffff  }
0x256: {  	v32 =	vmul.f32 v50, v49;
	v20 =	vmul.f32 v50, v48;
	v57 =	vld.idx.msk [tilespmem:v16+s25+$0x0], $0xffff  }
0x257: {  	v56 =	vmul.f32 v53, v52;
	v18 =	vmul.f32 v52, v18;
	v58 =	vld.idx.msk [tilespmem:v15+s25+$0x0], $0xffff  }
0x258: {  	v37 =	vmul.f32 v17, v49;
	v17 =	vmul.f32 v17, v48;
	v59 =	vld.idx.msk [tilespmem:v15+s26+$0x0], $0xffff  }
0x259: {  	v60 =	vld.idx.msk [tilespmem:v31+s26+$0x0], $0xffff;
	v24 =	vmul.f32 v56, v49;
	v34 =	vmul.f32 v56, v48  }
0x25a: {  	v19 =	vmul.f32 v18, v49;
	v7 =	vmul.f32 v18, v48  }
0x25b: {  	v5 =	vmul.f32 v24, v5;
	v61 =	vmul.f32 v34, v51  }
0x25c: {  	v62 =	vmul.f32 v37, v54;
	v63 =	vmul.f32 v17, v55  }
0x25d: {  	v40 =	vmul.f32 v19, v57;
	v22 =	vmul.f32 v7, v58  }
0x25e: {  	v41 =	vmul.f32 v59, v32;
	v42 =	vmul.f32 v60, v20  }
0x25f: {  	v5 =	vadd.f32 v61, v5;
	v43 =	vadd.f32 v63, v62  }
0x260: {  	v44 =	vadd.f32 v22, v40;
	v45 =	vadd.f32 v42, v41;
	_ =	sdelay $0x1  }
0x261: {  	v5 =	vadd.f32 v43, v5;
	v46 =	vadd.f32 v45, v44;
	_ =	sdelay $0x1  }
0x262: {  	v47 =	vld.idx.msk [tilespmem:v14+s30+$0x0], $0xffff;
	v5 =	vadd.f32 v46, v5  }
0x263: {  	v48 =	vld.idx.msk [tilespmem:v14+s31+$0x0], $0xffff  }
0x264: {  	v49 =	vld.idx.msk [tilespmem:v23+s31+$0x0], $0xffff;
	[tilespmem:s5+$0x1CE80] =	vst v5  }
0x265: {  	v5 =	vld.idx.msk [tilespmem:v16+s28+$0x0], $0xffff  }
0x266: {  	v26 =	vmul.f32 v26, v9;
	v28 =	vmul.f32 v28, v11;
	v52 =	vld.idx.msk [tilespmem:v15+s28+$0x0], $0xffff  }
0x267: {  	v30 =	vmul.f32 v30, v10;
	v21 =	vmul.f32 v47, v12;
	v54 =	vadd.s32 $0x4, v6;
	v53 =	vld.idx.msk [tilespmem:v15+s29+$0x0], $0xffff  }
0x268: {  	v50 =	vmul.f32 v27, v4;
	v51 =	vmul.f32 v29, v8;
	v55 =	vld.idx.msk [tilespmem:v31+s29+$0x0], $0xffff  }
0x269: {  	v18 =	vmul.f32 v48, v1;
	v22 =	vmul.f32 v49, v2;
	v56 =	vld.idx.msk [tilespmem:v15+s30+$0x0], $0xffff  }
0x26a: {  	v21 =	vadd.f32 v21, v30;
	v57 =	vadd.f32 v28, v26;
	v58 =	vld.idx.msk [tilespmem:v31+s30+$0x0], $0xffff  }
0x26b: {  	v18 =	vadd.f32 v22, v18;
	v16 =	vadd.f32 v51, v50;
	v59 =	vld.idx.msk [tilespmem:v31+s31+$0x0], $0xffff  }
0x26c: {  	v60 =	vld.idx.msk [tilespmem:v54+s31+$0x0], $0xffff  }
0x26d: {  	v18 =	vadd.f32 v18, v21;
	v16 =	vadd.f32 v57, v16  }
0x26e: {  	v5 =	vmul.f32 v5, v24;
	v61 =	vmul.f32 v52, v34  }
0x26f: {  	v16 =	vadd.f32 v18, v16;
	v62 =	vmul.f32 v53, v37;
	v63 =	vmul.f32 v55, v17  }
0x270: {  	v30 =	vmul.f32 v56, v19;
	v26 =	vmul.f32 v58, v7  }
0x271: {  	v35 =	vmul.f32 v59, v32;
	v36 =	vmul.f32 v60, v20;
	[tilespmem:s6+$0x1D280] =	vst v16  }
0x272: {  	v13 =	vld.idx.msk [tilespmem:v13+s1+$0x0], $0xffff;
	v5 =	vadd.f32 v61, v5;
	v18 =	vadd.f32 v63, v62  }
0x273: {  	v38 =	vld.idx.msk [tilespmem:v14+s1+$0x0], $0xffff;
	v39 =	vadd.f32 v26, v30;
	v16 =	vadd.f32 v36, v35  }
0x274: {  	v3 =	vadd.s32 $0x5, v3;
	v40 =	vld.idx.msk [tilespmem:v14+s0+$0x0], $0xffff  }
0x275: {  	v41 =	vld.idx.msk [tilespmem:v23+s0+$0x0], $0xffff;
	v5 =	vadd.f32 v18, v5;
	v16 =	vadd.f32 v16, v39  }
0x276: {  	v42 =	vld.idx.msk [tilespmem:v14+s16+$0x0], $0xffff  }
0x277: {  	v43 =	vld.idx.msk [tilespmem:v23+s16+$0x0], $0xffff;
	v5 =	vadd.f32 v16, v5  }
0x278: {  	v44 =	vld.idx.msk [tilespmem:v23+s17+$0x0], $0xffff  }
0x279: {  	v3 =	vld.idx.msk [tilespmem:v3+s17+$0x0], $0xffff;
	[tilespmem:s5+$0x1D280] =	vst v5  }
0x27a: {  	v5 =	vld.idx.msk [tilespmem:v15+s1+$0x0], $0xffff  }
0x27b: {  	v45 =	vld.idx.msk [tilespmem:v31+s1+$0x0], $0xffff  }
0x27c: {  	v6 =	vadd.s32 $0x5, v6;
	v46 =	vld.idx.msk [tilespmem:v31+s0+$0x0], $0xffff  }
0x27d: {  	v47 =	vld.idx.msk [tilespmem:v54+s0+$0x0], $0xffff  }
0x27e: {  	v48 =	vld.idx.msk [tilespmem:v31+s16+$0x0], $0xffff  }
0x27f: {  	v49 =	vmul.f32 v13, v4;
	v50 =	vmul.f32 v38, v8;
	v51 =	vld.idx.msk [tilespmem:v54+s16+$0x0], $0xffff  }
0x280: {  	v52 =	vmul.f32 v40, v9;
	v53 =	vmul.f32 v41, v11;
	v54 =	vld.idx.msk [tilespmem:v54+s17+$0x0], $0xffff  }
0x281: {  	v55 =	vmul.f32 v42, v10;
	v56 =	vmul.f32 v43, v12;
	v6 =	vld.idx.msk [tilespmem:v6+s17+$0x0], $0xffff  }
0x282: {  	v1 =	vmul.f32 v44, v1;
	v2 =	vmul.f32 v3, v2  }
0x283: {  	v3 =	vadd.f32 v50, v49;
	v57 =	vmul.f32 v5, v24;
	v58 =	vmul.f32 v45, v34  }
0x284: {  	v59 =	vadd.f32 v53, v52;
	v60 =	vmul.f32 v46, v37;
	v61 =	vmul.f32 v47, v17  }
0x285: {  	v10 =	vadd.f32 v56, v55;
	v62 =	vmul.f32 v48, v19;
	v7 =	vmul.f32 v51, v7  }
0x286: {  	v1 =	vadd.f32 v2, v1;
	v2 =	vmul.f32 v54, v32;
	v6 =	vmul.f32 v6, v20  }
0x287: {  	v4 =	vadd.f32 v58, v57;
	v63 =	vadd.f32 v61, v60  }
0x288: {  	v7 =	vadd.f32 v7, v62;
	v2 =	vadd.f32 v6, v2  }
0x289: {  	v3 =	vadd.f32 v59, v3;
	v1 =	vadd.f32 v1, v10  }
0x28a: {  	v4 =	vadd.f32 v63, v4;
	v2 =	vadd.f32 v2, v7  }
0x28b: {  	v1 =	vadd.f32 v1, v3  }
0x28c: {  	v2 =	vadd.f32 v2, v4  }
0x28d: {  	[tilespmem:s6+$0x1D680] =	vst v1  }
0x28e: {  	[tilespmem:s5+$0x1D680] =	vst v2  }
0x28f: {  	s20 =	sadd.s32 $0x1, s20;
	s2 =	rddreg [dreg:$0xc]  }
0x290: {  	s3 =	simm.s32 $0x1CE00;
	p0 =	sne.s32 s20, $0x20;
	s2 =	sadd.s32 s21, s2  }
0x291: {  	[hbm4b:s2+s14] =	stream.strided.scatter [tilespmem:s3], [sflag:$0x3], $0x400, s15, s14, $0x38;
	[tilespmem:$0x1DA00] =	vst v63  }
.Ltmp2:
0x292: {  	s10 =	rddreg [dreg:$0xd];
	(pc) =	sbr.rel @p0 .LBB2_2-.Ltmp2, $4  }
0x293: {  	s13 =	simm.s32 $0x1D200;
	s18 =	rddreg [dreg:$0xe];
	s2 =	sadd.s32 s21, s10  }
0x294: {  	[hbm4b:s2+s14] =	stream.strided.scatter [tilespmem:s13], [sflag:$0x3], $0x400, s15, s14, $0x38;
	[tilespmem:$0x1DA00] =	vst v63  }
0x295: {  	s22 =	simm.s32 $0x1D600;
	s2 =	sadd.s32 s21, s18  }
0x296: {  	[hbm4b:s2+s14] =	stream.strided.scatter [tilespmem:s22], [sflag:$0x3], $0x400, s15, s14, $0x38;
	[tilespmem:$0x1DA00] =	vst v63  }
0x297: {  	s3 =	simm.s32 $0x3  }
0x298: {  	_ =	swait.ge [sflag:s3], $0x400  }
0x299: {  	[sflag:s3] =	ssyncset.done $0x0  }
0x29a: {  	[sflag:s3] =	ssyncadd.s32 $0xFFFFFC00  }
0x29b: {  	_ =	swait.ge [sflag:s3], $0x400  }
0x29c: {  	[sflag:s3] =	ssyncset.done $0x0  }
0x29d: {  	[sflag:s3] =	ssyncadd.s32 $0xFFFFFC00  }
0x29e: {  	_ =	swait.ge [sflag:s3], $0x400  }
0x29f: {  	[sflag:s3] =	ssyncset.done $0x0  }
0x2a0: {  	[sflag:s3] =	ssyncadd.s32 $0xFFFFFC00  }
0x2a1: {  	_ =	swait.ge [sflag:s3], $0x400  }
0x2a2: {  	[sflag:s3] =	ssyncset.done $0x0  }
0x2a3: {  	[sflag:s3] =	ssyncadd.s32 $0xFFFFFC00  }
0x2a4: {  	_ =	swait.ge [sflag:s3], $0x400  }
0x2a5: {  	[sflag:s3] =	ssyncset.done $0x0  }
0x2a6: {  	[sflag:s3] =	ssyncadd.s32 $0xFFFFFC00  }
0x2a7: {  	_ =	swait.ge [sflag:s3], $0x400  }
0x2a8: {  	s5 =	rddreg [dreg:$0xb]  }
0x2a9: {  	s2 =	rddreg [dreg:$0xa];
	s5 =	sadd.s32 $0x1, s5  }
0x2aa: {  	p0 =	sne.s32 s5, s2  }
.Ltmp3:
0x2ab: {  	_ = 	snop;
	(pc) =	sbr.rel @p0 .LBB2_1-.Ltmp3, $3  }
0x2ac: {  	_ =	sdelay $0x1  }
0x2ad: {  	[sflag:s3] =	ssyncset.done $0x0  }
0x2ae: {  	[sflag:s3] =	ssyncadd.s32 $0xFFFFFC00  }
0x2af: {  	_ =	sfence.sel $0x180000  }
0x2b0: {  	[bflag:$0x0] =	sbarrier.arrive $0xFFFF  }
0x2b1: {  	_ =	strace $0x90000047  }
0x2b2: {  	s0 =	stileid.u32;
	[bflag:$0x2] =	sbarrier.arrive $0xFFFF  }
0x2b3: {  	p0 =	sne.s32 s0, $0x0;
	s0 =	rddreg [dreg:$0x3]  }
0x2b4: {  	s0 =	sadd.s32 @!p0 $0x100000, s0  }
0x2b5: {  	[sflag:s0] =	ssyncadd.tile.s32 @!p0 $0x1;
	_ =	shalt  }
.Lfunc_end2:
_tile_overlayer_lowered:
.L_overlay_start_2:
0x2b6: {  	(tag) =	ssettag $0x2  }
0x2b7: {  	s0 =	rddreg [dreg:$0x0];
	s2 =	stileid.u32  }
0x2b8: {  	s1 =	rddreg [dreg:$0x1];
	p0 =	sne.s32 s2, $0x0  }
0x2b9: {  	s3 =	rddreg [dreg:$0x2];
	[bflag:$0x3] =	sbarrier.arrive $0xFFFF;
	s2 =	simm.s32 @!p0 $0x1C04  }
0x2ba: {  	[timem:s3], [sflag:s2] =	dma.local @!p0 [hbm:s0], s1  }
0x2bb: {  	s0 =	simm.s32 @!p0 $0x4  }
0x2bc: {  	_ =	swait.ge @!p0 [sflag:s0], s1  }
0x2bd: {  	s1 =	ssub.s32 @!p0 $0x0, s1;
	[sflag:s0] =	ssyncset.done @!p0 $0x0  }
0x2be: {  	[sflag:s0] =	ssyncadd.s32 @!p0 s1  }
0x2bf: {  	[bflag:$0x3] =	sbarrier.arrive $0xFFFF  }
0x2c0: {  	_ =	shalt  }

</sc_bundles>
